<compile_context>
chip_gen: v7x
topology: tpu7x:2x2x1
jax: 0.10.2.dev20260603
libtpu: 0.0.44.dev20260713+nightly
codegen_flags: <defaults>
</compile_context>

<pallas_src>
import functools

import jax
import jax.numpy as jnp
from jax import lax
from jax.experimental import pallas as pl
from jax.experimental.pallas import tpu as pltpu
from jax.experimental.pallas import tpu_sc as plsc

_B, _S, _E, _NCLS = 128, 2048, 768, 10
_EVAL_POS = 1024
_NT = _NCLS + 1
_NP = _NT * _NT
_K = 32
_NBUF = 4
_REPS = 1


def _build(nc, ns):
    nw = nc * ns
    rows_w = (_B * _S) // nw
    pairs_w = rows_w // 2
    ppr = _S // 2
    cpr = ppr // _K
    brows = rows_w // _S
    tcr = (_EVAL_POS // 2) // _K
    ntrain = brows * tcr
    ntest = brows * (cpr - tcr)

    mesh = plsc.VectorSubcoreMesh(core_axis_name="c", subcore_axis_name="s")

    @functools.partial(
        pl.kernel,
        mesh=mesh,
        out_type=jax.ShapeDtypeStruct((_B, _S, _E), jnp.float16),
        scratch_types=(
            [pltpu.VMEM((pairs_w,), jnp.int32), pltpu.VMEM((16,), jnp.int32),
             pltpu.VMEM((_K,), jnp.int32)]
            + [pltpu.VMEM((_K, _E), jnp.int32) for _ in range(_NBUF + 1)]
            + [pltpu.SemaphoreType.DMA for _ in range(3 * _NBUF)]
        ),
    )
    def run(pp_hbm, ep_hbm, ptable_hbm, out_hbm, idx_v, ep_v, midx_v,
            b0, b1, b2, b3, mbuf,
            g0, g1, g2, g3, w0, w1, w2, w3, t0, t1, t2, t3):
        bufs = (b0, b1, b2, b3)
        gsems = (g0, g1, g2, g3)
        wsems = (w0, w1, w2, w3)
        tsems = (t0, t1, t2, t3)

        wid = lax.axis_index("s") * nc + lax.axis_index("c")
        base_p = wid * pairs_w
        base_b = wid * brows

        pltpu.sync_copy(pp_hbm.at[pl.ds(base_p, pairs_w)], idx_v)
        pltpu.sync_copy(ep_hbm, ep_v)
        epv = ep_v[...]
        iota = lax.iota(jnp.int32, 16)
        selbase = wid * _REPS
        ntv = jnp.full((16,), _NT, dtype=jnp.int32)

        def ixbody(i, carry):
            off = i * 16
            sp = lax.rem(off + iota, ppr)
            pp = idx_v[pl.ds(off, 16)]
            a = jnp.where(2 * sp < epv, lax.div(pp, ntv), _NCLS)
            b = jnp.where(2 * sp + 1 < epv, lax.rem(pp, ntv), _NCLS)
            sel = (selbase + lax.rem(i, _REPS)) * _NP
            idx_v[pl.ds(off, 16)] = a * _NT + b + sel
            return carry

        lax.fori_loop(0, pairs_w // 16, ixbody, 0)

        mrow = iota * 0 + (selbase * _NP + _NP - 1)
        for q in range(_K // 16):
            midx_v[pl.ds(q * 16, 16)] = mrow
        pltpu.async_copy(ptable_hbm.at[midx_v], mbuf, g0)
        pltpu.make_async_copy(ptable_hbm.at[midx_v], mbuf, g0).wait()

        def gissue(c, b):
            r = c // tcr
            off = (c % tcr) * _K
            pltpu.async_copy(
                ptable_hbm.at[idx_v.at[pl.ds(r * ppr + off, _K)]],
                bufs[b], gsems[b])

        def gwait(b):
            pltpu.make_async_copy(
                ptable_hbm.at[idx_v.at[pl.ds(0, _K)]], bufs[b],
                gsems[b]).wait()

        out_i32 = out_hbm.bitcast(jnp.int32)

        def wissue(c, b):
            pltpu.async_copy(
                bufs[b],
                out_i32.at[base_b + c // tcr, pl.ds((c % tcr) * _K, _K)],
                wsems[b])

        def wwait(b):
            pltpu.make_async_copy(
                bufs[b], out_i32.at[base_b, pl.ds(0, _K)], wsems[b]).wait()

        nte = cpr - tcr

        def tissue(c, b):
            r = c // nte
            off = (tcr + c % nte) * _K
            pltpu.async_copy(
                mbuf, out_i32.at[base_b + r, pl.ds(off, _K)], tsems[b])

        def twait(b):
            pltpu.make_async_copy(
                mbuf, out_i32.at[base_b, pl.ds(0, _K)], tsems[b]).wait()

        for b in range(_NBUF):
            gissue(b, b)
            tissue(b, b)

        def body(j, carry):
            c0 = _NBUF * j
            for b in range(_NBUF):
                gwait(b)
                wissue(c0 + b, b)
            for b in range(_NBUF):
                twait(b)
                tissue(c0 + _NBUF + b, b)
            for b in range(_NBUF):
                wwait(b)
                gissue(c0 + _NBUF + b, b)
            return carry

        lax.fori_loop(0, ntrain // _NBUF - 1, body, 0)

        c0 = ntrain - _NBUF
        for b in range(_NBUF):
            gwait(b)
            wissue(c0 + b, b)
        for b in range(_NBUF):
            wwait(b)
            twait(b)

    return run


def kernel(data, eval_pos, y_embedding, y_mask):
    info = plsc.get_sparse_core_info()
    nw = info.num_cores * info.num_subcores
    run = _build(info.num_cores, info.num_subcores)

    table = jnp.concatenate([y_embedding, y_mask], axis=0).astype(jnp.float16)
    u = lax.bitcast_convert_type(table, jnp.uint16).astype(jnp.uint32)
    pt = u[:, None, :] | (u[None, :, :] << 16)
    pt = lax.bitcast_convert_type(pt.reshape(_NP, _E), jnp.int32)
    pt = jnp.tile(pt, (nw * _REPS, 1))

    d = data.astype(jnp.int32)
    pp = (d[:, 0::2] * _NT + d[:, 1::2]).reshape(-1)
    ep = jnp.full((16,), eval_pos, dtype=jnp.int32)

    return run(pp, ep, pt)

# --- scband reference (transcript-rebuilt; emitter-appended) ---
"""Pipeline reference for scband-emb-yencoder-step-17489106830033 (READ-ONLY COPY).

The authoritative reference and input builder live on the scoring server;
editing this copy changes nothing except your own understanding.
"""

import jax, jax.numpy as jnp
import numpy as np

B, S, EMSIZE, N_CLASSES, EVAL_POS = 128, 2048, 768, 10, 1024


def _orthogonal_rows(key, rows, cols):
    # mimic torch.nn.init.orthogonal_ for a (rows, cols) matrix with rows <= cols
    m = jax.random.normal(key, (cols, rows), dtype=jnp.float32)
    q, r = jnp.linalg.qr(m)
    # sign correction as in torch orthogonal_
    d = jnp.sign(jnp.diagonal(r))
    q = q * d[None, :]
    return q.T  # (rows, cols), orthonormal rows


def setup_inputs(seed: int = 0) -> dict:
    key = jax.random.key(seed)
    k1, k2 = jax.random.split(key, 2)
    data = jax.random.randint(k1, (B, S), 0, N_CLASSES).astype(jnp.int32)
    ortho = _orthogonal_rows(k2, N_CLASSES + 1, EMSIZE)
    y_embedding = ortho[:N_CLASSES, :]          # (10, 768)
    y_mask = ortho[N_CLASSES:N_CLASSES + 1, :]  # (1, 768)
    return {"data": data, "eval_pos": EVAL_POS, "y_embedding": y_embedding, "y_mask": y_mask}


def reference(data, eval_pos, y_embedding, y_mask):
    y = data.astype(jnp.int32)
    seq_len = y.shape[1]
    positions = jnp.arange(seq_len)
    is_train = positions < eval_pos                         # (S,) bool, consumes eval_pos
    y_train_emb = jnp.take(y_embedding, y, axis=0).astype(jnp.float16)
    y_test_emb = jnp.take(y_mask, jnp.zeros_like(y), axis=0).astype(jnp.float16)
    y_emb = jnp.where(is_train[None, :, None], y_train_emb, y_test_emb)  # (B, S, EMSIZE) fp16
    return y_emb

if __name__ == "__main__":
    import jax
    _d = setup_inputs()
    print(jax.jit(kernel)(*tuple(_d.values())))

</pallas_src>

<mosaic_0001>
#map = affine_map<(d0, d1) -> (0)>
#map1 = affine_map<(d0, d1) -> (0, 0)>
#map2 = affine_map<(d0, d1) -> (0, 0, 0)>
module attributes {stable_mosaic.version = 14 : i64} {
  func.func @run(%arg0: i32, %arg1: i32, %arg2: memref<131072xi32, #tpu.memory_space<hbm>>, %arg3: memref<16xi32, #tpu.memory_space<hbm>>, %arg4: memref<3872x768xi32, #tpu.memory_space<hbm>>, %arg5: memref<128x2048x768xf16, #tpu.memory_space<hbm>>, %arg6: memref<4096xi32, #tpu.memory_space<vmem>>, %arg7: memref<16xi32, #tpu.memory_space<vmem>>, %arg8: memref<32xi32, #tpu.memory_space<vmem>>, %arg9: memref<32x768xi32, #tpu.memory_space<vmem>>, %arg10: memref<32x768xi32, #tpu.memory_space<vmem>>, %arg11: memref<32x768xi32, #tpu.memory_space<vmem>>, %arg12: memref<32x768xi32, #tpu.memory_space<vmem>>, %arg13: memref<32x768xi32, #tpu.memory_space<vmem>>, %arg14: memref<!tpu.dma_semaphore, #tpu.memory_space<semaphore_mem>>, %arg15: memref<!tpu.dma_semaphore, #tpu.memory_space<semaphore_mem>>, %arg16: memref<!tpu.dma_semaphore, #tpu.memory_space<semaphore_mem>>, %arg17: memref<!tpu.dma_semaphore, #tpu.memory_space<semaphore_mem>>, %arg18: memref<!tpu.dma_semaphore, #tpu.memory_space<semaphore_mem>>, %arg19: memref<!tpu.dma_semaphore, #tpu.memory_space<semaphore_mem>>, %arg20: memref<!tpu.dma_semaphore, #tpu.memory_space<semaphore_mem>>, %arg21: memref<!tpu.dma_semaphore, #tpu.memory_space<semaphore_mem>>, %arg22: memref<!tpu.dma_semaphore, #tpu.memory_space<semaphore_mem>>, %arg23: memref<!tpu.dma_semaphore, #tpu.memory_space<semaphore_mem>>, %arg24: memref<!tpu.dma_semaphore, #tpu.memory_space<semaphore_mem>>, %arg25: memref<!tpu.dma_semaphore, #tpu.memory_space<semaphore_mem>>) attributes {dimension_semantics = [#tpu.dimension_semantics<core_parallel>, #tpu.dimension_semantics<subcore_parallel>], iteration_bounds = array<i64: 2, 16>, scalar_prefetch = 0 : i64, scratch_operands = 20 : i64, tpu.core_type = #tpu.core_type<sc_vector_subcore>, window_params = [{transform_indices = #map}, {transform_indices = #map}, {transform_indices = #map1}, {transform_indices = #map2}]} {
    %mul3A = arith.constant 2 : i32
    %mul3A_0 = arith.muli %arg1, %mul3A : i32
    %add3A = arith.addi %mul3A_0, %arg0 : i32
    %mul3A_1 = arith.constant 4096 : i32
    %mul3A_2 = arith.muli %add3A, %mul3A_1 : i32
    %mul3A_3 = arith.constant 4 : i32
    %mul3A_4 = arith.muli %add3A, %mul3A_3 : i32
    "tpu.region"() ({
      %run_scoped3A = tpu.sem_alloc : memref<!tpu.dma_semaphore, #tpu.memory_space<semaphore_mem>>
      %dma_start3A_258 = tpu.memref_slice %arg2[%mul3A_2] : memref<131072xi32, #tpu.memory_space<hbm>> -> memref<4096xi32, #tpu.memory_space<hbm>>
      %dma_start3A_259 = tpu.memref_slice %arg2[%mul3A_2] : memref<131072xi32, #tpu.memory_space<hbm>> -> memref<4096xi32, #tpu.memory_space<hbm>>
      tpu.enqueue_dma source(%dma_start3A_259 : memref<4096xi32, #tpu.memory_space<hbm>>) target(%arg6 : memref<4096xi32, #tpu.memory_space<vmem>>) target_semaphore(%run_scoped3A : memref<!tpu.dma_semaphore, #tpu.memory_space<semaphore_mem>>)
      %dma_wait3A_260 = tpu.memref_slice %arg2[%mul3A_2] : memref<131072xi32, #tpu.memory_space<hbm>> -> memref<4096xi32, #tpu.memory_space<hbm>>
      %dma_wait3A_261 = tpu.memref_slice %arg2[%mul3A_2] : memref<131072xi32, #tpu.memory_space<hbm>> -> memref<4096xi32, #tpu.memory_space<hbm>>
      tpu.wait_dma2 semaphore(%run_scoped3A : memref<!tpu.dma_semaphore, #tpu.memory_space<semaphore_mem>>) src(%dma_wait3A_261 : memref<4096xi32, #tpu.memory_space<hbm>>) dst(%arg6 : memref<4096xi32, #tpu.memory_space<vmem>>)
      tpu.yield
    }) : () -> ()
    "tpu.region"() ({
      %run_scoped3A = tpu.sem_alloc : memref<!tpu.dma_semaphore, #tpu.memory_space<semaphore_mem>>
      tpu.enqueue_dma source(%arg3 : memref<16xi32, #tpu.memory_space<hbm>>) target(%arg7 : memref<16xi32, #tpu.memory_space<vmem>>) target_semaphore(%run_scoped3A : memref<!tpu.dma_semaphore, #tpu.memory_space<semaphore_mem>>)
      tpu.wait_dma2 semaphore(%run_scoped3A : memref<!tpu.dma_semaphore, #tpu.memory_space<semaphore_mem>>) src(%arg3 : memref<16xi32, #tpu.memory_space<hbm>>) dst(%arg7 : memref<16xi32, #tpu.memory_space<vmem>>)
      tpu.yield
    }) : () -> ()
    %get3A = arith.constant 0 : index
    %get3A_5 = tpu.vector_load %arg7[%get3A] {strides = array<i32>} : memref<16xi32, #tpu.memory_space<vmem>>, vector<16xi32>,
    %get3A_6 = vector.shape_cast %get3A_5 : vector<16xi32> to vector<16xi32>
    %iota3A = tpu.iota {dimensions = array<i32: 0>} : vector<16xi32>
    %mul3A_7 = arith.constant 1 : i32
    %mul3A_8 = arith.muli %add3A, %mul3A_7 : i32
    %broadcast_in_dim3A = arith.constant 11 : i32
    %broadcast_in_dim3A_9 = vector.broadcast %broadcast_in_dim3A : i32 to vector<16xi32>
    %scan3A = arith.constant 0 : i32
    %scan3A_10 = arith.constant 0 : i32
    %scan3A_11 = arith.constant 256 : i32
    %scan3A_12 = arith.addi %scan3A_10, %scan3A_11 : i32
    %scan3A_13 = arith.constant 1 : i32
    scf.for %scan3A_258 = %scan3A_10 to %scan3A_12 step %scan3A_13  : i32 {
      %mul3A_259 = arith.constant 16 : i32
      %mul3A_260 = arith.muli %scan3A_258, %mul3A_259 : i32
      %add3A_261 = vector.broadcast %mul3A_260 : i32 to vector<16xi32>
      %add3A_262 = arith.addi %add3A_261, %iota3A : vector<16xi32>
      %rem3A = arith.constant 1024 : i32
      %rem3A_263 = vector.broadcast %rem3A : i32 to vector<16xi32>
      %rem3A_264 = arith.remsi %add3A_262, %rem3A_263 : vector<16xi32>
      %get3A_265 = arith.index_cast %mul3A_260 : i32 to index
      %get3A_266 = tpu.vector_load %arg6[%get3A_265] {strides = array<i32>} : memref<4096xi32, #tpu.memory_space<vmem>>, vector<16xi32>,
      %get3A_267 = vector.shape_cast %get3A_266 : vector<16xi32> to vector<16xi32>
      %mul3A_268 = arith.constant 2 : i32
      %mul3A_269 = vector.broadcast %mul3A_268 : i32 to vector<16xi32>
      %mul3A_270 = arith.muli %mul3A_269, %rem3A_264 : vector<16xi32>
      %lt3A = arith.cmpi slt, %mul3A_270, %get3A_6 : vector<16xi32>
      %div3A = arith.divsi %get3A_267, %broadcast_in_dim3A_9 : vector<16xi32>
      %jit3A = arith.constant 10 : i32
      %broadcast_in_dim3A_271 = vector.broadcast %jit3A : i32 to vector<16xi32>
      %select_n3A = arith.select %lt3A, %div3A, %broadcast_in_dim3A_271 : vector<16xi1>, vector<16xi32>
      %mul3A_272 = arith.constant 2 : i32
      %mul3A_273 = vector.broadcast %mul3A_272 : i32 to vector<16xi32>
      %mul3A_274 = arith.muli %mul3A_273, %rem3A_264 : vector<16xi32>
      %add3A_275 = arith.constant 1 : i32
      %add3A_276 = vector.broadcast %add3A_275 : i32 to vector<16xi32>
      %add3A_277 = arith.addi %mul3A_274, %add3A_276 : vector<16xi32>
      %lt3A_278 = arith.cmpi slt, %add3A_277, %get3A_6 : vector<16xi32>
      %rem3A_279 = arith.remsi %get3A_267, %broadcast_in_dim3A_9 : vector<16xi32>
      %jit3A_280 = arith.constant 10 : i32
      %broadcast_in_dim3A_281 = vector.broadcast %jit3A_280 : i32 to vector<16xi32>
      %select_n3A_282 = arith.select %lt3A_278, %rem3A_279, %broadcast_in_dim3A_281 : vector<16xi1>, vector<16xi32>
      %rem3A_283 = arith.constant 1 : i32
      %rem3A_284 = arith.remsi %scan3A_258, %rem3A_283 : i32
      %add3A_285 = arith.addi %mul3A_8, %rem3A_284 : i32
      %mul3A_286 = arith.constant 121 : i32
      %mul3A_287 = arith.muli %add3A_285, %mul3A_286 : i32
      %mul3A_288 = arith.constant 11 : i32
      %mul3A_289 = vector.broadcast %mul3A_288 : i32 to vector<16xi32>
      %mul3A_290 = arith.muli %select_n3A, %mul3A_289 : vector<16xi32>
      %add3A_291 = arith.addi %mul3A_290, %select_n3A_282 : vector<16xi32>
      %add3A_292 = vector.broadcast %mul3A_287 : i32 to vector<16xi32>
      %add3A_293 = arith.addi %add3A_291, %add3A_292 : vector<16xi32>
      %swap3A_294 = arith.index_cast %mul3A_260 : i32 to index
      %swap3A_295 = tpu.vector_load %arg6[%swap3A_294] {strides = array<i32>} : memref<4096xi32, #tpu.memory_space<vmem>>, vector<16xi32>,
      %swap3A_296 = vector.shape_cast %swap3A_295 : vector<16xi32> to vector<16xi32>
      %swap3A_297 = vector.shape_cast %add3A_293 : vector<16xi32> to vector<16xi32>
      tpu.vector_store %arg6[%swap3A_294], %swap3A_297 {strides = array<i32>} : memref<4096xi32, #tpu.memory_space<vmem>>, vector<16xi32>,
    }
    %scan3A_14 = arith.constant 256 : i32
    %mul3A_15 = arith.constant 0 : i32
    %mul3A_16 = vector.broadcast %mul3A_15 : i32 to vector<16xi32>
    %mul3A_17 = arith.muli %iota3A, %mul3A_16 : vector<16xi32>
    %mul3A_18 = arith.constant 121 : i32
    %mul3A_19 = arith.muli %mul3A_8, %mul3A_18 : i32
    %add3A_20 = arith.constant 121 : i32
    %add3A_21 = arith.addi %mul3A_19, %add3A_20 : i32
    %sub3A = arith.constant 1 : i32
    %sub3A_22 = arith.subi %add3A_21, %sub3A : i32
    %add3A_23 = vector.broadcast %sub3A_22 : i32 to vector<16xi32>
    %add3A_24 = arith.addi %mul3A_17, %add3A_23 : vector<16xi32>
    %swap3A = arith.constant 0 : index
    %swap3A_25 = tpu.vector_load %arg8[%swap3A] {strides = array<i32>} : memref<32xi32, #tpu.memory_space<vmem>>, vector<16xi32>,
    %swap3A_26 = vector.shape_cast %swap3A_25 : vector<16xi32> to vector<16xi32>
    %swap3A_27 = vector.shape_cast %add3A_24 : vector<16xi32> to vector<16xi32>
    tpu.vector_store %arg8[%swap3A], %swap3A_27 {strides = array<i32>} : memref<32xi32, #tpu.memory_space<vmem>>, vector<16xi32>,
    %swap3A_28 = arith.constant 16 : index
    %swap3A_29 = tpu.vector_load %arg8[%swap3A_28] {strides = array<i32>} : memref<32xi32, #tpu.memory_space<vmem>>, vector<16xi32>,
    %swap3A_30 = vector.shape_cast %swap3A_29 : vector<16xi32> to vector<16xi32>
    %swap3A_31 = vector.shape_cast %add3A_24 : vector<16xi32> to vector<16xi32>
    tpu.vector_store %arg8[%swap3A_28], %swap3A_31 {strides = array<i32>} : memref<32xi32, #tpu.memory_space<vmem>>, vector<16xi32>,
    %dma_start3A = arith.constant 0 : i32
    %dma_start3A_32 = arith.constant 0 : i32
    %dma_start3A_33 = tpu.memref_slice %arg4[%dma_start3A, %dma_start3A_32] : memref<3872x768xi32, #tpu.memory_space<hbm>> -> memref<3872x768xi32, #tpu.memory_space<hbm>>
    tpu.enqueue_indirect_dma source(%dma_start3A_33 : memref<3872x768xi32, #tpu.memory_space<hbm>>) target(%arg13 : memref<32x768xi32, #tpu.memory_space<vmem>>) offsets(%arg8 : memref<32xi32, #tpu.memory_space<vmem>>) semaphore(%arg14 : memref<!tpu.dma_semaphore, #tpu.memory_space<semaphore_mem>>)
    %dma_wait3A = arith.constant 0 : i32
    %dma_wait3A_34 = arith.constant 0 : i32
    %dma_wait3A_35 = tpu.memref_slice %arg4[%dma_wait3A, %dma_wait3A_34] : memref<3872x768xi32, #tpu.memory_space<hbm>> -> memref<3872x768xi32, #tpu.memory_space<hbm>>
    tpu.wait_indirect_dma semaphore(%arg14 : memref<!tpu.dma_semaphore, #tpu.memory_space<semaphore_mem>>) src(%dma_wait3A_35 : memref<3872x768xi32, #tpu.memory_space<hbm>>) dst(%arg13 : memref<32x768xi32, #tpu.memory_space<vmem>>)
    %dma_start3A_36 = arith.constant 0 : i32
    %dma_start3A_37 = tpu.memref_slice %arg6[%dma_start3A_36] : memref<4096xi32, #tpu.memory_space<vmem>> -> memref<32xi32, #tpu.memory_space<vmem>>
    %dma_start3A_38 = arith.constant 0 : i32
    %dma_start3A_39 = arith.constant 0 : i32
    %dma_start3A_40 = tpu.memref_slice %arg4[%dma_start3A_38, %dma_start3A_39] : memref<3872x768xi32, #tpu.memory_space<hbm>> -> memref<3872x768xi32, #tpu.memory_space<hbm>>
    tpu.enqueue_indirect_dma source(%dma_start3A_40 : memref<3872x768xi32, #tpu.memory_space<hbm>>) target(%arg9 : memref<32x768xi32, #tpu.memory_space<vmem>>) offsets(%dma_start3A_37 : memref<32xi32, #tpu.memory_space<vmem>>) semaphore(%arg14 : memref<!tpu.dma_semaphore, #tpu.memory_space<semaphore_mem>>)
    %add3A_41 = arith.constant 0 : i32
    %add3A_42 = arith.addi %mul3A_4, %add3A_41 : i32
    %dma_start3A_43 = tpu.memref_bitcast %arg5 : memref<128x2048x768xf16, #tpu.memory_space<hbm>> -> memref<128x1024x768xi32, #tpu.memory_space<hbm>>
    %dma_start3A_44 = arith.constant 512 : i32
    %dma_start3A_45 = arith.constant 0 : i32
    %dma_start3A_46 = tpu.memref_slice %dma_start3A_43[%add3A_42, %dma_start3A_44, %dma_start3A_45] : memref<128x1024x768xi32, #tpu.memory_space<hbm>> -> memref<1x32x768xi32, #tpu.memory_space<hbm>>
    %dma_start3A_47 = tpu.memref_squeeze %dma_start3A_46 : memref<1x32x768xi32, #tpu.memory_space<hbm>> -> memref<32x768xi32, #tpu.memory_space<hbm>>
    %dma_start3A_48 = tpu.memref_bitcast %arg5 : memref<128x2048x768xf16, #tpu.memory_space<hbm>> -> memref<128x1024x768xi32, #tpu.memory_space<hbm>>
    %dma_start3A_49 = arith.constant 512 : i32
    %dma_start3A_50 = arith.constant 0 : i32
    %dma_start3A_51 = tpu.memref_slice %dma_start3A_48[%add3A_42, %dma_start3A_49, %dma_start3A_50] : memref<128x1024x768xi32, #tpu.memory_space<hbm>> -> memref<1x32x768xi32, #tpu.memory_space<hbm>>
    %dma_start3A_52 = tpu.memref_squeeze %dma_start3A_51 : memref<1x32x768xi32, #tpu.memory_space<hbm>> -> memref<32x768xi32, #tpu.memory_space<hbm>>
    tpu.enqueue_dma source(%arg13 : memref<32x768xi32, #tpu.memory_space<vmem>>) target(%dma_start3A_52 : memref<32x768xi32, #tpu.memory_space<hbm>>) target_semaphore(%arg22 : memref<!tpu.dma_semaphore, #tpu.memory_space<semaphore_mem>>)
    %dma_start3A_53 = arith.constant 32 : i32
    %dma_start3A_54 = tpu.memref_slice %arg6[%dma_start3A_53] : memref<4096xi32, #tpu.memory_space<vmem>> -> memref<32xi32, #tpu.memory_space<vmem>>
    %dma_start3A_55 = arith.constant 0 : i32
    %dma_start3A_56 = arith.constant 0 : i32
    %dma_start3A_57 = tpu.memref_slice %arg4[%dma_start3A_55, %dma_start3A_56] : memref<3872x768xi32, #tpu.memory_space<hbm>> -> memref<3872x768xi32, #tpu.memory_space<hbm>>
    tpu.enqueue_indirect_dma source(%dma_start3A_57 : memref<3872x768xi32, #tpu.memory_space<hbm>>) target(%arg10 : memref<32x768xi32, #tpu.memory_space<vmem>>) offsets(%dma_start3A_54 : memref<32xi32, #tpu.memory_space<vmem>>) semaphore(%arg15 : memref<!tpu.dma_semaphore, #tpu.memory_space<semaphore_mem>>)
    %add3A_58 = arith.constant 0 : i32
    %add3A_59 = arith.addi %mul3A_4, %add3A_58 : i32
    %dma_start3A_60 = tpu.memref_bitcast %arg5 : memref<128x2048x768xf16, #tpu.memory_space<hbm>> -> memref<128x1024x768xi32, #tpu.memory_space<hbm>>
    %dma_start3A_61 = arith.constant 544 : i32
    %dma_start3A_62 = arith.constant 0 : i32
    %dma_start3A_63 = tpu.memref_slice %dma_start3A_60[%add3A_59, %dma_start3A_61, %dma_start3A_62] : memref<128x1024x768xi32, #tpu.memory_space<hbm>> -> memref<1x32x768xi32, #tpu.memory_space<hbm>>
    %dma_start3A_64 = tpu.memref_squeeze %dma_start3A_63 : memref<1x32x768xi32, #tpu.memory_space<hbm>> -> memref<32x768xi32, #tpu.memory_space<hbm>>
    %dma_start3A_65 = tpu.memref_bitcast %arg5 : memref<128x2048x768xf16, #tpu.memory_space<hbm>> -> memref<128x1024x768xi32, #tpu.memory_space<hbm>>
    %dma_start3A_66 = arith.constant 544 : i32
    %dma_start3A_67 = arith.constant 0 : i32
    %dma_start3A_68 = tpu.memref_slice %dma_start3A_65[%add3A_59, %dma_start3A_66, %dma_start3A_67] : memref<128x1024x768xi32, #tpu.memory_space<hbm>> -> memref<1x32x768xi32, #tpu.memory_space<hbm>>
    %dma_start3A_69 = tpu.memref_squeeze %dma_start3A_68 : memref<1x32x768xi32, #tpu.memory_space<hbm>> -> memref<32x768xi32, #tpu.memory_space<hbm>>
    tpu.enqueue_dma source(%arg13 : memref<32x768xi32, #tpu.memory_space<vmem>>) target(%dma_start3A_69 : memref<32x768xi32, #tpu.memory_space<hbm>>) target_semaphore(%arg23 : memref<!tpu.dma_semaphore, #tpu.memory_space<semaphore_mem>>)
    %dma_start3A_70 = arith.constant 64 : i32
    %dma_start3A_71 = tpu.memref_slice %arg6[%dma_start3A_70] : memref<4096xi32, #tpu.memory_space<vmem>> -> memref<32xi32, #tpu.memory_space<vmem>>
    %dma_start3A_72 = arith.constant 0 : i32
    %dma_start3A_73 = arith.constant 0 : i32
    %dma_start3A_74 = tpu.memref_slice %arg4[%dma_start3A_72, %dma_start3A_73] : memref<3872x768xi32, #tpu.memory_space<hbm>> -> memref<3872x768xi32, #tpu.memory_space<hbm>>
    tpu.enqueue_indirect_dma source(%dma_start3A_74 : memref<3872x768xi32, #tpu.memory_space<hbm>>) target(%arg11 : memref<32x768xi32, #tpu.memory_space<vmem>>) offsets(%dma_start3A_71 : memref<32xi32, #tpu.memory_space<vmem>>) semaphore(%arg16 : memref<!tpu.dma_semaphore, #tpu.memory_space<semaphore_mem>>)
    %add3A_75 = arith.constant 0 : i32
    %add3A_76 = arith.addi %mul3A_4, %add3A_75 : i32
    %dma_start3A_77 = tpu.memref_bitcast %arg5 : memref<128x2048x768xf16, #tpu.memory_space<hbm>> -> memref<128x1024x768xi32, #tpu.memory_space<hbm>>
    %dma_start3A_78 = arith.constant 576 : i32
    %dma_start3A_79 = arith.constant 0 : i32
    %dma_start3A_80 = tpu.memref_slice %dma_start3A_77[%add3A_76, %dma_start3A_78, %dma_start3A_79] : memref<128x1024x768xi32, #tpu.memory_space<hbm>> -> memref<1x32x768xi32, #tpu.memory_space<hbm>>
    %dma_start3A_81 = tpu.memref_squeeze %dma_start3A_80 : memref<1x32x768xi32, #tpu.memory_space<hbm>> -> memref<32x768xi32, #tpu.memory_space<hbm>>
    %dma_start3A_82 = tpu.memref_bitcast %arg5 : memref<128x2048x768xf16, #tpu.memory_space<hbm>> -> memref<128x1024x768xi32, #tpu.memory_space<hbm>>
    %dma_start3A_83 = arith.constant 576 : i32
    %dma_start3A_84 = arith.constant 0 : i32
    %dma_start3A_85 = tpu.memref_slice %dma_start3A_82[%add3A_76, %dma_start3A_83, %dma_start3A_84] : memref<128x1024x768xi32, #tpu.memory_space<hbm>> -> memref<1x32x768xi32, #tpu.memory_space<hbm>>
    %dma_start3A_86 = tpu.memref_squeeze %dma_start3A_85 : memref<1x32x768xi32, #tpu.memory_space<hbm>> -> memref<32x768xi32, #tpu.memory_space<hbm>>
    tpu.enqueue_dma source(%arg13 : memref<32x768xi32, #tpu.memory_space<vmem>>) target(%dma_start3A_86 : memref<32x768xi32, #tpu.memory_space<hbm>>) target_semaphore(%arg24 : memref<!tpu.dma_semaphore, #tpu.memory_space<semaphore_mem>>)
    %dma_start3A_87 = arith.constant 96 : i32
    %dma_start3A_88 = tpu.memref_slice %arg6[%dma_start3A_87] : memref<4096xi32, #tpu.memory_space<vmem>> -> memref<32xi32, #tpu.memory_space<vmem>>
    %dma_start3A_89 = arith.constant 0 : i32
    %dma_start3A_90 = arith.constant 0 : i32
    %dma_start3A_91 = tpu.memref_slice %arg4[%dma_start3A_89, %dma_start3A_90] : memref<3872x768xi32, #tpu.memory_space<hbm>> -> memref<3872x768xi32, #tpu.memory_space<hbm>>
    tpu.enqueue_indirect_dma source(%dma_start3A_91 : memref<3872x768xi32, #tpu.memory_space<hbm>>) target(%arg12 : memref<32x768xi32, #tpu.memory_space<vmem>>) offsets(%dma_start3A_88 : memref<32xi32, #tpu.memory_space<vmem>>) semaphore(%arg17 : memref<!tpu.dma_semaphore, #tpu.memory_space<semaphore_mem>>)
    %add3A_92 = arith.constant 0 : i32
    %add3A_93 = arith.addi %mul3A_4, %add3A_92 : i32
    %dma_start3A_94 = tpu.memref_bitcast %arg5 : memref<128x2048x768xf16, #tpu.memory_space<hbm>> -> memref<128x1024x768xi32, #tpu.memory_space<hbm>>
    %dma_start3A_95 = arith.constant 608 : i32
    %dma_start3A_96 = arith.constant 0 : i32
    %dma_start3A_97 = tpu.memref_slice %dma_start3A_94[%add3A_93, %dma_start3A_95, %dma_start3A_96] : memref<128x1024x768xi32, #tpu.memory_space<hbm>> -> memref<1x32x768xi32, #tpu.memory_space<hbm>>
    %dma_start3A_98 = tpu.memref_squeeze %dma_start3A_97 : memref<1x32x768xi32, #tpu.memory_space<hbm>> -> memref<32x768xi32, #tpu.memory_space<hbm>>
    %dma_start3A_99 = tpu.memref_bitcast %arg5 : memref<128x2048x768xf16, #tpu.memory_space<hbm>> -> memref<128x1024x768xi32, #tpu.memory_space<hbm>>
    %dma_start3A_100 = arith.constant 608 : i32
    %dma_start3A_101 = arith.constant 0 : i32
    %dma_start3A_102 = tpu.memref_slice %dma_start3A_99[%add3A_93, %dma_start3A_100, %dma_start3A_101] : memref<128x1024x768xi32, #tpu.memory_space<hbm>> -> memref<1x32x768xi32, #tpu.memory_space<hbm>>
    %dma_start3A_103 = tpu.memref_squeeze %dma_start3A_102 : memref<1x32x768xi32, #tpu.memory_space<hbm>> -> memref<32x768xi32, #tpu.memory_space<hbm>>
    tpu.enqueue_dma source(%arg13 : memref<32x768xi32, #tpu.memory_space<vmem>>) target(%dma_start3A_103 : memref<32x768xi32, #tpu.memory_space<hbm>>) target_semaphore(%arg25 : memref<!tpu.dma_semaphore, #tpu.memory_space<semaphore_mem>>)
    %scan3A_104 = arith.constant 0 : i32
    %scan3A_105 = arith.constant 0 : i32
    %scan3A_106 = arith.constant 15 : i32
    %scan3A_107 = arith.addi %scan3A_105, %scan3A_106 : i32
    %scan3A_108 = arith.constant 1 : i32
    scf.for %scan3A_258 = %scan3A_105 to %scan3A_107 step %scan3A_108  : i32 {
      %mul3A_259 = arith.constant 4 : i32
      %mul3A_260 = arith.muli %mul3A_259, %scan3A_258 : i32
      %dma_wait3A_261 = arith.constant 0 : i32
      %dma_wait3A_262 = tpu.memref_slice %arg6[%dma_wait3A_261] : memref<4096xi32, #tpu.memory_space<vmem>> -> memref<32xi32, #tpu.memory_space<vmem>>
      %dma_wait3A_263 = arith.constant 0 : i32
      %dma_wait3A_264 = arith.constant 0 : i32
      %dma_wait3A_265 = tpu.memref_slice %arg4[%dma_wait3A_263, %dma_wait3A_264] : memref<3872x768xi32, #tpu.memory_space<hbm>> -> memref<3872x768xi32, #tpu.memory_space<hbm>>
      tpu.wait_indirect_dma semaphore(%arg14 : memref<!tpu.dma_semaphore, #tpu.memory_space<semaphore_mem>>) src(%dma_wait3A_265 : memref<3872x768xi32, #tpu.memory_space<hbm>>) dst(%arg9 : memref<32x768xi32, #tpu.memory_space<vmem>>)
      %add3A_266 = arith.constant 0 : i32
      %add3A_267 = arith.addi %mul3A_260, %add3A_266 : i32
      %jit3A = arith.constant 16 : i32
      %div3A = arith.divsi %add3A_267, %jit3A : i32
      %sign3A = arith.constant 0 : i32
      %sign3A_268 = arith.cmpi sgt, %add3A_267, %sign3A : i32
      %sign3A_269 = arith.extui %sign3A_268 : i1 to i32
      %sign3A_270 = arith.constant 0 : i32
      %sign3A_271 = arith.cmpi slt, %add3A_267, %sign3A_270 : i32
      %sign3A_272 = arith.extui %sign3A_271 : i1 to i32
      %sign3A_273 = arith.subi %sign3A_269, %sign3A_272 : i32
      %sign3A_274 = arith.constant 0 : i32
      %sign3A_275 = arith.cmpi sgt, %jit3A, %sign3A_274 : i32
      %sign3A_276 = arith.extui %sign3A_275 : i1 to i32
      %sign3A_277 = arith.constant 0 : i32
      %sign3A_278 = arith.cmpi slt, %jit3A, %sign3A_277 : i32
      %sign3A_279 = arith.extui %sign3A_278 : i1 to i32
      %sign3A_280 = arith.subi %sign3A_276, %sign3A_279 : i32
      %ne3A = arith.cmpi ne, %sign3A_273, %sign3A_280 : i32
      %rem3A = arith.remsi %add3A_267, %jit3A : i32
      %ne3A_281 = arith.constant 0 : i32
      %ne3A_282 = arith.cmpi ne, %rem3A, %ne3A_281 : i32
      %and3A = arith.andi %ne3A, %ne3A_282 : i1
      %sub3A_283 = arith.constant 1 : i32
      %sub3A_284 = arith.subi %div3A, %sub3A_283 : i32
      %select_n3A = arith.select %and3A, %sub3A_284, %div3A : i32
      %add3A_285 = arith.addi %mul3A_4, %select_n3A : i32
      %jit3A_286 = arith.constant 16 : i32
      %eq3A = arith.constant 0 : i32
      %eq3A_287 = arith.cmpi eq, %jit3A_286, %eq3A : i32
      %jit3A_288 = arith.constant 1 : i32
      %select_n3A_289 = arith.select %eq3A_287, %jit3A_288, %jit3A_286 : i32
      %rem3A_290 = arith.remsi %add3A_267, %select_n3A_289 : i32
      %ne3A_291 = arith.constant 0 : i32
      %ne3A_292 = arith.cmpi ne, %rem3A_290, %ne3A_291 : i32
      %lt3A = arith.constant 0 : i32
      %lt3A_293 = arith.cmpi slt, %rem3A_290, %lt3A : i32
      %lt3A_294 = arith.constant 0 : i32
      %lt3A_295 = arith.cmpi slt, %select_n3A_289, %lt3A_294 : i32
      %ne3A_296 = arith.xori %lt3A_293, %lt3A_295 : i1
      %and3A_297 = arith.andi %ne3A_296, %ne3A_292 : i1
      %add3A_298 = arith.addi %rem3A_290, %select_n3A_289 : i32
      %select_n3A_299 = arith.select %and3A_297, %add3A_298, %rem3A_290 : i32
      %mul3A_300 = arith.constant 32 : i32
      %mul3A_301 = arith.muli %select_n3A_299, %mul3A_300 : i32
      %dma_start3A_302 = tpu.memref_bitcast %arg5 : memref<128x2048x768xf16, #tpu.memory_space<hbm>> -> memref<128x1024x768xi32, #tpu.memory_space<hbm>>
      %dma_start3A_303 = arith.constant 0 : i32
      %dma_start3A_304 = tpu.memref_slice %dma_start3A_302[%add3A_285, %mul3A_301, %dma_start3A_303] : memref<128x1024x768xi32, #tpu.memory_space<hbm>> -> memref<1x32x768xi32, #tpu.memory_space<hbm>>
      %dma_start3A_305 = tpu.memref_squeeze %dma_start3A_304 : memref<1x32x768xi32, #tpu.memory_space<hbm>> -> memref<32x768xi32, #tpu.memory_space<hbm>>
      %dma_start3A_306 = tpu.memref_bitcast %arg5 : memref<128x2048x768xf16, #tpu.memory_space<hbm>> -> memref<128x1024x768xi32, #tpu.memory_space<hbm>>
      %dma_start3A_307 = arith.constant 0 : i32
      %dma_start3A_308 = tpu.memref_slice %dma_start3A_306[%add3A_285, %mul3A_301, %dma_start3A_307] : memref<128x1024x768xi32, #tpu.memory_space<hbm>> -> memref<1x32x768xi32, #tpu.memory_space<hbm>>
      %dma_start3A_309 = tpu.memref_squeeze %dma_start3A_308 : memref<1x32x768xi32, #tpu.memory_space<hbm>> -> memref<32x768xi32, #tpu.memory_space<hbm>>
      tpu.enqueue_dma source(%arg9 : memref<32x768xi32, #tpu.memory_space<vmem>>) target(%dma_start3A_309 : memref<32x768xi32, #tpu.memory_space<hbm>>) target_semaphore(%arg18 : memref<!tpu.dma_semaphore, #tpu.memory_space<semaphore_mem>>)
      %dma_wait3A_310 = arith.constant 0 : i32
      %dma_wait3A_311 = tpu.memref_slice %arg6[%dma_wait3A_310] : memref<4096xi32, #tpu.memory_space<vmem>> -> memref<32xi32, #tpu.memory_space<vmem>>
      %dma_wait3A_312 = arith.constant 0 : i32
      %dma_wait3A_313 = arith.constant 0 : i32
      %dma_wait3A_314 = tpu.memref_slice %arg4[%dma_wait3A_312, %dma_wait3A_313] : memref<3872x768xi32, #tpu.memory_space<hbm>> -> memref<3872x768xi32, #tpu.memory_space<hbm>>
      tpu.wait_indirect_dma semaphore(%arg15 : memref<!tpu.dma_semaphore, #tpu.memory_space<semaphore_mem>>) src(%dma_wait3A_314 : memref<3872x768xi32, #tpu.memory_space<hbm>>) dst(%arg10 : memref<32x768xi32, #tpu.memory_space<vmem>>)
      %add3A_315 = arith.constant 1 : i32
      %add3A_316 = arith.addi %mul3A_260, %add3A_315 : i32
      %jit3A_317 = arith.constant 16 : i32
      %div3A_318 = arith.divsi %add3A_316, %jit3A_317 : i32
      %sign3A_319 = arith.constant 0 : i32
      %sign3A_320 = arith.cmpi sgt, %add3A_316, %sign3A_319 : i32
      %sign3A_321 = arith.extui %sign3A_320 : i1 to i32
      %sign3A_322 = arith.constant 0 : i32
      %sign3A_323 = arith.cmpi slt, %add3A_316, %sign3A_322 : i32
      %sign3A_324 = arith.extui %sign3A_323 : i1 to i32
      %sign3A_325 = arith.subi %sign3A_321, %sign3A_324 : i32
      %sign3A_326 = arith.constant 0 : i32
      %sign3A_327 = arith.cmpi sgt, %jit3A_317, %sign3A_326 : i32
      %sign3A_328 = arith.extui %sign3A_327 : i1 to i32
      %sign3A_329 = arith.constant 0 : i32
      %sign3A_330 = arith.cmpi slt, %jit3A_317, %sign3A_329 : i32
      %sign3A_331 = arith.extui %sign3A_330 : i1 to i32
      %sign3A_332 = arith.subi %sign3A_328, %sign3A_331 : i32
      %ne3A_333 = arith.cmpi ne, %sign3A_325, %sign3A_332 : i32
      %rem3A_334 = arith.remsi %add3A_316, %jit3A_317 : i32
      %ne3A_335 = arith.constant 0 : i32
      %ne3A_336 = arith.cmpi ne, %rem3A_334, %ne3A_335 : i32
      %and3A_337 = arith.andi %ne3A_333, %ne3A_336 : i1
      %sub3A_338 = arith.constant 1 : i32
      %sub3A_339 = arith.subi %div3A_318, %sub3A_338 : i32
      %select_n3A_340 = arith.select %and3A_337, %sub3A_339, %div3A_318 : i32
      %add3A_341 = arith.addi %mul3A_4, %select_n3A_340 : i32
      %jit3A_342 = arith.constant 16 : i32
      %eq3A_343 = arith.constant 0 : i32
      %eq3A_344 = arith.cmpi eq, %jit3A_342, %eq3A_343 : i32
      %jit3A_345 = arith.constant 1 : i32
      %select_n3A_346 = arith.select %eq3A_344, %jit3A_345, %jit3A_342 : i32
      %rem3A_347 = arith.remsi %add3A_316, %select_n3A_346 : i32
      %ne3A_348 = arith.constant 0 : i32
      %ne3A_349 = arith.cmpi ne, %rem3A_347, %ne3A_348 : i32
      %lt3A_350 = arith.constant 0 : i32
      %lt3A_351 = arith.cmpi slt, %rem3A_347, %lt3A_350 : i32
      %lt3A_352 = arith.constant 0 : i32
      %lt3A_353 = arith.cmpi slt, %select_n3A_346, %lt3A_352 : i32
      %ne3A_354 = arith.xori %lt3A_351, %lt3A_353 : i1
      %and3A_355 = arith.andi %ne3A_354, %ne3A_349 : i1
      %add3A_356 = arith.addi %rem3A_347, %select_n3A_346 : i32
      %select_n3A_357 = arith.select %and3A_355, %add3A_356, %rem3A_347 : i32
      %mul3A_358 = arith.constant 32 : i32
      %mul3A_359 = arith.muli %select_n3A_357, %mul3A_358 : i32
      %dma_start3A_360 = tpu.memref_bitcast %arg5 : memref<128x2048x768xf16, #tpu.memory_space<hbm>> -> memref<128x1024x768xi32, #tpu.memory_space<hbm>>
      %dma_start3A_361 = arith.constant 0 : i32
      %dma_start3A_362 = tpu.memref_slice %dma_start3A_360[%add3A_341, %mul3A_359, %dma_start3A_361] : memref<128x1024x768xi32, #tpu.memory_space<hbm>> -> memref<1x32x768xi32, #tpu.memory_space<hbm>>
      %dma_start3A_363 = tpu.memref_squeeze %dma_start3A_362 : memref<1x32x768xi32, #tpu.memory_space<hbm>> -> memref<32x768xi32, #tpu.memory_space<hbm>>
      %dma_start3A_364 = tpu.memref_bitcast %arg5 : memref<128x2048x768xf16, #tpu.memory_space<hbm>> -> memref<128x1024x768xi32, #tpu.memory_space<hbm>>
      %dma_start3A_365 = arith.constant 0 : i32
      %dma_start3A_366 = tpu.memref_slice %dma_start3A_364[%add3A_341, %mul3A_359, %dma_start3A_365] : memref<128x1024x768xi32, #tpu.memory_space<hbm>> -> memref<1x32x768xi32, #tpu.memory_space<hbm>>
      %dma_start3A_367 = tpu.memref_squeeze %dma_start3A_366 : memref<1x32x768xi32, #tpu.memory_space<hbm>> -> memref<32x768xi32, #tpu.memory_space<hbm>>
      tpu.enqueue_dma source(%arg10 : memref<32x768xi32, #tpu.memory_space<vmem>>) target(%dma_start3A_367 : memref<32x768xi32, #tpu.memory_space<hbm>>) target_semaphore(%arg19 : memref<!tpu.dma_semaphore, #tpu.memory_space<semaphore_mem>>)
      %dma_wait3A_368 = arith.constant 0 : i32
      %dma_wait3A_369 = tpu.memref_slice %arg6[%dma_wait3A_368] : memref<4096xi32, #tpu.memory_space<vmem>> -> memref<32xi32, #tpu.memory_space<vmem>>
      %dma_wait3A_370 = arith.constant 0 : i32
      %dma_wait3A_371 = arith.constant 0 : i32
      %dma_wait3A_372 = tpu.memref_slice %arg4[%dma_wait3A_370, %dma_wait3A_371] : memref<3872x768xi32, #tpu.memory_space<hbm>> -> memref<3872x768xi32, #tpu.memory_space<hbm>>
      tpu.wait_indirect_dma semaphore(%arg16 : memref<!tpu.dma_semaphore, #tpu.memory_space<semaphore_mem>>) src(%dma_wait3A_372 : memref<3872x768xi32, #tpu.memory_space<hbm>>) dst(%arg11 : memref<32x768xi32, #tpu.memory_space<vmem>>)
      %add3A_373 = arith.constant 2 : i32
      %add3A_374 = arith.addi %mul3A_260, %add3A_373 : i32
      %jit3A_375 = arith.constant 16 : i32
      %div3A_376 = arith.divsi %add3A_374, %jit3A_375 : i32
      %sign3A_377 = arith.constant 0 : i32
      %sign3A_378 = arith.cmpi sgt, %add3A_374, %sign3A_377 : i32
      %sign3A_379 = arith.extui %sign3A_378 : i1 to i32
      %sign3A_380 = arith.constant 0 : i32
      %sign3A_381 = arith.cmpi slt, %add3A_374, %sign3A_380 : i32
      %sign3A_382 = arith.extui %sign3A_381 : i1 to i32
      %sign3A_383 = arith.subi %sign3A_379, %sign3A_382 : i32
      %sign3A_384 = arith.constant 0 : i32
      %sign3A_385 = arith.cmpi sgt, %jit3A_375, %sign3A_384 : i32
      %sign3A_386 = arith.extui %sign3A_385 : i1 to i32
      %sign3A_387 = arith.constant 0 : i32
      %sign3A_388 = arith.cmpi slt, %jit3A_375, %sign3A_387 : i32
      %sign3A_389 = arith.extui %sign3A_388 : i1 to i32
      %sign3A_390 = arith.subi %sign3A_386, %sign3A_389 : i32
      %ne3A_391 = arith.cmpi ne, %sign3A_383, %sign3A_390 : i32
      %rem3A_392 = arith.remsi %add3A_374, %jit3A_375 : i32
      %ne3A_393 = arith.constant 0 : i32
      %ne3A_394 = arith.cmpi ne, %rem3A_392, %ne3A_393 : i32
      %and3A_395 = arith.andi %ne3A_391, %ne3A_394 : i1
      %sub3A_396 = arith.constant 1 : i32
      %sub3A_397 = arith.subi %div3A_376, %sub3A_396 : i32
      %select_n3A_398 = arith.select %and3A_395, %sub3A_397, %div3A_376 : i32
      %add3A_399 = arith.addi %mul3A_4, %select_n3A_398 : i32
      %jit3A_400 = arith.constant 16 : i32
      %eq3A_401 = arith.constant 0 : i32
      %eq3A_402 = arith.cmpi eq, %jit3A_400, %eq3A_401 : i32
      %jit3A_403 = arith.constant 1 : i32
      %select_n3A_404 = arith.select %eq3A_402, %jit3A_403, %jit3A_400 : i32
      %rem3A_405 = arith.remsi %add3A_374, %select_n3A_404 : i32
      %ne3A_406 = arith.constant 0 : i32
      %ne3A_407 = arith.cmpi ne, %rem3A_405, %ne3A_406 : i32
      %lt3A_408 = arith.constant 0 : i32
      %lt3A_409 = arith.cmpi slt, %rem3A_405, %lt3A_408 : i32
      %lt3A_410 = arith.constant 0 : i32
      %lt3A_411 = arith.cmpi slt, %select_n3A_404, %lt3A_410 : i32
      %ne3A_412 = arith.xori %lt3A_409, %lt3A_411 : i1
      %and3A_413 = arith.andi %ne3A_412, %ne3A_407 : i1
      %add3A_414 = arith.addi %rem3A_405, %select_n3A_404 : i32
      %select_n3A_415 = arith.select %and3A_413, %add3A_414, %rem3A_405 : i32
      %mul3A_416 = arith.constant 32 : i32
      %mul3A_417 = arith.muli %select_n3A_415, %mul3A_416 : i32
      %dma_start3A_418 = tpu.memref_bitcast %arg5 : memref<128x2048x768xf16, #tpu.memory_space<hbm>> -> memref<128x1024x768xi32, #tpu.memory_space<hbm>>
      %dma_start3A_419 = arith.constant 0 : i32
      %dma_start3A_420 = tpu.memref_slice %dma_start3A_418[%add3A_399, %mul3A_417, %dma_start3A_419] : memref<128x1024x768xi32, #tpu.memory_space<hbm>> -> memref<1x32x768xi32, #tpu.memory_space<hbm>>
      %dma_start3A_421 = tpu.memref_squeeze %dma_start3A_420 : memref<1x32x768xi32, #tpu.memory_space<hbm>> -> memref<32x768xi32, #tpu.memory_space<hbm>>
      %dma_start3A_422 = tpu.memref_bitcast %arg5 : memref<128x2048x768xf16, #tpu.memory_space<hbm>> -> memref<128x1024x768xi32, #tpu.memory_space<hbm>>
      %dma_start3A_423 = arith.constant 0 : i32
      %dma_start3A_424 = tpu.memref_slice %dma_start3A_422[%add3A_399, %mul3A_417, %dma_start3A_423] : memref<128x1024x768xi32, #tpu.memory_space<hbm>> -> memref<1x32x768xi32, #tpu.memory_space<hbm>>
      %dma_start3A_425 = tpu.memref_squeeze %dma_start3A_424 : memref<1x32x768xi32, #tpu.memory_space<hbm>> -> memref<32x768xi32, #tpu.memory_space<hbm>>
      tpu.enqueue_dma source(%arg11 : memref<32x768xi32, #tpu.memory_space<vmem>>) target(%dma_start3A_425 : memref<32x768xi32, #tpu.memory_space<hbm>>) target_semaphore(%arg20 : memref<!tpu.dma_semaphore, #tpu.memory_space<semaphore_mem>>)
      %dma_wait3A_426 = arith.constant 0 : i32
      %dma_wait3A_427 = tpu.memref_slice %arg6[%dma_wait3A_426] : memref<4096xi32, #tpu.memory_space<vmem>> -> memref<32xi32, #tpu.memory_space<vmem>>
      %dma_wait3A_428 = arith.constant 0 : i32
      %dma_wait3A_429 = arith.constant 0 : i32
      %dma_wait3A_430 = tpu.memref_slice %arg4[%dma_wait3A_428, %dma_wait3A_429] : memref<3872x768xi32, #tpu.memory_space<hbm>> -> memref<3872x768xi32, #tpu.memory_space<hbm>>
      tpu.wait_indirect_dma semaphore(%arg17 : memref<!tpu.dma_semaphore, #tpu.memory_space<semaphore_mem>>) src(%dma_wait3A_430 : memref<3872x768xi32, #tpu.memory_space<hbm>>) dst(%arg12 : memref<32x768xi32, #tpu.memory_space<vmem>>)
      %add3A_431 = arith.constant 3 : i32
      %add3A_432 = arith.addi %mul3A_260, %add3A_431 : i32
      %jit3A_433 = arith.constant 16 : i32
      %div3A_434 = arith.divsi %add3A_432, %jit3A_433 : i32
      %sign3A_435 = arith.constant 0 : i32
      %sign3A_436 = arith.cmpi sgt, %add3A_432, %sign3A_435 : i32
      %sign3A_437 = arith.extui %sign3A_436 : i1 to i32
      %sign3A_438 = arith.constant 0 : i32
      %sign3A_439 = arith.cmpi slt, %add3A_432, %sign3A_438 : i32
      %sign3A_440 = arith.extui %sign3A_439 : i1 to i32
      %sign3A_441 = arith.subi %sign3A_437, %sign3A_440 : i32
      %sign3A_442 = arith.constant 0 : i32
      %sign3A_443 = arith.cmpi sgt, %jit3A_433, %sign3A_442 : i32
      %sign3A_444 = arith.extui %sign3A_443 : i1 to i32
      %sign3A_445 = arith.constant 0 : i32
      %sign3A_446 = arith.cmpi slt, %jit3A_433, %sign3A_445 : i32
      %sign3A_447 = arith.extui %sign3A_446 : i1 to i32
      %sign3A_448 = arith.subi %sign3A_444, %sign3A_447 : i32
      %ne3A_449 = arith.cmpi ne, %sign3A_441, %sign3A_448 : i32
      %rem3A_450 = arith.remsi %add3A_432, %jit3A_433 : i32
      %ne3A_451 = arith.constant 0 : i32
      %ne3A_452 = arith.cmpi ne, %rem3A_450, %ne3A_451 : i32
      %and3A_453 = arith.andi %ne3A_449, %ne3A_452 : i1
      %sub3A_454 = arith.constant 1 : i32
      %sub3A_455 = arith.subi %div3A_434, %sub3A_454 : i32
      %select_n3A_456 = arith.select %and3A_453, %sub3A_455, %div3A_434 : i32
      %add3A_457 = arith.addi %mul3A_4, %select_n3A_456 : i32
      %jit3A_458 = arith.constant 16 : i32
      %eq3A_459 = arith.constant 0 : i32
      %eq3A_460 = arith.cmpi eq, %jit3A_458, %eq3A_459 : i32
      %jit3A_461 = arith.constant 1 : i32
      %select_n3A_462 = arith.select %eq3A_460, %jit3A_461, %jit3A_458 : i32
      %rem3A_463 = arith.remsi %add3A_432, %select_n3A_462 : i32
      %ne3A_464 = arith.constant 0 : i32
      %ne3A_465 = arith.cmpi ne, %rem3A_463, %ne3A_464 : i32
      %lt3A_466 = arith.constant 0 : i32
      %lt3A_467 = arith.cmpi slt, %rem3A_463, %lt3A_466 : i32
      %lt3A_468 = arith.constant 0 : i32
      %lt3A_469 = arith.cmpi slt, %select_n3A_462, %lt3A_468 : i32
      %ne3A_470 = arith.xori %lt3A_467, %lt3A_469 : i1
      %and3A_471 = arith.andi %ne3A_470, %ne3A_465 : i1
      %add3A_472 = arith.addi %rem3A_463, %select_n3A_462 : i32
      %select_n3A_473 = arith.select %and3A_471, %add3A_472, %rem3A_463 : i32
      %mul3A_474 = arith.constant 32 : i32
      %mul3A_475 = arith.muli %select_n3A_473, %mul3A_474 : i32
      %dma_start3A_476 = tpu.memref_bitcast %arg5 : memref<128x2048x768xf16, #tpu.memory_space<hbm>> -> memref<128x1024x768xi32, #tpu.memory_space<hbm>>
      %dma_start3A_477 = arith.constant 0 : i32
      %dma_start3A_478 = tpu.memref_slice %dma_start3A_476[%add3A_457, %mul3A_475, %dma_start3A_477] : memref<128x1024x768xi32, #tpu.memory_space<hbm>> -> memref<1x32x768xi32, #tpu.memory_space<hbm>>
      %dma_start3A_479 = tpu.memref_squeeze %dma_start3A_478 : memref<1x32x768xi32, #tpu.memory_space<hbm>> -> memref<32x768xi32, #tpu.memory_space<hbm>>
      %dma_start3A_480 = tpu.memref_bitcast %arg5 : memref<128x2048x768xf16, #tpu.memory_space<hbm>> -> memref<128x1024x768xi32, #tpu.memory_space<hbm>>
      %dma_start3A_481 = arith.constant 0 : i32
      %dma_start3A_482 = tpu.memref_slice %dma_start3A_480[%add3A_457, %mul3A_475, %dma_start3A_481] : memref<128x1024x768xi32, #tpu.memory_space<hbm>> -> memref<1x32x768xi32, #tpu.memory_space<hbm>>
      %dma_start3A_483 = tpu.memref_squeeze %dma_start3A_482 : memref<1x32x768xi32, #tpu.memory_space<hbm>> -> memref<32x768xi32, #tpu.memory_space<hbm>>
      tpu.enqueue_dma source(%arg12 : memref<32x768xi32, #tpu.memory_space<vmem>>) target(%dma_start3A_483 : memref<32x768xi32, #tpu.memory_space<hbm>>) target_semaphore(%arg21 : memref<!tpu.dma_semaphore, #tpu.memory_space<semaphore_mem>>)
      %dma_wait3A_484 = tpu.memref_bitcast %arg5 : memref<128x2048x768xf16, #tpu.memory_space<hbm>> -> memref<128x1024x768xi32, #tpu.memory_space<hbm>>
      %dma_wait3A_485 = arith.constant 0 : i32
      %dma_wait3A_486 = arith.constant 0 : i32
      %dma_wait3A_487 = tpu.memref_slice %dma_wait3A_484[%mul3A_4, %dma_wait3A_485, %dma_wait3A_486] : memref<128x1024x768xi32, #tpu.memory_space<hbm>> -> memref<1x32x768xi32, #tpu.memory_space<hbm>>
      %dma_wait3A_488 = tpu.memref_squeeze %dma_wait3A_487 : memref<1x32x768xi32, #tpu.memory_space<hbm>> -> memref<32x768xi32, #tpu.memory_space<hbm>>
      %dma_wait3A_489 = tpu.memref_bitcast %arg5 : memref<128x2048x768xf16, #tpu.memory_space<hbm>> -> memref<128x1024x768xi32, #tpu.memory_space<hbm>>
      %dma_wait3A_490 = arith.constant 0 : i32
      %dma_wait3A_491 = arith.constant 0 : i32
      %dma_wait3A_492 = tpu.memref_slice %dma_wait3A_489[%mul3A_4, %dma_wait3A_490, %dma_wait3A_491] : memref<128x1024x768xi32, #tpu.memory_space<hbm>> -> memref<1x32x768xi32, #tpu.memory_space<hbm>>
      %dma_wait3A_493 = tpu.memref_squeeze %dma_wait3A_492 : memref<1x32x768xi32, #tpu.memory_space<hbm>> -> memref<32x768xi32, #tpu.memory_space<hbm>>
      tpu.wait_dma2 semaphore(%arg22 : memref<!tpu.dma_semaphore, #tpu.memory_space<semaphore_mem>>) src(%arg13 : memref<32x768xi32, #tpu.memory_space<vmem>>) dst(%dma_wait3A_493 : memref<32x768xi32, #tpu.memory_space<hbm>>)
      %add3A_494 = arith.constant 4 : i32
      %add3A_495 = arith.addi %mul3A_260, %add3A_494 : i32
      %add3A_496 = arith.constant 0 : i32
      %add3A_497 = arith.addi %add3A_495, %add3A_496 : i32
      %jit3A_498 = arith.constant 16 : i32
      %div3A_499 = arith.divsi %add3A_497, %jit3A_498 : i32
      %sign3A_500 = arith.constant 0 : i32
      %sign3A_501 = arith.cmpi sgt, %add3A_497, %sign3A_500 : i32
      %sign3A_502 = arith.extui %sign3A_501 : i1 to i32
      %sign3A_503 = arith.constant 0 : i32
      %sign3A_504 = arith.cmpi slt, %add3A_497, %sign3A_503 : i32
      %sign3A_505 = arith.extui %sign3A_504 : i1 to i32
      %sign3A_506 = arith.subi %sign3A_502, %sign3A_505 : i32
      %sign3A_507 = arith.constant 0 : i32
      %sign3A_508 = arith.cmpi sgt, %jit3A_498, %sign3A_507 : i32
      %sign3A_509 = arith.extui %sign3A_508 : i1 to i32
      %sign3A_510 = arith.constant 0 : i32
      %sign3A_511 = arith.cmpi slt, %jit3A_498, %sign3A_510 : i32
      %sign3A_512 = arith.extui %sign3A_511 : i1 to i32
      %sign3A_513 = arith.subi %sign3A_509, %sign3A_512 : i32
      %ne3A_514 = arith.cmpi ne, %sign3A_506, %sign3A_513 : i32
      %rem3A_515 = arith.remsi %add3A_497, %jit3A_498 : i32
      %ne3A_516 = arith.constant 0 : i32
      %ne3A_517 = arith.cmpi ne, %rem3A_515, %ne3A_516 : i32
      %and3A_518 = arith.andi %ne3A_514, %ne3A_517 : i1
      %sub3A_519 = arith.constant 1 : i32
      %sub3A_520 = arith.subi %div3A_499, %sub3A_519 : i32
      %select_n3A_521 = arith.select %and3A_518, %sub3A_520, %div3A_499 : i32
      %jit3A_522 = arith.constant 16 : i32
      %eq3A_523 = arith.constant 0 : i32
      %eq3A_524 = arith.cmpi eq, %jit3A_522, %eq3A_523 : i32
      %jit3A_525 = arith.constant 1 : i32
      %select_n3A_526 = arith.select %eq3A_524, %jit3A_525, %jit3A_522 : i32
      %rem3A_527 = arith.remsi %add3A_497, %select_n3A_526 : i32
      %ne3A_528 = arith.constant 0 : i32
      %ne3A_529 = arith.cmpi ne, %rem3A_527, %ne3A_528 : i32
      %lt3A_530 = arith.constant 0 : i32
      %lt3A_531 = arith.cmpi slt, %rem3A_527, %lt3A_530 : i32
      %lt3A_532 = arith.constant 0 : i32
      %lt3A_533 = arith.cmpi slt, %select_n3A_526, %lt3A_532 : i32
      %ne3A_534 = arith.xori %lt3A_531, %lt3A_533 : i1
      %and3A_535 = arith.andi %ne3A_534, %ne3A_529 : i1
      %add3A_536 = arith.addi %rem3A_527, %select_n3A_526 : i32
      %select_n3A_537 = arith.select %and3A_535, %add3A_536, %rem3A_527 : i32
      %add3A_538 = arith.constant 16 : i32
      %add3A_539 = arith.addi %add3A_538, %select_n3A_537 : i32
      %mul3A_540 = arith.constant 32 : i32
      %mul3A_541 = arith.muli %add3A_539, %mul3A_540 : i32
      %add3A_542 = arith.addi %mul3A_4, %select_n3A_521 : i32
      %dma_start3A_543 = tpu.memref_bitcast %arg5 : memref<128x2048x768xf16, #tpu.memory_space<hbm>> -> memref<128x1024x768xi32, #tpu.memory_space<hbm>>
      %dma_start3A_544 = arith.constant 0 : i32
      %dma_start3A_545 = tpu.memref_slice %dma_start3A_543[%add3A_542, %mul3A_541, %dma_start3A_544] : memref<128x1024x768xi32, #tpu.memory_space<hbm>> -> memref<1x32x768xi32, #tpu.memory_space<hbm>>
      %dma_start3A_546 = tpu.memref_squeeze %dma_start3A_545 : memref<1x32x768xi32, #tpu.memory_space<hbm>> -> memref<32x768xi32, #tpu.memory_space<hbm>>
      %dma_start3A_547 = tpu.memref_bitcast %arg5 : memref<128x2048x768xf16, #tpu.memory_space<hbm>> -> memref<128x1024x768xi32, #tpu.memory_space<hbm>>
      %dma_start3A_548 = arith.constant 0 : i32
      %dma_start3A_549 = tpu.memref_slice %dma_start3A_547[%add3A_542, %mul3A_541, %dma_start3A_548] : memref<128x1024x768xi32, #tpu.memory_space<hbm>> -> memref<1x32x768xi32, #tpu.memory_space<hbm>>
      %dma_start3A_550 = tpu.memref_squeeze %dma_start3A_549 : memref<1x32x768xi32, #tpu.memory_space<hbm>> -> memref<32x768xi32, #tpu.memory_space<hbm>>
      tpu.enqueue_dma source(%arg13 : memref<32x768xi32, #tpu.memory_space<vmem>>) target(%dma_start3A_550 : memref<32x768xi32, #tpu.memory_space<hbm>>) target_semaphore(%arg22 : memref<!tpu.dma_semaphore, #tpu.memory_space<semaphore_mem>>)
      %dma_wait3A_551 = tpu.memref_bitcast %arg5 : memref<128x2048x768xf16, #tpu.memory_space<hbm>> -> memref<128x1024x768xi32, #tpu.memory_space<hbm>>
      %dma_wait3A_552 = arith.constant 0 : i32
      %dma_wait3A_553 = arith.constant 0 : i32
      %dma_wait3A_554 = tpu.memref_slice %dma_wait3A_551[%mul3A_4, %dma_wait3A_552, %dma_wait3A_553] : memref<128x1024x768xi32, #tpu.memory_space<hbm>> -> memref<1x32x768xi32, #tpu.memory_space<hbm>>
      %dma_wait3A_555 = tpu.memref_squeeze %dma_wait3A_554 : memref<1x32x768xi32, #tpu.memory_space<hbm>> -> memref<32x768xi32, #tpu.memory_space<hbm>>
      %dma_wait3A_556 = tpu.memref_bitcast %arg5 : memref<128x2048x768xf16, #tpu.memory_space<hbm>> -> memref<128x1024x768xi32, #tpu.memory_space<hbm>>
      %dma_wait3A_557 = arith.constant 0 : i32
      %dma_wait3A_558 = arith.constant 0 : i32
      %dma_wait3A_559 = tpu.memref_slice %dma_wait3A_556[%mul3A_4, %dma_wait3A_557, %dma_wait3A_558] : memref<128x1024x768xi32, #tpu.memory_space<hbm>> -> memref<1x32x768xi32, #tpu.memory_space<hbm>>
      %dma_wait3A_560 = tpu.memref_squeeze %dma_wait3A_559 : memref<1x32x768xi32, #tpu.memory_space<hbm>> -> memref<32x768xi32, #tpu.memory_space<hbm>>
      tpu.wait_dma2 semaphore(%arg23 : memref<!tpu.dma_semaphore, #tpu.memory_space<semaphore_mem>>) src(%arg13 : memref<32x768xi32, #tpu.memory_space<vmem>>) dst(%dma_wait3A_560 : memref<32x768xi32, #tpu.memory_space<hbm>>)
      %add3A_561 = arith.constant 4 : i32
      %add3A_562 = arith.addi %mul3A_260, %add3A_561 : i32
      %add3A_563 = arith.constant 1 : i32
      %add3A_564 = arith.addi %add3A_562, %add3A_563 : i32
      %jit3A_565 = arith.constant 16 : i32
      %div3A_566 = arith.divsi %add3A_564, %jit3A_565 : i32
      %sign3A_567 = arith.constant 0 : i32
      %sign3A_568 = arith.cmpi sgt, %add3A_564, %sign3A_567 : i32
      %sign3A_569 = arith.extui %sign3A_568 : i1 to i32
      %sign3A_570 = arith.constant 0 : i32
      %sign3A_571 = arith.cmpi slt, %add3A_564, %sign3A_570 : i32
      %sign3A_572 = arith.extui %sign3A_571 : i1 to i32
      %sign3A_573 = arith.subi %sign3A_569, %sign3A_572 : i32
      %sign3A_574 = arith.constant 0 : i32
      %sign3A_575 = arith.cmpi sgt, %jit3A_565, %sign3A_574 : i32
      %sign3A_576 = arith.extui %sign3A_575 : i1 to i32
      %sign3A_577 = arith.constant 0 : i32
      %sign3A_578 = arith.cmpi slt, %jit3A_565, %sign3A_577 : i32
      %sign3A_579 = arith.extui %sign3A_578 : i1 to i32
      %sign3A_580 = arith.subi %sign3A_576, %sign3A_579 : i32
      %ne3A_581 = arith.cmpi ne, %sign3A_573, %sign3A_580 : i32
      %rem3A_582 = arith.remsi %add3A_564, %jit3A_565 : i32
      %ne3A_583 = arith.constant 0 : i32
      %ne3A_584 = arith.cmpi ne, %rem3A_582, %ne3A_583 : i32
      %and3A_585 = arith.andi %ne3A_581, %ne3A_584 : i1
      %sub3A_586 = arith.constant 1 : i32
      %sub3A_587 = arith.subi %div3A_566, %sub3A_586 : i32
      %select_n3A_588 = arith.select %and3A_585, %sub3A_587, %div3A_566 : i32
      %jit3A_589 = arith.constant 16 : i32
      %eq3A_590 = arith.constant 0 : i32
      %eq3A_591 = arith.cmpi eq, %jit3A_589, %eq3A_590 : i32
      %jit3A_592 = arith.constant 1 : i32
      %select_n3A_593 = arith.select %eq3A_591, %jit3A_592, %jit3A_589 : i32
      %rem3A_594 = arith.remsi %add3A_564, %select_n3A_593 : i32
      %ne3A_595 = arith.constant 0 : i32
      %ne3A_596 = arith.cmpi ne, %rem3A_594, %ne3A_595 : i32
      %lt3A_597 = arith.constant 0 : i32
      %lt3A_598 = arith.cmpi slt, %rem3A_594, %lt3A_597 : i32
      %lt3A_599 = arith.constant 0 : i32
      %lt3A_600 = arith.cmpi slt, %select_n3A_593, %lt3A_599 : i32
      %ne3A_601 = arith.xori %lt3A_598, %lt3A_600 : i1
      %and3A_602 = arith.andi %ne3A_601, %ne3A_596 : i1
      %add3A_603 = arith.addi %rem3A_594, %select_n3A_593 : i32
      %select_n3A_604 = arith.select %and3A_602, %add3A_603, %rem3A_594 : i32
      %add3A_605 = arith.constant 16 : i32
      %add3A_606 = arith.addi %add3A_605, %select_n3A_604 : i32
      %mul3A_607 = arith.constant 32 : i32
      %mul3A_608 = arith.muli %add3A_606, %mul3A_607 : i32
      %add3A_609 = arith.addi %mul3A_4, %select_n3A_588 : i32
      %dma_start3A_610 = tpu.memref_bitcast %arg5 : memref<128x2048x768xf16, #tpu.memory_space<hbm>> -> memref<128x1024x768xi32, #tpu.memory_space<hbm>>
      %dma_start3A_611 = arith.constant 0 : i32
      %dma_start3A_612 = tpu.memref_slice %dma_start3A_610[%add3A_609, %mul3A_608, %dma_start3A_611] : memref<128x1024x768xi32, #tpu.memory_space<hbm>> -> memref<1x32x768xi32, #tpu.memory_space<hbm>>
      %dma_start3A_613 = tpu.memref_squeeze %dma_start3A_612 : memref<1x32x768xi32, #tpu.memory_space<hbm>> -> memref<32x768xi32, #tpu.memory_space<hbm>>
      %dma_start3A_614 = tpu.memref_bitcast %arg5 : memref<128x2048x768xf16, #tpu.memory_space<hbm>> -> memref<128x1024x768xi32, #tpu.memory_space<hbm>>
      %dma_start3A_615 = arith.constant 0 : i32
      %dma_start3A_616 = tpu.memref_slice %dma_start3A_614[%add3A_609, %mul3A_608, %dma_start3A_615] : memref<128x1024x768xi32, #tpu.memory_space<hbm>> -> memref<1x32x768xi32, #tpu.memory_space<hbm>>
      %dma_start3A_617 = tpu.memref_squeeze %dma_start3A_616 : memref<1x32x768xi32, #tpu.memory_space<hbm>> -> memref<32x768xi32, #tpu.memory_space<hbm>>
      tpu.enqueue_dma source(%arg13 : memref<32x768xi32, #tpu.memory_space<vmem>>) target(%dma_start3A_617 : memref<32x768xi32, #tpu.memory_space<hbm>>) target_semaphore(%arg23 : memref<!tpu.dma_semaphore, #tpu.memory_space<semaphore_mem>>)
      %dma_wait3A_618 = tpu.memref_bitcast %arg5 : memref<128x2048x768xf16, #tpu.memory_space<hbm>> -> memref<128x1024x768xi32, #tpu.memory_space<hbm>>
      %dma_wait3A_619 = arith.constant 0 : i32
      %dma_wait3A_620 = arith.constant 0 : i32
      %dma_wait3A_621 = tpu.memref_slice %dma_wait3A_618[%mul3A_4, %dma_wait3A_619, %dma_wait3A_620] : memref<128x1024x768xi32, #tpu.memory_space<hbm>> -> memref<1x32x768xi32, #tpu.memory_space<hbm>>
      %dma_wait3A_622 = tpu.memref_squeeze %dma_wait3A_621 : memref<1x32x768xi32, #tpu.memory_space<hbm>> -> memref<32x768xi32, #tpu.memory_space<hbm>>
      %dma_wait3A_623 = tpu.memref_bitcast %arg5 : memref<128x2048x768xf16, #tpu.memory_space<hbm>> -> memref<128x1024x768xi32, #tpu.memory_space<hbm>>
      %dma_wait3A_624 = arith.constant 0 : i32
      %dma_wait3A_625 = arith.constant 0 : i32
      %dma_wait3A_626 = tpu.memref_slice %dma_wait3A_623[%mul3A_4, %dma_wait3A_624, %dma_wait3A_625] : memref<128x1024x768xi32, #tpu.memory_space<hbm>> -> memref<1x32x768xi32, #tpu.memory_space<hbm>>
      %dma_wait3A_627 = tpu.memref_squeeze %dma_wait3A_626 : memref<1x32x768xi32, #tpu.memory_space<hbm>> -> memref<32x768xi32, #tpu.memory_space<hbm>>
      tpu.wait_dma2 semaphore(%arg24 : memref<!tpu.dma_semaphore, #tpu.memory_space<semaphore_mem>>) src(%arg13 : memref<32x768xi32, #tpu.memory_space<vmem>>) dst(%dma_wait3A_627 : memref<32x768xi32, #tpu.memory_space<hbm>>)
      %add3A_628 = arith.constant 4 : i32
      %add3A_629 = arith.addi %mul3A_260, %add3A_628 : i32
      %add3A_630 = arith.constant 2 : i32
      %add3A_631 = arith.addi %add3A_629, %add3A_630 : i32
      %jit3A_632 = arith.constant 16 : i32
      %div3A_633 = arith.divsi %add3A_631, %jit3A_632 : i32
      %sign3A_634 = arith.constant 0 : i32
      %sign3A_635 = arith.cmpi sgt, %add3A_631, %sign3A_634 : i32
      %sign3A_636 = arith.extui %sign3A_635 : i1 to i32
      %sign3A_637 = arith.constant 0 : i32
      %sign3A_638 = arith.cmpi slt, %add3A_631, %sign3A_637 : i32
      %sign3A_639 = arith.extui %sign3A_638 : i1 to i32
      %sign3A_640 = arith.subi %sign3A_636, %sign3A_639 : i32
      %sign3A_641 = arith.constant 0 : i32
      %sign3A_642 = arith.cmpi sgt, %jit3A_632, %sign3A_641 : i32
      %sign3A_643 = arith.extui %sign3A_642 : i1 to i32
      %sign3A_644 = arith.constant 0 : i32
      %sign3A_645 = arith.cmpi slt, %jit3A_632, %sign3A_644 : i32
      %sign3A_646 = arith.extui %sign3A_645 : i1 to i32
      %sign3A_647 = arith.subi %sign3A_643, %sign3A_646 : i32
      %ne3A_648 = arith.cmpi ne, %sign3A_640, %sign3A_647 : i32
      %rem3A_649 = arith.remsi %add3A_631, %jit3A_632 : i32
      %ne3A_650 = arith.constant 0 : i32
      %ne3A_651 = arith.cmpi ne, %rem3A_649, %ne3A_650 : i32
      %and3A_652 = arith.andi %ne3A_648, %ne3A_651 : i1
      %sub3A_653 = arith.constant 1 : i32
      %sub3A_654 = arith.subi %div3A_633, %sub3A_653 : i32
      %select_n3A_655 = arith.select %and3A_652, %sub3A_654, %div3A_633 : i32
      %jit3A_656 = arith.constant 16 : i32
      %eq3A_657 = arith.constant 0 : i32
      %eq3A_658 = arith.cmpi eq, %jit3A_656, %eq3A_657 : i32
      %jit3A_659 = arith.constant 1 : i32
      %select_n3A_660 = arith.select %eq3A_658, %jit3A_659, %jit3A_656 : i32
      %rem3A_661 = arith.remsi %add3A_631, %select_n3A_660 : i32
      %ne3A_662 = arith.constant 0 : i32
      %ne3A_663 = arith.cmpi ne, %rem3A_661, %ne3A_662 : i32
      %lt3A_664 = arith.constant 0 : i32
      %lt3A_665 = arith.cmpi slt, %rem3A_661, %lt3A_664 : i32
      %lt3A_666 = arith.constant 0 : i32
      %lt3A_667 = arith.cmpi slt, %select_n3A_660, %lt3A_666 : i32
      %ne3A_668 = arith.xori %lt3A_665, %lt3A_667 : i1
      %and3A_669 = arith.andi %ne3A_668, %ne3A_663 : i1
      %add3A_670 = arith.addi %rem3A_661, %select_n3A_660 : i32
      %select_n3A_671 = arith.select %and3A_669, %add3A_670, %rem3A_661 : i32
      %add3A_672 = arith.constant 16 : i32
      %add3A_673 = arith.addi %add3A_672, %select_n3A_671 : i32
      %mul3A_674 = arith.constant 32 : i32
      %mul3A_675 = arith.muli %add3A_673, %mul3A_674 : i32
      %add3A_676 = arith.addi %mul3A_4, %select_n3A_655 : i32
      %dma_start3A_677 = tpu.memref_bitcast %arg5 : memref<128x2048x768xf16, #tpu.memory_space<hbm>> -> memref<128x1024x768xi32, #tpu.memory_space<hbm>>
      %dma_start3A_678 = arith.constant 0 : i32
      %dma_start3A_679 = tpu.memref_slice %dma_start3A_677[%add3A_676, %mul3A_675, %dma_start3A_678] : memref<128x1024x768xi32, #tpu.memory_space<hbm>> -> memref<1x32x768xi32, #tpu.memory_space<hbm>>
      %dma_start3A_680 = tpu.memref_squeeze %dma_start3A_679 : memref<1x32x768xi32, #tpu.memory_space<hbm>> -> memref<32x768xi32, #tpu.memory_space<hbm>>
      %dma_start3A_681 = tpu.memref_bitcast %arg5 : memref<128x2048x768xf16, #tpu.memory_space<hbm>> -> memref<128x1024x768xi32, #tpu.memory_space<hbm>>
      %dma_start3A_682 = arith.constant 0 : i32
      %dma_start3A_683 = tpu.memref_slice %dma_start3A_681[%add3A_676, %mul3A_675, %dma_start3A_682] : memref<128x1024x768xi32, #tpu.memory_space<hbm>> -> memref<1x32x768xi32, #tpu.memory_space<hbm>>
      %dma_start3A_684 = tpu.memref_squeeze %dma_start3A_683 : memref<1x32x768xi32, #tpu.memory_space<hbm>> -> memref<32x768xi32, #tpu.memory_space<hbm>>
      tpu.enqueue_dma source(%arg13 : memref<32x768xi32, #tpu.memory_space<vmem>>) target(%dma_start3A_684 : memref<32x768xi32, #tpu.memory_space<hbm>>) target_semaphore(%arg24 : memref<!tpu.dma_semaphore, #tpu.memory_space<semaphore_mem>>)
      %dma_wait3A_685 = tpu.memref_bitcast %arg5 : memref<128x2048x768xf16, #tpu.memory_space<hbm>> -> memref<128x1024x768xi32, #tpu.memory_space<hbm>>
      %dma_wait3A_686 = arith.constant 0 : i32
      %dma_wait3A_687 = arith.constant 0 : i32
      %dma_wait3A_688 = tpu.memref_slice %dma_wait3A_685[%mul3A_4, %dma_wait3A_686, %dma_wait3A_687] : memref<128x1024x768xi32, #tpu.memory_space<hbm>> -> memref<1x32x768xi32, #tpu.memory_space<hbm>>
      %dma_wait3A_689 = tpu.memref_squeeze %dma_wait3A_688 : memref<1x32x768xi32, #tpu.memory_space<hbm>> -> memref<32x768xi32, #tpu.memory_space<hbm>>
      %dma_wait3A_690 = tpu.memref_bitcast %arg5 : memref<128x2048x768xf16, #tpu.memory_space<hbm>> -> memref<128x1024x768xi32, #tpu.memory_space<hbm>>
      %dma_wait3A_691 = arith.constant 0 : i32
      %dma_wait3A_692 = arith.constant 0 : i32
      %dma_wait3A_693 = tpu.memref_slice %dma_wait3A_690[%mul3A_4, %dma_wait3A_691, %dma_wait3A_692] : memref<128x1024x768xi32, #tpu.memory_space<hbm>> -> memref<1x32x768xi32, #tpu.memory_space<hbm>>
      %dma_wait3A_694 = tpu.memref_squeeze %dma_wait3A_693 : memref<1x32x768xi32, #tpu.memory_space<hbm>> -> memref<32x768xi32, #tpu.memory_space<hbm>>
      tpu.wait_dma2 semaphore(%arg25 : memref<!tpu.dma_semaphore, #tpu.memory_space<semaphore_mem>>) src(%arg13 : memref<32x768xi32, #tpu.memory_space<vmem>>) dst(%dma_wait3A_694 : memref<32x768xi32, #tpu.memory_space<hbm>>)
      %add3A_695 = arith.constant 4 : i32
      %add3A_696 = arith.addi %mul3A_260, %add3A_695 : i32
      %add3A_697 = arith.constant 3 : i32
      %add3A_698 = arith.addi %add3A_696, %add3A_697 : i32
      %jit3A_699 = arith.constant 16 : i32
      %div3A_700 = arith.divsi %add3A_698, %jit3A_699 : i32
      %sign3A_701 = arith.constant 0 : i32
      %sign3A_702 = arith.cmpi sgt, %add3A_698, %sign3A_701 : i32
      %sign3A_703 = arith.extui %sign3A_702 : i1 to i32
      %sign3A_704 = arith.constant 0 : i32
      %sign3A_705 = arith.cmpi slt, %add3A_698, %sign3A_704 : i32
      %sign3A_706 = arith.extui %sign3A_705 : i1 to i32
      %sign3A_707 = arith.subi %sign3A_703, %sign3A_706 : i32
      %sign3A_708 = arith.constant 0 : i32
      %sign3A_709 = arith.cmpi sgt, %jit3A_699, %sign3A_708 : i32
      %sign3A_710 = arith.extui %sign3A_709 : i1 to i32
      %sign3A_711 = arith.constant 0 : i32
      %sign3A_712 = arith.cmpi slt, %jit3A_699, %sign3A_711 : i32
      %sign3A_713 = arith.extui %sign3A_712 : i1 to i32
      %sign3A_714 = arith.subi %sign3A_710, %sign3A_713 : i32
      %ne3A_715 = arith.cmpi ne, %sign3A_707, %sign3A_714 : i32
      %rem3A_716 = arith.remsi %add3A_698, %jit3A_699 : i32
      %ne3A_717 = arith.constant 0 : i32
      %ne3A_718 = arith.cmpi ne, %rem3A_716, %ne3A_717 : i32
      %and3A_719 = arith.andi %ne3A_715, %ne3A_718 : i1
      %sub3A_720 = arith.constant 1 : i32
      %sub3A_721 = arith.subi %div3A_700, %sub3A_720 : i32
      %select_n3A_722 = arith.select %and3A_719, %sub3A_721, %div3A_700 : i32
      %jit3A_723 = arith.constant 16 : i32
      %eq3A_724 = arith.constant 0 : i32
      %eq3A_725 = arith.cmpi eq, %jit3A_723, %eq3A_724 : i32
      %jit3A_726 = arith.constant 1 : i32
      %select_n3A_727 = arith.select %eq3A_725, %jit3A_726, %jit3A_723 : i32
      %rem3A_728 = arith.remsi %add3A_698, %select_n3A_727 : i32
      %ne3A_729 = arith.constant 0 : i32
      %ne3A_730 = arith.cmpi ne, %rem3A_728, %ne3A_729 : i32
      %lt3A_731 = arith.constant 0 : i32
      %lt3A_732 = arith.cmpi slt, %rem3A_728, %lt3A_731 : i32
      %lt3A_733 = arith.constant 0 : i32
      %lt3A_734 = arith.cmpi slt, %select_n3A_727, %lt3A_733 : i32
      %ne3A_735 = arith.xori %lt3A_732, %lt3A_734 : i1
      %and3A_736 = arith.andi %ne3A_735, %ne3A_730 : i1
      %add3A_737 = arith.addi %rem3A_728, %select_n3A_727 : i32
      %select_n3A_738 = arith.select %and3A_736, %add3A_737, %rem3A_728 : i32
      %add3A_739 = arith.constant 16 : i32
      %add3A_740 = arith.addi %add3A_739, %select_n3A_738 : i32
      %mul3A_741 = arith.constant 32 : i32
      %mul3A_742 = arith.muli %add3A_740, %mul3A_741 : i32
      %add3A_743 = arith.addi %mul3A_4, %select_n3A_722 : i32
      %dma_start3A_744 = tpu.memref_bitcast %arg5 : memref<128x2048x768xf16, #tpu.memory_space<hbm>> -> memref<128x1024x768xi32, #tpu.memory_space<hbm>>
      %dma_start3A_745 = arith.constant 0 : i32
      %dma_start3A_746 = tpu.memref_slice %dma_start3A_744[%add3A_743, %mul3A_742, %dma_start3A_745] : memref<128x1024x768xi32, #tpu.memory_space<hbm>> -> memref<1x32x768xi32, #tpu.memory_space<hbm>>
      %dma_start3A_747 = tpu.memref_squeeze %dma_start3A_746 : memref<1x32x768xi32, #tpu.memory_space<hbm>> -> memref<32x768xi32, #tpu.memory_space<hbm>>
      %dma_start3A_748 = tpu.memref_bitcast %arg5 : memref<128x2048x768xf16, #tpu.memory_space<hbm>> -> memref<128x1024x768xi32, #tpu.memory_space<hbm>>
      %dma_start3A_749 = arith.constant 0 : i32
      %dma_start3A_750 = tpu.memref_slice %dma_start3A_748[%add3A_743, %mul3A_742, %dma_start3A_749] : memref<128x1024x768xi32, #tpu.memory_space<hbm>> -> memref<1x32x768xi32, #tpu.memory_space<hbm>>
      %dma_start3A_751 = tpu.memref_squeeze %dma_start3A_750 : memref<1x32x768xi32, #tpu.memory_space<hbm>> -> memref<32x768xi32, #tpu.memory_space<hbm>>
      tpu.enqueue_dma source(%arg13 : memref<32x768xi32, #tpu.memory_space<vmem>>) target(%dma_start3A_751 : memref<32x768xi32, #tpu.memory_space<hbm>>) target_semaphore(%arg25 : memref<!tpu.dma_semaphore, #tpu.memory_space<semaphore_mem>>)
      %dma_wait3A_752 = tpu.memref_bitcast %arg5 : memref<128x2048x768xf16, #tpu.memory_space<hbm>> -> memref<128x1024x768xi32, #tpu.memory_space<hbm>>
      %dma_wait3A_753 = arith.constant 0 : i32
      %dma_wait3A_754 = arith.constant 0 : i32
      %dma_wait3A_755 = tpu.memref_slice %dma_wait3A_752[%mul3A_4, %dma_wait3A_753, %dma_wait3A_754] : memref<128x1024x768xi32, #tpu.memory_space<hbm>> -> memref<1x32x768xi32, #tpu.memory_space<hbm>>
      %dma_wait3A_756 = tpu.memref_squeeze %dma_wait3A_755 : memref<1x32x768xi32, #tpu.memory_space<hbm>> -> memref<32x768xi32, #tpu.memory_space<hbm>>
      %dma_wait3A_757 = tpu.memref_bitcast %arg5 : memref<128x2048x768xf16, #tpu.memory_space<hbm>> -> memref<128x1024x768xi32, #tpu.memory_space<hbm>>
      %dma_wait3A_758 = arith.constant 0 : i32
      %dma_wait3A_759 = arith.constant 0 : i32
      %dma_wait3A_760 = tpu.memref_slice %dma_wait3A_757[%mul3A_4, %dma_wait3A_758, %dma_wait3A_759] : memref<128x1024x768xi32, #tpu.memory_space<hbm>> -> memref<1x32x768xi32, #tpu.memory_space<hbm>>
      %dma_wait3A_761 = tpu.memref_squeeze %dma_wait3A_760 : memref<1x32x768xi32, #tpu.memory_space<hbm>> -> memref<32x768xi32, #tpu.memory_space<hbm>>
      tpu.wait_dma2 semaphore(%arg18 : memref<!tpu.dma_semaphore, #tpu.memory_space<semaphore_mem>>) src(%arg9 : memref<32x768xi32, #tpu.memory_space<vmem>>) dst(%dma_wait3A_761 : memref<32x768xi32, #tpu.memory_space<hbm>>)
      %add3A_762 = arith.constant 4 : i32
      %add3A_763 = arith.addi %mul3A_260, %add3A_762 : i32
      %add3A_764 = arith.constant 0 : i32
      %add3A_765 = arith.addi %add3A_763, %add3A_764 : i32
      %jit3A_766 = arith.constant 16 : i32
      %div3A_767 = arith.divsi %add3A_765, %jit3A_766 : i32
      %sign3A_768 = arith.constant 0 : i32
      %sign3A_769 = arith.cmpi sgt, %add3A_765, %sign3A_768 : i32
      %sign3A_770 = arith.extui %sign3A_769 : i1 to i32
      %sign3A_771 = arith.constant 0 : i32
      %sign3A_772 = arith.cmpi slt, %add3A_765, %sign3A_771 : i32
      %sign3A_773 = arith.extui %sign3A_772 : i1 to i32
      %sign3A_774 = arith.subi %sign3A_770, %sign3A_773 : i32
      %sign3A_775 = arith.constant 0 : i32
      %sign3A_776 = arith.cmpi sgt, %jit3A_766, %sign3A_775 : i32
      %sign3A_777 = arith.extui %sign3A_776 : i1 to i32
      %sign3A_778 = arith.constant 0 : i32
      %sign3A_779 = arith.cmpi slt, %jit3A_766, %sign3A_778 : i32
      %sign3A_780 = arith.extui %sign3A_779 : i1 to i32
      %sign3A_781 = arith.subi %sign3A_777, %sign3A_780 : i32
      %ne3A_782 = arith.cmpi ne, %sign3A_774, %sign3A_781 : i32
      %rem3A_783 = arith.remsi %add3A_765, %jit3A_766 : i32
      %ne3A_784 = arith.constant 0 : i32
      %ne3A_785 = arith.cmpi ne, %rem3A_783, %ne3A_784 : i32
      %and3A_786 = arith.andi %ne3A_782, %ne3A_785 : i1
      %sub3A_787 = arith.constant 1 : i32
      %sub3A_788 = arith.subi %div3A_767, %sub3A_787 : i32
      %select_n3A_789 = arith.select %and3A_786, %sub3A_788, %div3A_767 : i32
      %jit3A_790 = arith.constant 16 : i32
      %eq3A_791 = arith.constant 0 : i32
      %eq3A_792 = arith.cmpi eq, %jit3A_790, %eq3A_791 : i32
      %jit3A_793 = arith.constant 1 : i32
      %select_n3A_794 = arith.select %eq3A_792, %jit3A_793, %jit3A_790 : i32
      %rem3A_795 = arith.remsi %add3A_765, %select_n3A_794 : i32
      %ne3A_796 = arith.constant 0 : i32
      %ne3A_797 = arith.cmpi ne, %rem3A_795, %ne3A_796 : i32
      %lt3A_798 = arith.constant 0 : i32
      %lt3A_799 = arith.cmpi slt, %rem3A_795, %lt3A_798 : i32
      %lt3A_800 = arith.constant 0 : i32
      %lt3A_801 = arith.cmpi slt, %select_n3A_794, %lt3A_800 : i32
      %ne3A_802 = arith.xori %lt3A_799, %lt3A_801 : i1
      %and3A_803 = arith.andi %ne3A_802, %ne3A_797 : i1
      %add3A_804 = arith.addi %rem3A_795, %select_n3A_794 : i32
      %select_n3A_805 = arith.select %and3A_803, %add3A_804, %rem3A_795 : i32
      %mul3A_806 = arith.constant 32 : i32
      %mul3A_807 = arith.muli %select_n3A_805, %mul3A_806 : i32
      %mul3A_808 = arith.constant 1024 : i32
      %mul3A_809 = arith.muli %select_n3A_789, %mul3A_808 : i32
      %add3A_810 = arith.addi %mul3A_809, %mul3A_807 : i32
      %dma_start3A_811 = tpu.memref_slice %arg6[%add3A_810] : memref<4096xi32, #tpu.memory_space<vmem>> -> memref<32xi32, #tpu.memory_space<vmem>>
      %dma_start3A_812 = arith.constant 0 : i32
      %dma_start3A_813 = arith.constant 0 : i32
      %dma_start3A_814 = tpu.memref_slice %arg4[%dma_start3A_812, %dma_start3A_813] : memref<3872x768xi32, #tpu.memory_space<hbm>> -> memref<3872x768xi32, #tpu.memory_space<hbm>>
      tpu.enqueue_indirect_dma source(%dma_start3A_814 : memref<3872x768xi32, #tpu.memory_space<hbm>>) target(%arg9 : memref<32x768xi32, #tpu.memory_space<vmem>>) offsets(%dma_start3A_811 : memref<32xi32, #tpu.memory_space<vmem>>) semaphore(%arg14 : memref<!tpu.dma_semaphore, #tpu.memory_space<semaphore_mem>>)
      %dma_wait3A_815 = tpu.memref_bitcast %arg5 : memref<128x2048x768xf16, #tpu.memory_space<hbm>> -> memref<128x1024x768xi32, #tpu.memory_space<hbm>>
      %dma_wait3A_816 = arith.constant 0 : i32
      %dma_wait3A_817 = arith.constant 0 : i32
      %dma_wait3A_818 = tpu.memref_slice %dma_wait3A_815[%mul3A_4, %dma_wait3A_816, %dma_wait3A_817] : memref<128x1024x768xi32, #tpu.memory_space<hbm>> -> memref<1x32x768xi32, #tpu.memory_space<hbm>>
      %dma_wait3A_819 = tpu.memref_squeeze %dma_wait3A_818 : memref<1x32x768xi32, #tpu.memory_space<hbm>> -> memref<32x768xi32, #tpu.memory_space<hbm>>
      %dma_wait3A_820 = tpu.memref_bitcast %arg5 : memref<128x2048x768xf16, #tpu.memory_space<hbm>> -> memref<128x1024x768xi32, #tpu.memory_space<hbm>>
      %dma_wait3A_821 = arith.constant 0 : i32
      %dma_wait3A_822 = arith.constant 0 : i32
      %dma_wait3A_823 = tpu.memref_slice %dma_wait3A_820[%mul3A_4, %dma_wait3A_821, %dma_wait3A_822] : memref<128x1024x768xi32, #tpu.memory_space<hbm>> -> memref<1x32x768xi32, #tpu.memory_space<hbm>>
      %dma_wait3A_824 = tpu.memref_squeeze %dma_wait3A_823 : memref<1x32x768xi32, #tpu.memory_space<hbm>> -> memref<32x768xi32, #tpu.memory_space<hbm>>
      tpu.wait_dma2 semaphore(%arg19 : memref<!tpu.dma_semaphore, #tpu.memory_space<semaphore_mem>>) src(%arg10 : memref<32x768xi32, #tpu.memory_space<vmem>>) dst(%dma_wait3A_824 : memref<32x768xi32, #tpu.memory_space<hbm>>)
      %add3A_825 = arith.constant 4 : i32
      %add3A_826 = arith.addi %mul3A_260, %add3A_825 : i32
      %add3A_827 = arith.constant 1 : i32
      %add3A_828 = arith.addi %add3A_826, %add3A_827 : i32
      %jit3A_829 = arith.constant 16 : i32
      %div3A_830 = arith.divsi %add3A_828, %jit3A_829 : i32
      %sign3A_831 = arith.constant 0 : i32
      %sign3A_832 = arith.cmpi sgt, %add3A_828, %sign3A_831 : i32
      %sign3A_833 = arith.extui %sign3A_832 : i1 to i32
      %sign3A_834 = arith.constant 0 : i32
      %sign3A_835 = arith.cmpi slt, %add3A_828, %sign3A_834 : i32
      %sign3A_836 = arith.extui %sign3A_835 : i1 to i32
      %sign3A_837 = arith.subi %sign3A_833, %sign3A_836 : i32
      %sign3A_838 = arith.constant 0 : i32
      %sign3A_839 = arith.cmpi sgt, %jit3A_829, %sign3A_838 : i32
      %sign3A_840 = arith.extui %sign3A_839 : i1 to i32
      %sign3A_841 = arith.constant 0 : i32
      %sign3A_842 = arith.cmpi slt, %jit3A_829, %sign3A_841 : i32
      %sign3A_843 = arith.extui %sign3A_842 : i1 to i32
      %sign3A_844 = arith.subi %sign3A_840, %sign3A_843 : i32
      %ne3A_845 = arith.cmpi ne, %sign3A_837, %sign3A_844 : i32
      %rem3A_846 = arith.remsi %add3A_828, %jit3A_829 : i32
      %ne3A_847 = arith.constant 0 : i32
      %ne3A_848 = arith.cmpi ne, %rem3A_846, %ne3A_847 : i32
      %and3A_849 = arith.andi %ne3A_845, %ne3A_848 : i1
      %sub3A_850 = arith.constant 1 : i32
      %sub3A_851 = arith.subi %div3A_830, %sub3A_850 : i32
      %select_n3A_852 = arith.select %and3A_849, %sub3A_851, %div3A_830 : i32
      %jit3A_853 = arith.constant 16 : i32
      %eq3A_854 = arith.constant 0 : i32
      %eq3A_855 = arith.cmpi eq, %jit3A_853, %eq3A_854 : i32
      %jit3A_856 = arith.constant 1 : i32
      %select_n3A_857 = arith.select %eq3A_855, %jit3A_856, %jit3A_853 : i32
      %rem3A_858 = arith.remsi %add3A_828, %select_n3A_857 : i32
      %ne3A_859 = arith.constant 0 : i32
      %ne3A_860 = arith.cmpi ne, %rem3A_858, %ne3A_859 : i32
      %lt3A_861 = arith.constant 0 : i32
      %lt3A_862 = arith.cmpi slt, %rem3A_858, %lt3A_861 : i32
      %lt3A_863 = arith.constant 0 : i32
      %lt3A_864 = arith.cmpi slt, %select_n3A_857, %lt3A_863 : i32
      %ne3A_865 = arith.xori %lt3A_862, %lt3A_864 : i1
      %and3A_866 = arith.andi %ne3A_865, %ne3A_860 : i1
      %add3A_867 = arith.addi %rem3A_858, %select_n3A_857 : i32
      %select_n3A_868 = arith.select %and3A_866, %add3A_867, %rem3A_858 : i32
      %mul3A_869 = arith.constant 32 : i32
      %mul3A_870 = arith.muli %select_n3A_868, %mul3A_869 : i32
      %mul3A_871 = arith.constant 1024 : i32
      %mul3A_872 = arith.muli %select_n3A_852, %mul3A_871 : i32
      %add3A_873 = arith.addi %mul3A_872, %mul3A_870 : i32
      %dma_start3A_874 = tpu.memref_slice %arg6[%add3A_873] : memref<4096xi32, #tpu.memory_space<vmem>> -> memref<32xi32, #tpu.memory_space<vmem>>
      %dma_start3A_875 = arith.constant 0 : i32
      %dma_start3A_876 = arith.constant 0 : i32
      %dma_start3A_877 = tpu.memref_slice %arg4[%dma_start3A_875, %dma_start3A_876] : memref<3872x768xi32, #tpu.memory_space<hbm>> -> memref<3872x768xi32, #tpu.memory_space<hbm>>
      tpu.enqueue_indirect_dma source(%dma_start3A_877 : memref<3872x768xi32, #tpu.memory_space<hbm>>) target(%arg10 : memref<32x768xi32, #tpu.memory_space<vmem>>) offsets(%dma_start3A_874 : memref<32xi32, #tpu.memory_space<vmem>>) semaphore(%arg15 : memref<!tpu.dma_semaphore, #tpu.memory_space<semaphore_mem>>)
      %dma_wait3A_878 = tpu.memref_bitcast %arg5 : memref<128x2048x768xf16, #tpu.memory_space<hbm>> -> memref<128x1024x768xi32, #tpu.memory_space<hbm>>
      %dma_wait3A_879 = arith.constant 0 : i32
      %dma_wait3A_880 = arith.constant 0 : i32
      %dma_wait3A_881 = tpu.memref_slice %dma_wait3A_878[%mul3A_4, %dma_wait3A_879, %dma_wait3A_880] : memref<128x1024x768xi32, #tpu.memory_space<hbm>> -> memref<1x32x768xi32, #tpu.memory_space<hbm>>
      %dma_wait3A_882 = tpu.memref_squeeze %dma_wait3A_881 : memref<1x32x768xi32, #tpu.memory_space<hbm>> -> memref<32x768xi32, #tpu.memory_space<hbm>>
      %dma_wait3A_883 = tpu.memref_bitcast %arg5 : memref<128x2048x768xf16, #tpu.memory_space<hbm>> -> memref<128x1024x768xi32, #tpu.memory_space<hbm>>
      %dma_wait3A_884 = arith.constant 0 : i32
      %dma_wait3A_885 = arith.constant 0 : i32
      %dma_wait3A_886 = tpu.memref_slice %dma_wait3A_883[%mul3A_4, %dma_wait3A_884, %dma_wait3A_885] : memref<128x1024x768xi32, #tpu.memory_space<hbm>> -> memref<1x32x768xi32, #tpu.memory_space<hbm>>
      %dma_wait3A_887 = tpu.memref_squeeze %dma_wait3A_886 : memref<1x32x768xi32, #tpu.memory_space<hbm>> -> memref<32x768xi32, #tpu.memory_space<hbm>>
      tpu.wait_dma2 semaphore(%arg20 : memref<!tpu.dma_semaphore, #tpu.memory_space<semaphore_mem>>) src(%arg11 : memref<32x768xi32, #tpu.memory_space<vmem>>) dst(%dma_wait3A_887 : memref<32x768xi32, #tpu.memory_space<hbm>>)
      %add3A_888 = arith.constant 4 : i32
      %add3A_889 = arith.addi %mul3A_260, %add3A_888 : i32
      %add3A_890 = arith.constant 2 : i32
      %add3A_891 = arith.addi %add3A_889, %add3A_890 : i32
      %jit3A_892 = arith.constant 16 : i32
      %div3A_893 = arith.divsi %add3A_891, %jit3A_892 : i32
      %sign3A_894 = arith.constant 0 : i32
      %sign3A_895 = arith.cmpi sgt, %add3A_891, %sign3A_894 : i32
      %sign3A_896 = arith.extui %sign3A_895 : i1 to i32
      %sign3A_897 = arith.constant 0 : i32
      %sign3A_898 = arith.cmpi slt, %add3A_891, %sign3A_897 : i32
      %sign3A_899 = arith.extui %sign3A_898 : i1 to i32
      %sign3A_900 = arith.subi %sign3A_896, %sign3A_899 : i32
      %sign3A_901 = arith.constant 0 : i32
      %sign3A_902 = arith.cmpi sgt, %jit3A_892, %sign3A_901 : i32
      %sign3A_903 = arith.extui %sign3A_902 : i1 to i32
      %sign3A_904 = arith.constant 0 : i32
      %sign3A_905 = arith.cmpi slt, %jit3A_892, %sign3A_904 : i32
      %sign3A_906 = arith.extui %sign3A_905 : i1 to i32
      %sign3A_907 = arith.subi %sign3A_903, %sign3A_906 : i32
      %ne3A_908 = arith.cmpi ne, %sign3A_900, %sign3A_907 : i32
      %rem3A_909 = arith.remsi %add3A_891, %jit3A_892 : i32
      %ne3A_910 = arith.constant 0 : i32
      %ne3A_911 = arith.cmpi ne, %rem3A_909, %ne3A_910 : i32
      %and3A_912 = arith.andi %ne3A_908, %ne3A_911 : i1
      %sub3A_913 = arith.constant 1 : i32
      %sub3A_914 = arith.subi %div3A_893, %sub3A_913 : i32
      %select_n3A_915 = arith.select %and3A_912, %sub3A_914, %div3A_893 : i32
      %jit3A_916 = arith.constant 16 : i32
      %eq3A_917 = arith.constant 0 : i32
      %eq3A_918 = arith.cmpi eq, %jit3A_916, %eq3A_917 : i32
      %jit3A_919 = arith.constant 1 : i32
      %select_n3A_920 = arith.select %eq3A_918, %jit3A_919, %jit3A_916 : i32
      %rem3A_921 = arith.remsi %add3A_891, %select_n3A_920 : i32
      %ne3A_922 = arith.constant 0 : i32
      %ne3A_923 = arith.cmpi ne, %rem3A_921, %ne3A_922 : i32
      %lt3A_924 = arith.constant 0 : i32
      %lt3A_925 = arith.cmpi slt, %rem3A_921, %lt3A_924 : i32
      %lt3A_926 = arith.constant 0 : i32
      %lt3A_927 = arith.cmpi slt, %select_n3A_920, %lt3A_926 : i32
      %ne3A_928 = arith.xori %lt3A_925, %lt3A_927 : i1
      %and3A_929 = arith.andi %ne3A_928, %ne3A_923 : i1
      %add3A_930 = arith.addi %rem3A_921, %select_n3A_920 : i32
      %select_n3A_931 = arith.select %and3A_929, %add3A_930, %rem3A_921 : i32
      %mul3A_932 = arith.constant 32 : i32
      %mul3A_933 = arith.muli %select_n3A_931, %mul3A_932 : i32
      %mul3A_934 = arith.constant 1024 : i32
      %mul3A_935 = arith.muli %select_n3A_915, %mul3A_934 : i32
      %add3A_936 = arith.addi %mul3A_935, %mul3A_933 : i32
      %dma_start3A_937 = tpu.memref_slice %arg6[%add3A_936] : memref<4096xi32, #tpu.memory_space<vmem>> -> memref<32xi32, #tpu.memory_space<vmem>>
      %dma_start3A_938 = arith.constant 0 : i32
      %dma_start3A_939 = arith.constant 0 : i32
      %dma_start3A_940 = tpu.memref_slice %arg4[%dma_start3A_938, %dma_start3A_939] : memref<3872x768xi32, #tpu.memory_space<hbm>> -> memref<3872x768xi32, #tpu.memory_space<hbm>>
      tpu.enqueue_indirect_dma source(%dma_start3A_940 : memref<3872x768xi32, #tpu.memory_space<hbm>>) target(%arg11 : memref<32x768xi32, #tpu.memory_space<vmem>>) offsets(%dma_start3A_937 : memref<32xi32, #tpu.memory_space<vmem>>) semaphore(%arg16 : memref<!tpu.dma_semaphore, #tpu.memory_space<semaphore_mem>>)
      %dma_wait3A_941 = tpu.memref_bitcast %arg5 : memref<128x2048x768xf16, #tpu.memory_space<hbm>> -> memref<128x1024x768xi32, #tpu.memory_space<hbm>>
      %dma_wait3A_942 = arith.constant 0 : i32
      %dma_wait3A_943 = arith.constant 0 : i32
      %dma_wait3A_944 = tpu.memref_slice %dma_wait3A_941[%mul3A_4, %dma_wait3A_942, %dma_wait3A_943] : memref<128x1024x768xi32, #tpu.memory_space<hbm>> -> memref<1x32x768xi32, #tpu.memory_space<hbm>>
      %dma_wait3A_945 = tpu.memref_squeeze %dma_wait3A_944 : memref<1x32x768xi32, #tpu.memory_space<hbm>> -> memref<32x768xi32, #tpu.memory_space<hbm>>
      %dma_wait3A_946 = tpu.memref_bitcast %arg5 : memref<128x2048x768xf16, #tpu.memory_space<hbm>> -> memref<128x1024x768xi32, #tpu.memory_space<hbm>>
      %dma_wait3A_947 = arith.constant 0 : i32
      %dma_wait3A_948 = arith.constant 0 : i32
      %dma_wait3A_949 = tpu.memref_slice %dma_wait3A_946[%mul3A_4, %dma_wait3A_947, %dma_wait3A_948] : memref<128x1024x768xi32, #tpu.memory_space<hbm>> -> memref<1x32x768xi32, #tpu.memory_space<hbm>>
      %dma_wait3A_950 = tpu.memref_squeeze %dma_wait3A_949 : memref<1x32x768xi32, #tpu.memory_space<hbm>> -> memref<32x768xi32, #tpu.memory_space<hbm>>
      tpu.wait_dma2 semaphore(%arg21 : memref<!tpu.dma_semaphore, #tpu.memory_space<semaphore_mem>>) src(%arg12 : memref<32x768xi32, #tpu.memory_space<vmem>>) dst(%dma_wait3A_950 : memref<32x768xi32, #tpu.memory_space<hbm>>)
      %add3A_951 = arith.constant 4 : i32
      %add3A_952 = arith.addi %mul3A_260, %add3A_951 : i32
      %add3A_953 = arith.constant 3 : i32
      %add3A_954 = arith.addi %add3A_952, %add3A_953 : i32
      %jit3A_955 = arith.constant 16 : i32
      %div3A_956 = arith.divsi %add3A_954, %jit3A_955 : i32
      %sign3A_957 = arith.constant 0 : i32
      %sign3A_958 = arith.cmpi sgt, %add3A_954, %sign3A_957 : i32
      %sign3A_959 = arith.extui %sign3A_958 : i1 to i32
      %sign3A_960 = arith.constant 0 : i32
      %sign3A_961 = arith.cmpi slt, %add3A_954, %sign3A_960 : i32
      %sign3A_962 = arith.extui %sign3A_961 : i1 to i32
      %sign3A_963 = arith.subi %sign3A_959, %sign3A_962 : i32
      %sign3A_964 = arith.constant 0 : i32
      %sign3A_965 = arith.cmpi sgt, %jit3A_955, %sign3A_964 : i32
      %sign3A_966 = arith.extui %sign3A_965 : i1 to i32
      %sign3A_967 = arith.constant 0 : i32
      %sign3A_968 = arith.cmpi slt, %jit3A_955, %sign3A_967 : i32
      %sign3A_969 = arith.extui %sign3A_968 : i1 to i32
      %sign3A_970 = arith.subi %sign3A_966, %sign3A_969 : i32
      %ne3A_971 = arith.cmpi ne, %sign3A_963, %sign3A_970 : i32
      %rem3A_972 = arith.remsi %add3A_954, %jit3A_955 : i32
      %ne3A_973 = arith.constant 0 : i32
      %ne3A_974 = arith.cmpi ne, %rem3A_972, %ne3A_973 : i32
      %and3A_975 = arith.andi %ne3A_971, %ne3A_974 : i1
      %sub3A_976 = arith.constant 1 : i32
      %sub3A_977 = arith.subi %div3A_956, %sub3A_976 : i32
      %select_n3A_978 = arith.select %and3A_975, %sub3A_977, %div3A_956 : i32
      %jit3A_979 = arith.constant 16 : i32
      %eq3A_980 = arith.constant 0 : i32
      %eq3A_981 = arith.cmpi eq, %jit3A_979, %eq3A_980 : i32
      %jit3A_982 = arith.constant 1 : i32
      %select_n3A_983 = arith.select %eq3A_981, %jit3A_982, %jit3A_979 : i32
      %rem3A_984 = arith.remsi %add3A_954, %select_n3A_983 : i32
      %ne3A_985 = arith.constant 0 : i32
      %ne3A_986 = arith.cmpi ne, %rem3A_984, %ne3A_985 : i32
      %lt3A_987 = arith.constant 0 : i32
      %lt3A_988 = arith.cmpi slt, %rem3A_984, %lt3A_987 : i32
      %lt3A_989 = arith.constant 0 : i32
      %lt3A_990 = arith.cmpi slt, %select_n3A_983, %lt3A_989 : i32
      %ne3A_991 = arith.xori %lt3A_988, %lt3A_990 : i1
      %and3A_992 = arith.andi %ne3A_991, %ne3A_986 : i1
      %add3A_993 = arith.addi %rem3A_984, %select_n3A_983 : i32
      %select_n3A_994 = arith.select %and3A_992, %add3A_993, %rem3A_984 : i32
      %mul3A_995 = arith.constant 32 : i32
      %mul3A_996 = arith.muli %select_n3A_994, %mul3A_995 : i32
      %mul3A_997 = arith.constant 1024 : i32
      %mul3A_998 = arith.muli %select_n3A_978, %mul3A_997 : i32
      %add3A_999 = arith.addi %mul3A_998, %mul3A_996 : i32
      %dma_start3A_1000 = tpu.memref_slice %arg6[%add3A_999] : memref<4096xi32, #tpu.memory_space<vmem>> -> memref<32xi32, #tpu.memory_space<vmem>>
      %dma_start3A_1001 = arith.constant 0 : i32
      %dma_start3A_1002 = arith.constant 0 : i32
      %dma_start3A_1003 = tpu.memref_slice %arg4[%dma_start3A_1001, %dma_start3A_1002] : memref<3872x768xi32, #tpu.memory_space<hbm>> -> memref<3872x768xi32, #tpu.memory_space<hbm>>
      tpu.enqueue_indirect_dma source(%dma_start3A_1003 : memref<3872x768xi32, #tpu.memory_space<hbm>>) target(%arg12 : memref<32x768xi32, #tpu.memory_space<vmem>>) offsets(%dma_start3A_1000 : memref<32xi32, #tpu.memory_space<vmem>>) semaphore(%arg17 : memref<!tpu.dma_semaphore, #tpu.memory_space<semaphore_mem>>)
    }
    %scan3A_109 = arith.constant 15 : i32
    %dma_wait3A_110 = arith.constant 0 : i32
    %dma_wait3A_111 = tpu.memref_slice %arg6[%dma_wait3A_110] : memref<4096xi32, #tpu.memory_space<vmem>> -> memref<32xi32, #tpu.memory_space<vmem>>
    %dma_wait3A_112 = arith.constant 0 : i32
    %dma_wait3A_113 = arith.constant 0 : i32
    %dma_wait3A_114 = tpu.memref_slice %arg4[%dma_wait3A_112, %dma_wait3A_113] : memref<3872x768xi32, #tpu.memory_space<hbm>> -> memref<3872x768xi32, #tpu.memory_space<hbm>>
    tpu.wait_indirect_dma semaphore(%arg14 : memref<!tpu.dma_semaphore, #tpu.memory_space<semaphore_mem>>) src(%dma_wait3A_114 : memref<3872x768xi32, #tpu.memory_space<hbm>>) dst(%arg9 : memref<32x768xi32, #tpu.memory_space<vmem>>)
    %add3A_115 = arith.constant 3 : i32
    %add3A_116 = arith.addi %mul3A_4, %add3A_115 : i32
    %dma_start3A_117 = tpu.memref_bitcast %arg5 : memref<128x2048x768xf16, #tpu.memory_space<hbm>> -> memref<128x1024x768xi32, #tpu.memory_space<hbm>>
    %dma_start3A_118 = arith.constant 384 : i32
    %dma_start3A_119 = arith.constant 0 : i32
    %dma_start3A_120 = tpu.memref_slice %dma_start3A_117[%add3A_116, %dma_start3A_118, %dma_start3A_119] : memref<128x1024x768xi32, #tpu.memory_space<hbm>> -> memref<1x32x768xi32, #tpu.memory_space<hbm>>
    %dma_start3A_121 = tpu.memref_squeeze %dma_start3A_120 : memref<1x32x768xi32, #tpu.memory_space<hbm>> -> memref<32x768xi32, #tpu.memory_space<hbm>>
    %dma_start3A_122 = tpu.memref_bitcast %arg5 : memref<128x2048x768xf16, #tpu.memory_space<hbm>> -> memref<128x1024x768xi32, #tpu.memory_space<hbm>>
    %dma_start3A_123 = arith.constant 384 : i32
    %dma_start3A_124 = arith.constant 0 : i32
    %dma_start3A_125 = tpu.memref_slice %dma_start3A_122[%add3A_116, %dma_start3A_123, %dma_start3A_124] : memref<128x1024x768xi32, #tpu.memory_space<hbm>> -> memref<1x32x768xi32, #tpu.memory_space<hbm>>
    %dma_start3A_126 = tpu.memref_squeeze %dma_start3A_125 : memref<1x32x768xi32, #tpu.memory_space<hbm>> -> memref<32x768xi32, #tpu.memory_space<hbm>>
    tpu.enqueue_dma source(%arg9 : memref<32x768xi32, #tpu.memory_space<vmem>>) target(%dma_start3A_126 : memref<32x768xi32, #tpu.memory_space<hbm>>) target_semaphore(%arg18 : memref<!tpu.dma_semaphore, #tpu.memory_space<semaphore_mem>>)
    %dma_wait3A_127 = arith.constant 0 : i32
    %dma_wait3A_128 = tpu.memref_slice %arg6[%dma_wait3A_127] : memref<4096xi32, #tpu.memory_space<vmem>> -> memref<32xi32, #tpu.memory_space<vmem>>
    %dma_wait3A_129 = arith.constant 0 : i32
    %dma_wait3A_130 = arith.constant 0 : i32
    %dma_wait3A_131 = tpu.memref_slice %arg4[%dma_wait3A_129, %dma_wait3A_130] : memref<3872x768xi32, #tpu.memory_space<hbm>> -> memref<3872x768xi32, #tpu.memory_space<hbm>>
    tpu.wait_indirect_dma semaphore(%arg15 : memref<!tpu.dma_semaphore, #tpu.memory_space<semaphore_mem>>) src(%dma_wait3A_131 : memref<3872x768xi32, #tpu.memory_space<hbm>>) dst(%arg10 : memref<32x768xi32, #tpu.memory_space<vmem>>)
    %add3A_132 = arith.constant 3 : i32
    %add3A_133 = arith.addi %mul3A_4, %add3A_132 : i32
    %dma_start3A_134 = tpu.memref_bitcast %arg5 : memref<128x2048x768xf16, #tpu.memory_space<hbm>> -> memref<128x1024x768xi32, #tpu.memory_space<hbm>>
    %dma_start3A_135 = arith.constant 416 : i32
    %dma_start3A_136 = arith.constant 0 : i32
    %dma_start3A_137 = tpu.memref_slice %dma_start3A_134[%add3A_133, %dma_start3A_135, %dma_start3A_136] : memref<128x1024x768xi32, #tpu.memory_space<hbm>> -> memref<1x32x768xi32, #tpu.memory_space<hbm>>
    %dma_start3A_138 = tpu.memref_squeeze %dma_start3A_137 : memref<1x32x768xi32, #tpu.memory_space<hbm>> -> memref<32x768xi32, #tpu.memory_space<hbm>>
    %dma_start3A_139 = tpu.memref_bitcast %arg5 : memref<128x2048x768xf16, #tpu.memory_space<hbm>> -> memref<128x1024x768xi32, #tpu.memory_space<hbm>>
    %dma_start3A_140 = arith.constant 416 : i32
    %dma_start3A_141 = arith.constant 0 : i32
    %dma_start3A_142 = tpu.memref_slice %dma_start3A_139[%add3A_133, %dma_start3A_140, %dma_start3A_141] : memref<128x1024x768xi32, #tpu.memory_space<hbm>> -> memref<1x32x768xi32, #tpu.memory_space<hbm>>
    %dma_start3A_143 = tpu.memref_squeeze %dma_start3A_142 : memref<1x32x768xi32, #tpu.memory_space<hbm>> -> memref<32x768xi32, #tpu.memory_space<hbm>>
    tpu.enqueue_dma source(%arg10 : memref<32x768xi32, #tpu.memory_space<vmem>>) target(%dma_start3A_143 : memref<32x768xi32, #tpu.memory_space<hbm>>) target_semaphore(%arg19 : memref<!tpu.dma_semaphore, #tpu.memory_space<semaphore_mem>>)
    %dma_wait3A_144 = arith.constant 0 : i32
    %dma_wait3A_145 = tpu.memref_slice %arg6[%dma_wait3A_144] : memref<4096xi32, #tpu.memory_space<vmem>> -> memref<32xi32, #tpu.memory_space<vmem>>
    %dma_wait3A_146 = arith.constant 0 : i32
    %dma_wait3A_147 = arith.constant 0 : i32
    %dma_wait3A_148 = tpu.memref_slice %arg4[%dma_wait3A_146, %dma_wait3A_147] : memref<3872x768xi32, #tpu.memory_space<hbm>> -> memref<3872x768xi32, #tpu.memory_space<hbm>>
    tpu.wait_indirect_dma semaphore(%arg16 : memref<!tpu.dma_semaphore, #tpu.memory_space<semaphore_mem>>) src(%dma_wait3A_148 : memref<3872x768xi32, #tpu.memory_space<hbm>>) dst(%arg11 : memref<32x768xi32, #tpu.memory_space<vmem>>)
    %add3A_149 = arith.constant 3 : i32
    %add3A_150 = arith.addi %mul3A_4, %add3A_149 : i32
    %dma_start3A_151 = tpu.memref_bitcast %arg5 : memref<128x2048x768xf16, #tpu.memory_space<hbm>> -> memref<128x1024x768xi32, #tpu.memory_space<hbm>>
    %dma_start3A_152 = arith.constant 448 : i32
    %dma_start3A_153 = arith.constant 0 : i32
    %dma_start3A_154 = tpu.memref_slice %dma_start3A_151[%add3A_150, %dma_start3A_152, %dma_start3A_153] : memref<128x1024x768xi32, #tpu.memory_space<hbm>> -> memref<1x32x768xi32, #tpu.memory_space<hbm>>
    %dma_start3A_155 = tpu.memref_squeeze %dma_start3A_154 : memref<1x32x768xi32, #tpu.memory_space<hbm>> -> memref<32x768xi32, #tpu.memory_space<hbm>>
    %dma_start3A_156 = tpu.memref_bitcast %arg5 : memref<128x2048x768xf16, #tpu.memory_space<hbm>> -> memref<128x1024x768xi32, #tpu.memory_space<hbm>>
    %dma_start3A_157 = arith.constant 448 : i32
    %dma_start3A_158 = arith.constant 0 : i32
    %dma_start3A_159 = tpu.memref_slice %dma_start3A_156[%add3A_150, %dma_start3A_157, %dma_start3A_158] : memref<128x1024x768xi32, #tpu.memory_space<hbm>> -> memref<1x32x768xi32, #tpu.memory_space<hbm>>
    %dma_start3A_160 = tpu.memref_squeeze %dma_start3A_159 : memref<1x32x768xi32, #tpu.memory_space<hbm>> -> memref<32x768xi32, #tpu.memory_space<hbm>>
    tpu.enqueue_dma source(%arg11 : memref<32x768xi32, #tpu.memory_space<vmem>>) target(%dma_start3A_160 : memref<32x768xi32, #tpu.memory_space<hbm>>) target_semaphore(%arg20 : memref<!tpu.dma_semaphore, #tpu.memory_space<semaphore_mem>>)
    %dma_wait3A_161 = arith.constant 0 : i32
    %dma_wait3A_162 = tpu.memref_slice %arg6[%dma_wait3A_161] : memref<4096xi32, #tpu.memory_space<vmem>> -> memref<32xi32, #tpu.memory_space<vmem>>
    %dma_wait3A_163 = arith.constant 0 : i32
    %dma_wait3A_164 = arith.constant 0 : i32
    %dma_wait3A_165 = tpu.memref_slice %arg4[%dma_wait3A_163, %dma_wait3A_164] : memref<3872x768xi32, #tpu.memory_space<hbm>> -> memref<3872x768xi32, #tpu.memory_space<hbm>>
    tpu.wait_indirect_dma semaphore(%arg17 : memref<!tpu.dma_semaphore, #tpu.memory_space<semaphore_mem>>) src(%dma_wait3A_165 : memref<3872x768xi32, #tpu.memory_space<hbm>>) dst(%arg12 : memref<32x768xi32, #tpu.memory_space<vmem>>)
    %add3A_166 = arith.constant 3 : i32
    %add3A_167 = arith.addi %mul3A_4, %add3A_166 : i32
    %dma_start3A_168 = tpu.memref_bitcast %arg5 : memref<128x2048x768xf16, #tpu.memory_space<hbm>> -> memref<128x1024x768xi32, #tpu.memory_space<hbm>>
    %dma_start3A_169 = arith.constant 480 : i32
    %dma_start3A_170 = arith.constant 0 : i32
    %dma_start3A_171 = tpu.memref_slice %dma_start3A_168[%add3A_167, %dma_start3A_169, %dma_start3A_170] : memref<128x1024x768xi32, #tpu.memory_space<hbm>> -> memref<1x32x768xi32, #tpu.memory_space<hbm>>
    %dma_start3A_172 = tpu.memref_squeeze %dma_start3A_171 : memref<1x32x768xi32, #tpu.memory_space<hbm>> -> memref<32x768xi32, #tpu.memory_space<hbm>>
    %dma_start3A_173 = tpu.memref_bitcast %arg5 : memref<128x2048x768xf16, #tpu.memory_space<hbm>> -> memref<128x1024x768xi32, #tpu.memory_space<hbm>>
    %dma_start3A_174 = arith.constant 480 : i32
    %dma_start3A_175 = arith.constant 0 : i32
    %dma_start3A_176 = tpu.memref_slice %dma_start3A_173[%add3A_167, %dma_start3A_174, %dma_start3A_175] : memref<128x1024x768xi32, #tpu.memory_space<hbm>> -> memref<1x32x768xi32, #tpu.memory_space<hbm>>
    %dma_start3A_177 = tpu.memref_squeeze %dma_start3A_176 : memref<1x32x768xi32, #tpu.memory_space<hbm>> -> memref<32x768xi32, #tpu.memory_space<hbm>>
    tpu.enqueue_dma source(%arg12 : memref<32x768xi32, #tpu.memory_space<vmem>>) target(%dma_start3A_177 : memref<32x768xi32, #tpu.memory_space<hbm>>) target_semaphore(%arg21 : memref<!tpu.dma_semaphore, #tpu.memory_space<semaphore_mem>>)
    %dma_wait3A_178 = tpu.memref_bitcast %arg5 : memref<128x2048x768xf16, #tpu.memory_space<hbm>> -> memref<128x1024x768xi32, #tpu.memory_space<hbm>>
    %dma_wait3A_179 = arith.constant 0 : i32
    %dma_wait3A_180 = arith.constant 0 : i32
    %dma_wait3A_181 = tpu.memref_slice %dma_wait3A_178[%mul3A_4, %dma_wait3A_179, %dma_wait3A_180] : memref<128x1024x768xi32, #tpu.memory_space<hbm>> -> memref<1x32x768xi32, #tpu.memory_space<hbm>>
    %dma_wait3A_182 = tpu.memref_squeeze %dma_wait3A_181 : memref<1x32x768xi32, #tpu.memory_space<hbm>> -> memref<32x768xi32, #tpu.memory_space<hbm>>
    %dma_wait3A_183 = tpu.memref_bitcast %arg5 : memref<128x2048x768xf16, #tpu.memory_space<hbm>> -> memref<128x1024x768xi32, #tpu.memory_space<hbm>>
    %dma_wait3A_184 = arith.constant 0 : i32
    %dma_wait3A_185 = arith.constant 0 : i32
    %dma_wait3A_186 = tpu.memref_slice %dma_wait3A_183[%mul3A_4, %dma_wait3A_184, %dma_wait3A_185] : memref<128x1024x768xi32, #tpu.memory_space<hbm>> -> memref<1x32x768xi32, #tpu.memory_space<hbm>>
    %dma_wait3A_187 = tpu.memref_squeeze %dma_wait3A_186 : memref<1x32x768xi32, #tpu.memory_space<hbm>> -> memref<32x768xi32, #tpu.memory_space<hbm>>
    tpu.wait_dma2 semaphore(%arg18 : memref<!tpu.dma_semaphore, #tpu.memory_space<semaphore_mem>>) src(%arg9 : memref<32x768xi32, #tpu.memory_space<vmem>>) dst(%dma_wait3A_187 : memref<32x768xi32, #tpu.memory_space<hbm>>)
    %dma_wait3A_188 = tpu.memref_bitcast %arg5 : memref<128x2048x768xf16, #tpu.memory_space<hbm>> -> memref<128x1024x768xi32, #tpu.memory_space<hbm>>
    %dma_wait3A_189 = arith.constant 0 : i32
    %dma_wait3A_190 = arith.constant 0 : i32
    %dma_wait3A_191 = tpu.memref_slice %dma_wait3A_188[%mul3A_4, %dma_wait3A_189, %dma_wait3A_190] : memref<128x1024x768xi32, #tpu.memory_space<hbm>> -> memref<1x32x768xi32, #tpu.memory_space<hbm>>
    %dma_wait3A_192 = tpu.memref_squeeze %dma_wait3A_191 : memref<1x32x768xi32, #tpu.memory_space<hbm>> -> memref<32x768xi32, #tpu.memory_space<hbm>>
    %dma_wait3A_193 = tpu.memref_bitcast %arg5 : memref<128x2048x768xf16, #tpu.memory_space<hbm>> -> memref<128x1024x768xi32, #tpu.memory_space<hbm>>
    %dma_wait3A_194 = arith.constant 0 : i32
    %dma_wait3A_195 = arith.constant 0 : i32
    %dma_wait3A_196 = tpu.memref_slice %dma_wait3A_193[%mul3A_4, %dma_wait3A_194, %dma_wait3A_195] : memref<128x1024x768xi32, #tpu.memory_space<hbm>> -> memref<1x32x768xi32, #tpu.memory_space<hbm>>
    %dma_wait3A_197 = tpu.memref_squeeze %dma_wait3A_196 : memref<1x32x768xi32, #tpu.memory_space<hbm>> -> memref<32x768xi32, #tpu.memory_space<hbm>>
    tpu.wait_dma2 semaphore(%arg22 : memref<!tpu.dma_semaphore, #tpu.memory_space<semaphore_mem>>) src(%arg13 : memref<32x768xi32, #tpu.memory_space<vmem>>) dst(%dma_wait3A_197 : memref<32x768xi32, #tpu.memory_space<hbm>>)
    %dma_wait3A_198 = tpu.memref_bitcast %arg5 : memref<128x2048x768xf16, #tpu.memory_space<hbm>> -> memref<128x1024x768xi32, #tpu.memory_space<hbm>>
    %dma_wait3A_199 = arith.constant 0 : i32
    %dma_wait3A_200 = arith.constant 0 : i32
    %dma_wait3A_201 = tpu.memref_slice %dma_wait3A_198[%mul3A_4, %dma_wait3A_199, %dma_wait3A_200] : memref<128x1024x768xi32, #tpu.memory_space<hbm>> -> memref<1x32x768xi32, #tpu.memory_space<hbm>>
    %dma_wait3A_202 = tpu.memref_squeeze %dma_wait3A_201 : memref<1x32x768xi32, #tpu.memory_space<hbm>> -> memref<32x768xi32, #tpu.memory_space<hbm>>
    %dma_wait3A_203 = tpu.memref_bitcast %arg5 : memref<128x2048x768xf16, #tpu.memory_space<hbm>> -> memref<128x1024x768xi32, #tpu.memory_space<hbm>>
    %dma_wait3A_204 = arith.constant 0 : i32
    %dma_wait3A_205 = arith.constant 0 : i32
    %dma_wait3A_206 = tpu.memref_slice %dma_wait3A_203[%mul3A_4, %dma_wait3A_204, %dma_wait3A_205] : memref<128x1024x768xi32, #tpu.memory_space<hbm>> -> memref<1x32x768xi32, #tpu.memory_space<hbm>>
    %dma_wait3A_207 = tpu.memref_squeeze %dma_wait3A_206 : memref<1x32x768xi32, #tpu.memory_space<hbm>> -> memref<32x768xi32, #tpu.memory_space<hbm>>
    tpu.wait_dma2 semaphore(%arg19 : memref<!tpu.dma_semaphore, #tpu.memory_space<semaphore_mem>>) src(%arg10 : memref<32x768xi32, #tpu.memory_space<vmem>>) dst(%dma_wait3A_207 : memref<32x768xi32, #tpu.memory_space<hbm>>)
    %dma_wait3A_208 = tpu.memref_bitcast %arg5 : memref<128x2048x768xf16, #tpu.memory_space<hbm>> -> memref<128x1024x768xi32, #tpu.memory_space<hbm>>
    %dma_wait3A_209 = arith.constant 0 : i32
    %dma_wait3A_210 = arith.constant 0 : i32
    %dma_wait3A_211 = tpu.memref_slice %dma_wait3A_208[%mul3A_4, %dma_wait3A_209, %dma_wait3A_210] : memref<128x1024x768xi32, #tpu.memory_space<hbm>> -> memref<1x32x768xi32, #tpu.memory_space<hbm>>
    %dma_wait3A_212 = tpu.memref_squeeze %dma_wait3A_211 : memref<1x32x768xi32, #tpu.memory_space<hbm>> -> memref<32x768xi32, #tpu.memory_space<hbm>>
    %dma_wait3A_213 = tpu.memref_bitcast %arg5 : memref<128x2048x768xf16, #tpu.memory_space<hbm>> -> memref<128x1024x768xi32, #tpu.memory_space<hbm>>
    %dma_wait3A_214 = arith.constant 0 : i32
    %dma_wait3A_215 = arith.constant 0 : i32
    %dma_wait3A_216 = tpu.memref_slice %dma_wait3A_213[%mul3A_4, %dma_wait3A_214, %dma_wait3A_215] : memref<128x1024x768xi32, #tpu.memory_space<hbm>> -> memref<1x32x768xi32, #tpu.memory_space<hbm>>
    %dma_wait3A_217 = tpu.memref_squeeze %dma_wait3A_216 : memref<1x32x768xi32, #tpu.memory_space<hbm>> -> memref<32x768xi32, #tpu.memory_space<hbm>>
    tpu.wait_dma2 semaphore(%arg23 : memref<!tpu.dma_semaphore, #tpu.memory_space<semaphore_mem>>) src(%arg13 : memref<32x768xi32, #tpu.memory_space<vmem>>) dst(%dma_wait3A_217 : memref<32x768xi32, #tpu.memory_space<hbm>>)
    %dma_wait3A_218 = tpu.memref_bitcast %arg5 : memref<128x2048x768xf16, #tpu.memory_space<hbm>> -> memref<128x1024x768xi32, #tpu.memory_space<hbm>>
    %dma_wait3A_219 = arith.constant 0 : i32
    %dma_wait3A_220 = arith.constant 0 : i32
    %dma_wait3A_221 = tpu.memref_slice %dma_wait3A_218[%mul3A_4, %dma_wait3A_219, %dma_wait3A_220] : memref<128x1024x768xi32, #tpu.memory_space<hbm>> -> memref<1x32x768xi32, #tpu.memory_space<hbm>>
    %dma_wait3A_222 = tpu.memref_squeeze %dma_wait3A_221 : memref<1x32x768xi32, #tpu.memory_space<hbm>> -> memref<32x768xi32, #tpu.memory_space<hbm>>
    %dma_wait3A_223 = tpu.memref_bitcast %arg5 : memref<128x2048x768xf16, #tpu.memory_space<hbm>> -> memref<128x1024x768xi32, #tpu.memory_space<hbm>>
    %dma_wait3A_224 = arith.constant 0 : i32
    %dma_wait3A_225 = arith.constant 0 : i32
    %dma_wait3A_226 = tpu.memref_slice %dma_wait3A_223[%mul3A_4, %dma_wait3A_224, %dma_wait3A_225] : memref<128x1024x768xi32, #tpu.memory_space<hbm>> -> memref<1x32x768xi32, #tpu.memory_space<hbm>>
    %dma_wait3A_227 = tpu.memref_squeeze %dma_wait3A_226 : memref<1x32x768xi32, #tpu.memory_space<hbm>> -> memref<32x768xi32, #tpu.memory_space<hbm>>
    tpu.wait_dma2 semaphore(%arg20 : memref<!tpu.dma_semaphore, #tpu.memory_space<semaphore_mem>>) src(%arg11 : memref<32x768xi32, #tpu.memory_space<vmem>>) dst(%dma_wait3A_227 : memref<32x768xi32, #tpu.memory_space<hbm>>)
    %dma_wait3A_228 = tpu.memref_bitcast %arg5 : memref<128x2048x768xf16, #tpu.memory_space<hbm>> -> memref<128x1024x768xi32, #tpu.memory_space<hbm>>
    %dma_wait3A_229 = arith.constant 0 : i32
    %dma_wait3A_230 = arith.constant 0 : i32
    %dma_wait3A_231 = tpu.memref_slice %dma_wait3A_228[%mul3A_4, %dma_wait3A_229, %dma_wait3A_230] : memref<128x1024x768xi32, #tpu.memory_space<hbm>> -> memref<1x32x768xi32, #tpu.memory_space<hbm>>
    %dma_wait3A_232 = tpu.memref_squeeze %dma_wait3A_231 : memref<1x32x768xi32, #tpu.memory_space<hbm>> -> memref<32x768xi32, #tpu.memory_space<hbm>>
    %dma_wait3A_233 = tpu.memref_bitcast %arg5 : memref<128x2048x768xf16, #tpu.memory_space<hbm>> -> memref<128x1024x768xi32, #tpu.memory_space<hbm>>
    %dma_wait3A_234 = arith.constant 0 : i32
    %dma_wait3A_235 = arith.constant 0 : i32
    %dma_wait3A_236 = tpu.memref_slice %dma_wait3A_233[%mul3A_4, %dma_wait3A_234, %dma_wait3A_235] : memref<128x1024x768xi32, #tpu.memory_space<hbm>> -> memref<1x32x768xi32, #tpu.memory_space<hbm>>
    %dma_wait3A_237 = tpu.memref_squeeze %dma_wait3A_236 : memref<1x32x768xi32, #tpu.memory_space<hbm>> -> memref<32x768xi32, #tpu.memory_space<hbm>>
    tpu.wait_dma2 semaphore(%arg24 : memref<!tpu.dma_semaphore, #tpu.memory_space<semaphore_mem>>) src(%arg13 : memref<32x768xi32, #tpu.memory_space<vmem>>) dst(%dma_wait3A_237 : memref<32x768xi32, #tpu.memory_space<hbm>>)
    %dma_wait3A_238 = tpu.memref_bitcast %arg5 : memref<128x2048x768xf16, #tpu.memory_space<hbm>> -> memref<128x1024x768xi32, #tpu.memory_space<hbm>>
    %dma_wait3A_239 = arith.constant 0 : i32
    %dma_wait3A_240 = arith.constant 0 : i32
    %dma_wait3A_241 = tpu.memref_slice %dma_wait3A_238[%mul3A_4, %dma_wait3A_239, %dma_wait3A_240] : memref<128x1024x768xi32, #tpu.memory_space<hbm>> -> memref<1x32x768xi32, #tpu.memory_space<hbm>>
    %dma_wait3A_242 = tpu.memref_squeeze %dma_wait3A_241 : memref<1x32x768xi32, #tpu.memory_space<hbm>> -> memref<32x768xi32, #tpu.memory_space<hbm>>
    %dma_wait3A_243 = tpu.memref_bitcast %arg5 : memref<128x2048x768xf16, #tpu.memory_space<hbm>> -> memref<128x1024x768xi32, #tpu.memory_space<hbm>>
    %dma_wait3A_244 = arith.constant 0 : i32
    %dma_wait3A_245 = arith.constant 0 : i32
    %dma_wait3A_246 = tpu.memref_slice %dma_wait3A_243[%mul3A_4, %dma_wait3A_244, %dma_wait3A_245] : memref<128x1024x768xi32, #tpu.memory_space<hbm>> -> memref<1x32x768xi32, #tpu.memory_space<hbm>>
    %dma_wait3A_247 = tpu.memref_squeeze %dma_wait3A_246 : memref<1x32x768xi32, #tpu.memory_space<hbm>> -> memref<32x768xi32, #tpu.memory_space<hbm>>
    tpu.wait_dma2 semaphore(%arg21 : memref<!tpu.dma_semaphore, #tpu.memory_space<semaphore_mem>>) src(%arg12 : memref<32x768xi32, #tpu.memory_space<vmem>>) dst(%dma_wait3A_247 : memref<32x768xi32, #tpu.memory_space<hbm>>)
    %dma_wait3A_248 = tpu.memref_bitcast %arg5 : memref<128x2048x768xf16, #tpu.memory_space<hbm>> -> memref<128x1024x768xi32, #tpu.memory_space<hbm>>
    %dma_wait3A_249 = arith.constant 0 : i32
    %dma_wait3A_250 = arith.constant 0 : i32
    %dma_wait3A_251 = tpu.memref_slice %dma_wait3A_248[%mul3A_4, %dma_wait3A_249, %dma_wait3A_250] : memref<128x1024x768xi32, #tpu.memory_space<hbm>> -> memref<1x32x768xi32, #tpu.memory_space<hbm>>
    %dma_wait3A_252 = tpu.memref_squeeze %dma_wait3A_251 : memref<1x32x768xi32, #tpu.memory_space<hbm>> -> memref<32x768xi32, #tpu.memory_space<hbm>>
    %dma_wait3A_253 = tpu.memref_bitcast %arg5 : memref<128x2048x768xf16, #tpu.memory_space<hbm>> -> memref<128x1024x768xi32, #tpu.memory_space<hbm>>
    %dma_wait3A_254 = arith.constant 0 : i32
    %dma_wait3A_255 = arith.constant 0 : i32
    %dma_wait3A_256 = tpu.memref_slice %dma_wait3A_253[%mul3A_4, %dma_wait3A_254, %dma_wait3A_255] : memref<128x1024x768xi32, #tpu.memory_space<hbm>> -> memref<1x32x768xi32, #tpu.memory_space<hbm>>
    %dma_wait3A_257 = tpu.memref_squeeze %dma_wait3A_256 : memref<1x32x768xi32, #tpu.memory_space<hbm>> -> memref<32x768xi32, #tpu.memory_space<hbm>>
    tpu.wait_dma2 semaphore(%arg25 : memref<!tpu.dma_semaphore, #tpu.memory_space<semaphore_mem>>) src(%arg13 : memref<32x768xi32, #tpu.memory_space<vmem>>) dst(%dma_wait3A_257 : memref<32x768xi32, #tpu.memory_space<hbm>>)
    return
  }
}

</mosaic_0001>

<sc_bundles>
// kernel: kernel.3.cloned.1.call-start
scs
__scs_entry_jumppad:
0x0: {  	(pc) =	sbr.rel $0x88, $3  }
0x1: {  	(tag) =	ssettag $0x0;
	lr =	simm.s32 $0x1  }
0x2: {  	[smem:$0x3F9D] =	sst lr;
	_ =	strace $0xD0000000  }
0x3: {  	_ = 	snop  }
0x4: {  	_ = 	snop  }
0x5: {  	_ = 	snop  }
0x6: {  	_ = 	snop  }
0x7: {  	_ = 	snop  }
__scs_overlays_trampoline_lowered:
0x8: {  	[smem:$0x3FAC] =	sst s0  }
0x9: {  	[smem:$0x3FAD] =	sst s1  }
0xa: {  	[smem:$0x3FAE] =	sst s2  }
0xb: {  	[smem:$0x3FAF] =	sst s3  }
0xc: {  	[smem:$0x3FB0] =	sst s4  }
0xd: {  	[smem:$0x3FB1] =	sst s5  }
0xe: {  	[smem:$0x3FB2] =	sst s6  }
0xf: {  	[smem:$0x3FB3] =	sst s7  }
0x10: {  	[smem:$0x3FB4] =	sst s8  }
0x11: {  	[smem:$0x3FB5] =	sst s9;
	s0 =	simm.s32 @!p0 $0x0  }
0x12: {  	s1 =	sld [smem:$0x3F9B];
	s0 =	simm.s32 @p0 $0x1  }
0x13: {  	[smem:$0x3FB6] =	sst s0;
	s0 =	simm.s32 @!p1 $0x0  }
0x14: {  	s2 =	sld [smem:$0x3F9A];
	s0 =	simm.s32 @p1 $0x1  }
0x15: {  	[smem:$0x3FB7] =	sst s0;
	s0 =	simm.s32 @!p2 $0x0  }
0x16: {  	s3 =	sld [smem:$0x3FDB];
	s0 =	simm.s32 @p2 $0x1  }
0x17: {  	s4 =	simm.s32 $0x1BF5;
	[smem:$0x3FB9] =	sst s0  }
0x18: {  	s0 =	sld [smem:$0x3F9C];
	_ =	swait.ge [sflag:s4], $0x0  }
0x19: {  	s7 =	sld [smem:$0x3F9D]  }
0x1a: {  	s8 =	sadd.s32 $0xFFFFE003, lr  }
0x1b: {  	s9 =	sadd.s32 $0xFFFFFEF7, lr;
	s5 =	simm.s32 $0xFFFFFFFF;
	p2 =	slt.u32 s8, $0xFFFFF086  }
0x1c: {  	p1 =	slt.u32 s9, $0xF7A;
	s5 =	simm.s32 @!p2 $0x0  }
0x1d: {  	s5 =	simm.s32 @p1 $0x1;
	p0 =	seq.s32 s7, s2  }
0x1e: {  	s7 =	smul.u32 @!p0 $0xF7A, s2;
	p2 =	seq.s32 @!p0 s5, $0x0  }
0x1f: {  	s9 =	smul.u32 $0xF7A, s1;
	s8 =	simm.s32 @!p0 $0x1BF5;
	p2 =	por !p2, p0  }
0x20: {  	[sflag:s8] =	ssyncset.s32 @!p0 $0xFFFFF086;
	s6 =	sadd.s32 @!p0 s3, s7;
	s7 =	simm.s32 @!p0 $0x108  }
0x21: {  	s3 =	sadd.s32 s3, s9;
	s6 =	sadd.s32 @!p0 $0x88, s6;
	s7 =	simm.s32 @p2 $0x1082  }
0x22: {  	[simem:s7], [sflag:s8] =	dma.local @!p0 [hbm:s6], $0xF7A  }
0x23: {  	s9 =	sor.u32 $0xD0000000, s2;
	s6 =	simm.s32 $0x108;
	_ =	swait.ge @!p0 [sflag:s8], $0x0  }
0x24: {  	s3 =	sadd.s32 $0x88, s3;
	s6 =	simm.s32 @!p1 $0x1082;
	[sflag:s4] =	ssyncset.s32 $0xFFFFF086  }
0x25: {  	[simem:s6], [sflag:s4] =	dma.local [hbm:s3], $0xF7A  }
0x26: {  	[smem:$0x3F9D] =	sst s1;
	(tag) =	ssettag s2;
	_ =	strace s9  }
0x27: {  	s1 =	sld [smem:$0x3FAD]  }
0x28: {  	s2 =	sld [smem:$0x3FAE]  }
0x29: {  	s4 =	sld [smem:$0x3FB0]  }
0x2a: {  	p0 =	seq.s32 s5, $0x0;
	s5 =	sld [smem:$0x3FB1]  }
0x2b: {  	s6 =	sld [smem:$0x3FB2]  }
0x2c: {  	s7 =	sld [smem:$0x3FB3]  }
0x2d: {  	s3 =	simm.s32 $0x108;
	s8 =	sld [smem:$0x3FB4]  }
0x2e: {  	s3 =	simm.s32 @!p0 $0x1082;
	s9 =	sld [smem:$0x3FB5]  }
0x2f: {  	lr =	sadd.s32 s0, s3;
	s0 =	sld [smem:$0x3FAC]  }
0x30: {  	s3 =	sld [smem:$0x3FAF]  }
0x31: {  	[smem:$0x3FB8] =	sst s10  }
0x32: {  	s10 =	sld [smem:$0x3FB6];
	_ =	sdelay $0x3  }
0x33: {  	p0 =	seq.s32 s10, $0x1;
	s10 =	sld [smem:$0x3FB8];
	_ =	sdelay $0x3  }
0x34: {  	[smem:$0x3FB8] =	sst s10  }
0x35: {  	s10 =	sld [smem:$0x3FB7];
	_ =	sdelay $0x3  }
0x36: {  	p1 =	seq.s32 s10, $0x1;
	s10 =	sld [smem:$0x3FB8];
	_ =	sdelay $0x3  }
0x37: {  	[smem:$0x3FB8] =	sst s10  }
0x38: {  	s10 =	sld [smem:$0x3FB9]  }
0x39: {  	_ = 	snop;
	(pc) =	sbr.ind lr, $3  }
0x3a: {  	_ = 	snop  }
0x3b: {  	_ = 	snop  }
0x3c: {  	p2 =	seq.s32 s10, $0x1;
	s10 =	sld [smem:$0x3FB8]  }
0x3d: {  	_ =	shalt  }
0x3e: {  	_ =	shalt  }
0x3f: {  	_ =	shalt  }
0x40: {  	_ =	shalt  }
0x41: {  	_ =	shalt  }
0x42: {  	_ =	shalt  }
0x43: {  	_ =	shalt  }
0x44: {  	_ =	shalt  }
0x45: {  	_ =	shalt  }
0x46: {  	_ =	shalt  }
0x47: {  	_ =	shalt  }
0x48: {  	_ =	shalt  }
0x49: {  	_ =	shalt  }
0x4a: {  	_ =	shalt  }
0x4b: {  	_ =	shalt  }
0x4c: {  	_ =	shalt  }
0x4d: {  	_ =	shalt  }
0x4e: {  	_ =	shalt  }
0x4f: {  	_ =	shalt  }
0x50: {  	_ =	shalt  }
0x51: {  	_ =	shalt  }
0x52: {  	_ =	shalt  }
0x53: {  	_ =	shalt  }
0x54: {  	_ =	shalt  }
0x55: {  	_ =	shalt  }
0x56: {  	_ =	shalt  }
0x57: {  	_ =	shalt  }
0x58: {  	_ =	shalt  }
0x59: {  	_ =	shalt  }
0x5a: {  	_ =	shalt  }
0x5b: {  	_ =	shalt  }
0x5c: {  	_ =	shalt  }
0x5d: {  	_ =	shalt  }
0x5e: {  	_ =	shalt  }
0x5f: {  	_ =	shalt  }
0x60: {  	_ =	shalt  }
0x61: {  	_ =	shalt  }
0x62: {  	_ =	shalt  }
0x63: {  	_ =	shalt  }
0x64: {  	_ =	shalt  }
0x65: {  	_ =	shalt  }
0x66: {  	_ =	shalt  }
0x67: {  	_ =	shalt  }
0x68: {  	_ =	shalt  }
0x69: {  	_ =	shalt  }
0x6a: {  	_ =	shalt  }
0x6b: {  	_ =	shalt  }
0x6c: {  	_ =	shalt  }
0x6d: {  	_ =	shalt  }
0x6e: {  	_ =	shalt  }
0x6f: {  	_ =	shalt  }
0x70: {  	_ =	shalt  }
0x71: {  	_ =	shalt  }
0x72: {  	_ =	shalt  }
0x73: {  	_ =	shalt  }
0x74: {  	_ =	shalt  }
0x75: {  	_ =	shalt  }
0x76: {  	_ =	shalt  }
0x77: {  	_ =	shalt  }
0x78: {  	_ =	shalt  }
0x79: {  	_ =	shalt  }
0x7a: {  	_ =	shalt  }
0x7b: {  	_ =	shalt  }
0x7c: {  	_ =	shalt  }
0x7d: {  	_ =	shalt  }
0x7e: {  	_ =	shalt  }
0x7f: {  	_ =	shalt  }
0x80: {  	_ =	shalt  }
0x81: {  	_ =	shalt  }
0x82: {  	_ =	shalt  }
0x83: {  	_ =	shalt  }
0x84: {  	_ =	shalt  }
0x85: {  	_ =	shalt  }
0x86: {  	_ =	shalt  }
0x87: {  	_ =	shalt  }
.Lfunc_end0:
.L_simem_size_0:
called_computation_lowered:
.L_overlay_start_0:
0x88: {  	s2 =	sld [smem:$0x3FD9]  }
0x89: {  	s3 =	sld [smem:$0x3FFE];
	_ =	sdelay $0x1  }
0x8a: {  	s1 =	srdreg.scid  }
0x8b: {  	s0 =	sand.u32 $0x1, s1  }
0x8c: {  	s17 =	sshll.u32 s0, $0xA;
	s2 =	sadd.s32 s3, s2  }
0x8d: {  	s2 =	sadd.s32 s2, s17  }
0x8e: {  	[smem:$0x3FC4] =	sst s2  }
0x8f: {  	_ = 	snop  }
0x90: {  	s2 =	sld [smem:$0x3FD0];
	(tm) =	ssettm $0x1  }
0x91: {  	s18 =	sld [smem:$0x3FFB];
	_ =	sdelay $0x3  }
0x92: {  	_ =	strace s18  }
0x93: {  	s3 =	sld [smem:$0x3FFC];
	_ =	sdelay $0x3  }
0x94: {  	_ =	strace s3  }
0x95: {  	s3 =	sld [smem:$0x3FFD];
	_ =	sdelay $0x3  }
0x96: {  	_ =	strace s3  }
0x97: {  	_ =	strace $0x8FFFFFFF  }
0x98: {  	s19 =	sld [smem:$0x3FDB];
	_ =	sdelay $0x1  }
0x99: {  	s4 =	simm.s32 $_scs_section_size  }
0x9a: {  	s5 =	simm.s32 $_size__tile_overlayer_lowered;
	s6 =	simm.s32 $_tile_overlayer_lowered  }
0x9b: {  	s22 =	simm.s32 $0x1BFF;
	s21 =	sshll.u32 s6, $0x1;
	s3 =	sadd.s32 s4, s19  }
0x9c: {  	s7 =	simm.s32 $0x0;
	s20 =	sshll.u32 s5, $0x1;
	s5 =	sadd.s32 s21, s3  }
0x9d: {  	[timem:s7], [sflag:s22] =	dma.local [hbm:s5], s20  }
0x9e: {  	_ =	swait.ge [sflag:s22], s20  }
0x9f: {  	s4 =	ssub.s32 $0x0, s20;
	[sflag:s22] =	ssyncset.done $0x0  }
0xa0: {  	[sflag:s22] =	ssyncadd.s32 s4;
	_ =	sdelay $0x1  }
0xa1: {  	s23 =	simm.s32 $0x1B8B  }
0xa2: {  	_ =	swait.ge [sflag:s23], $0x1  }
0xa3: {  	[sflag:s23] =	ssyncset.done $0x0  }
0xa4: {  	s25 =	simm.s32 $0x1B8E;
	s24 =	sld [smem:$0x3FFE];
	[sflag:s23] =	ssyncadd.s32 $0xFFFFFFFF  }
0xa5: {  	s26 =	simm.s32 $execute0_lowered;
	[smem:$0x3FD2] =	sst s25  }
0xa6: {  	s5 =	sshll.u32 s26, $0x1;
	_ =	strace $0x80000046;
	[dreg:$0x1] =	wrdreg $0xFFFFFFFF  }
0xa7: {  	s28 =	simm.s32 $_size_execute0_lowered;
	s3 =	sadd.s32 s3, s5;
	[dreg:$0x0] =	wrdreg $0x0  }
0xa8: {  	s5 =	sshll.u32 s28, $0x1;
	[dreg:$0x2] =	wrdreg s3  }
0xa9: {  	[dreg:$0x3] =	wrdreg s5  }
0xaa: {  	[dreg:$0x4] =	wrdreg $0xC0  }
0xab: {  	_ =	task [dreg:s7], $0x5FFFF  }
0xac: {  	[dreg:$0x1] =	wrdreg $0xFFFFFFFF  }
0xad: {  	[dreg:$0x0] =	wrdreg $0x60  }
0xae: {  	[dreg:$0x2] =	wrdreg s24  }
0xaf: {  	[dreg:$0x3] =	wrdreg s2  }
0xb0: {  	[dreg:$0x4] =	wrdreg $0x9  }
0xb1: {  	_ =	task.clear_ibuf [dreg:s7], $0x5FFFF;
	_ =	strace $0x90000046  }
0xb2: {  	s29 =	simm.s32 $0x9;
	_ =	strace $0x80000048  }
0xb3: {  	_ =	swait.ge [sflag:s29], $0x1  }
0xb4: {  	[sflag:s29] =	ssyncadd.s32 $0xFFFFFFFF  }
0xb5: {  	_ =	strace $0x90000048  }
0xb6: {  	_ =	sfence  }
0xb7: {  	s30 =	sld [smem:$0x0];
	_ =	sdelay $0x2  }
0xb8: {  	s31 =	sshll.u32 s1, $0xD;
	s1 =	sshrl.u32 s1, $0x2  }
0xb9: {  	s3 =	sand.u32 $0x4000, s31;
	s1 =	sadd.s32 s1, s30  }
0xba: {  	s0 =	sor.u32 s3, s0;
	s1 =	sshll.u32 s1, $0x11  }
0xbb: {  	s0 =	sor.u32 s1, s0  }
0xbc: {  	s0 =	sadd.s32 $0x8F2B, s0  }
0xbd: {  	[sflag:s0] =	ssyncadd.remote.s32 $0x1  }
0xbe: {  	_ =	sfence.sel $0xFFFF  }
0xbf: {  	[dreg:$0x0] =	wrdreg $0xFFFFFFFF;
	(pc) =	sbr.abs _section_cstart, $3  }
0xc0: {  	[dreg:$0x1] =	wrdreg $0xFFFFFFFF  }
0xc1: {  	_ =	task.clear_ibuf [dreg:s7], $0x2FFFF;
	_ =	strace $0x9FFFFFFF  }
0xc2: {  	(tm) =	ssettm $0x7FFFFFFF  }
0xc3: {  	_ =	shalt  }
tec
execute0_lowered:
.L_overlay_start_1:
0x0: {  	(tag) =	ssettag $0x1  }
0x1: {  	s2 =	rddreg [dreg:$0x0]  }
0x2: {  	s0 =	srdreg.scid;
	s1 =	stileid.u32  }
0x3: {  	s6 =	rddreg [dreg:$0x1];
	s7 =	simm.s32 $0x0;
	s0 =	sand.u32 $0x1, s0  }
0x4: {  	s1 =	sshll.u32 s1, $0x1;
	[smem:$0x7FF] =	sst s7;
	s4 =	sadd.s32 $0x5F000, s2  }
0x5: {  	s26 =	sadd.s32 $0x4400, s2;
	_ =	strace $0x80000047;
	[dreg:$0xb] =	wrdreg s4  }
0x6: {  	s19 =	sadd.s32 $0x4500, s2;
	s1 =	sor.u32 s0, s1;
	[dreg:$0xc] =	wrdreg s26  }
0x7: {  	s20 =	sadd.s32 $0x4600, s2;
	[dreg:$0xf] =	wrdreg s19;
	s14 =	smul.u32 $0x79, s1  }
0x8: {  	s0 =	ssub.s32 $0x2, s0;
	[dreg:$0x10] =	wrdreg s20;
	s3 =	sshll.u32 s1, $0x9  }
0x9: {  	v4 =	vimm.s32 $0xECA86420;
	v5 =	vlaneseq.u32;
	vm2 =	vcmask $0x1310;
	s13 =	sshrl.u32 s0, $0x1;
	s5 =	smul.u32 $0x300000, s1;
	s18 =	sadd.s32 $0x78, s14  }
0xa: {  	vm3 =	vcmask $0x300;
	vm4 =	vcmask $0x2320;
	s15 =	sshll.u32 s1, $0x2;
	s3 =	sadd.s32 s3, s2;
	s8 =	ssub.s32 s0, s13;
	v0 =	vmov s18  }
0xb: {  	vm5 =	vcmask $0x2B28;
	vm6 =	vcmask $0x3330;
	[dreg:$0xd] =	wrdreg s15;
	s16 =	sadd.s32 $0x400, s3;
	s17 =	sshrl.u32 s5, $0x3;
	v1 =	vshrl.u32 v0, $0x3  }
0xc: {  	vm7 =	vcmask $0x3B38;
	vm0 =	vmmov $0xff;
	s31 =	smax.u32 s8, $0x1;
	[dreg:$0xe] =	wrdreg s16;
	s3 =	sadd.s32 s6, s17;
	v2 =	vmul.u32 $0x30, v1  }
0xd: {  	vm11 =	vcmask $0x704;
	vm10 =	vcmask $0xF0C;
	[dreg:$0x19] =	wrdreg s31;
	s21 =	sadd.s32 $0xC000, s3;
	v3 =	vand.u32 $0x7, v0  }
0xe: {  	s22 =	sadd.s32 $0xCC00, s3;
	[dreg:$0x11] =	wrdreg s21;
	v7 =	vor.u32 v3, v2;
	v3 =	vunpack.c.l.s4.s8 v4;
	v4 =	vimm.s32 $0x0  }
0xf: {  	vm12 =	vcmask $0x1F1C;
	v6 =	vshrl.u32 v5, $0x3;
	s23 =	sadd.s32 $0xD800, s3;
	[dreg:$0x12] =	wrdreg s22;
	v4 =	vsel vm0, $0xFFFFFFFF, v4  }
0x10: {  	s24 =	sadd.s32 $0xE400, s3;
	[dreg:$0x13] =	wrdreg s23;
	v2 =	vmul.u32 $0x2, v5;
	[tilespmem:$0x1FFE0] =	vst v4;
	v4 =	vand.u32 $0x7, v5;
	v5 =	vor.u32 $0x8, v5  }
0x11: {  	v6 =	vmul.u32 $0x8, v6;
	s25 =	sadd.s32 $0x51000, s3;
	[dreg:$0x14] =	wrdreg s24;
	v8 =	vperm.xlane v7, v4;
	v9 =	vperm.xlane v7, v5  }
0x12: {  	vm13 =	vcmask $0x2724;
	vm14 =	vcmask $0x2F2C;
	vm9 =	vmmov $0xffff;
	s28 =	sadd.s32 $0x51C00, s3;
	[dreg:$0x15] =	wrdreg s25  }
0x13: {  	s29 =	sadd.s32 $0x52800, s3;
	[dreg:$0x16] =	wrdreg s28;
	v7 =	vadd.s32 v6, v8;
	v8 =	vadd.s32 v6, v9;
	v9 =	vimm.s32 $0x0  }
0x14: {  	vm15 =	vcmask $0x3734;
	vm1 =	vcmask $0xB08;
	s30 =	sadd.s32 $0x53400, s3;
	[dreg:$0x17] =	wrdreg s29;
	v9 =	vsel vm9, $0xFFFFFFFF, v9  }
0x15: {  	vm8 =	vcmask $0x1B18;
	s1 =	simm.s32 $0x0;
	[dreg:$0x18] =	wrdreg s30;
	v1 =	vmov s14;
	v3 =	vunpack.c.0.s8.s32 v3;
	[tilespmem:$0x1FFF0] =	vst v9  }
.LBB2_1:
0x16: {  	[dreg:$0x1a] =	wrdreg s1  }
0x17: {  	s0 =	rddreg [dreg:$0xe];
	s19 =	simm.s32 $0xD  }
0x18: {  	[tilespmem:s7], [sflag:$0xD] =	stream.linear.gather [hbm4b:s0+s7], $0x1000, $0x38;
	[tilespmem:$0x1F100] =	vst v63  }
0x19: {  	_ =	swait.ge [sflag:s19], $0x1000  }
0x1a: {  	[sflag:s19] =	ssyncset.done $0x0  }
0x1b: {  	s2 =	simm.s32 $0x1000;
	s20 =	rddreg [dreg:$0xb];
	[sflag:s19] =	ssyncadd.s32 $0xFFFFF000  }
0x1c: {  	[tilespmem:s2], [sflag:$0xD] =	stream.linear.gather [hbm4b:s20+s7], $0x80, $0x38;
	[tilespmem:$0x1F100] =	vst v63  }
0x1d: {  	_ =	swait.ge [sflag:s19], $0x80  }
0x1e: {  	[sflag:s19] =	ssyncset.done $0x0  }
0x1f: {  	[sflag:s19] =	ssyncadd.s32 $0xFFFFFF80  }
0x20: {  	v9 =	vld [tilespmem:s7+$0x0];
	_ =	sdelay $0x4  }
0x21: {  	(v2sf) =	vpush v9, $0x2  }
0x22: {  	(v2sf) =	vpush v9, $0x1;
	_ =	sdelay $0x1  }
0x23: {  	(v2sf) =	vpush v9, $0xA;
	_ =	sdelay $0x1  }
0x24: {  	(v2sf) =	vpush v9, $0x3;
	_ =	sdelay $0x1  }
0x25: {  	(v2sf) =	vpush v9, $0x4  }
0x26: {  	(v2sf) =	vpush v9, $0x0;
	_ =	sdelay $0x1  }
0x27: {  	(v2sf) =	vpush v9, $0xC;
	_ =	sdelay $0x1  }
0x28: {  	(v2sf) =	vpush v9, $0x5  }
0x29: {  	(v2sf) =	vpush v9, $0x8  }
0x2a: {  	(v2sf) =	vpush v9, $0xB  }
0x2b: {  	(v2sf) =	vpush v9, $0x6;
	s21 =	spop (v2sf)  }
0x2c: {  	s22 =	spop (v2sf);
	s2 =	smulhi.u32 $0x2E8BA2E9, s21  }
0x2d: {  	s0 =	sshra.s32 s21, $0x1F;
	s8 =	smulhi.u32 $0x2E8BA2E9, s22  }
0x2e: {  	(v2sf) =	vpush v9, $0xD;
	s3 =	spop (v2sf);
	s0 =	smul.u32 $0x2E8BA2E9, s0  }
0x2f: {  	s1 =	sshra.s32 s22, $0x1F;
	s4 =	smulhi.u32 $0x2E8BA2E9, s3  }
0x30: {  	s5 =	spop (v2sf);
	s12 =	smul.u32 $0x2E8BA2E9, s1  }
0x31: {  	s3 =	sshra.s32 s3, $0x1F;
	s6 =	smulhi.u32 $0x2E8BA2E9, s5  }
0x32: {  	s7 =	spop (v2sf);
	s3 =	smul.u32 $0x2E8BA2E9, s3;
	s5 =	sshra.s32 s5, $0x1F  }
0x33: {  	s9 =	spop (v2sf);
	s5 =	smul.u32 $0x2E8BA2E9, s5  }
0x34: {  	(v2sf) =	vpush v9, $0xE;
	s17 =	sshra.s32 s7, $0x1F;
	s16 =	smulhi.u32 $0x2E8BA2E9, s9  }
0x35: {  	(v2sf) =	vpush v9, $0x7;
	s10 =	spop (v2sf);
	s17 =	smul.u32 $0x2E8BA2E9, s17  }
0x36: {  	s19 =	sshra.s32 s9, $0x1F;
	s13 =	smulhi.u32 $0x2E8BA2E9, s10  }
0x37: {  	s11 =	spop (v2sf);
	s19 =	smul.u32 $0x2E8BA2E9, s19  }
0x38: {  	(v2sf) =	vpush v9, $0x9;
	s23 =	sshra.s32 s11, $0x1F;
	s31 =	smulhi.u32 $0x2E8BA2E9, s11;
	s14 =	spop (v2sf)  }
0x39: {  	s1 =	smul.u32 $0x2E8BA2E9, s23;
	s24 =	spop (v2sf);
	s22 =	sshra.s32 s14, $0x1F  }
0x3a: {  	s29 =	simm.s32 $0x0;
	s15 =	spop (v2sf);
	s9 =	smul.u32 $0x2E8BA2E9, s22  }
0x3b: {  	s3 =	sadd.s32 s3, s4;
	s20 =	sshra.s32 s10, $0x1F;
	s25 =	smulhi.u32 $0x2E8BA2E9, s15  }
0x3c: {  	s18 =	sshra.s32 s24, $0x1F;
	s26 =	sshra.s32 s15, $0x1F;
	s15 =	smulhi.u32 $0x2E8BA2E9, s24  }
0x3d: {  	s10 =	sadd.s32 s0, s2;
	s23 =	smul.u32 $0x2E8BA2E9, s18;
	s11 =	spop (v2sf);
	(v2sf) =	vpush v9, $0xF  }
0x3e: {  	s5 =	sadd.s32 s5, s6;
	s18 =	sadd.s32 s12, s8;
	s12 =	smul.u32 $0x2E8BA2E9, s20  }
0x3f: {  	s22 =	sshra.s32 s3, $0x1;
	[dreg:$0x3] =	wrdreg s1;
	s21 =	smul.u32 $0x2E8BA2E9, s26  }
0x40: {  	[dreg:$0x5] =	wrdreg s22;
	s22 =	sshrl.u32 s5, $0x1F;
	s30 =	sadd.s32 s23, s15  }
0x41: {  	s28 =	sadd.s32 s21, s25;
	s25 =	smulhi.u32 $0x2E8BA2E9, s7;
	s7 =	sshra.s32 s5, $0x1  }
0x42: {  	s23 =	sadd.s32 s19, s16;
	s16 =	sshra.s32 s18, $0x1;
	[dreg:$0x8] =	wrdreg s7  }
0x43: {  	s7 =	smulhi.u32 $0x2E8BA2E9, s14;
	s26 =	spop (v2sf);
	s24 =	sshra.s32 s11, $0x1F  }
0x44: {  	s15 =	sadd.s32 s17, s25;
	s1 =	spop (v2sf);
	s17 =	smul.u32 $0x2E8BA2E9, s24  }
0x45: {  	s19 =	sshra.s32 s23, $0x1;
	s0 =	sshra.s32 s26, $0x1F;
	s2 =	smulhi.u32 $0x2E8BA2E9, s1  }
0x46: {  	s14 =	sshrl.u32 s3, $0x1F;
	s8 =	sshra.s32 s1, $0x1F;
	s0 =	smul.u32 $0x2E8BA2E9, s0  }
0x47: {  	v14 =	vld [tilespmem:$0x1FFE0];
	s24 =	simm.s32 $0x10;
	s20 =	spop (v2sf);
	s4 =	smul.u32 $0x2E8BA2E9, s8  }
0x48: {  	s21 =	sshra.s32 s20, $0x1F;
	s8 =	sadd.s32 s12, s13;
	s13 =	sshra.s32 s5, $0x1F  }
0x49: {  	s5 =	sshrl.u32 s18, $0x1F;
	s1 =	sshrl.u32 s8, $0x1F;
	[dreg:$0x6] =	wrdreg s0  }
0x4a: {  	s0 =	sshrl.u32 s23, $0x1F;
	s8 =	sshra.s32 s8, $0x1;
	s12 =	sadd.s32 s4, s2  }
0x4b: {  	s23 =	sshra.s32 s23, $0x1F;
	s4 =	smul.u32 $0x2E8BA2E9, s21;
	s25 =	sshra.s32 s12, $0x1F  }
0x4c: {  	vm0 =	vnez.u8 v14;
	s2 =	sshrl.u32 s10, $0x1F;
	v13 =	vmov s0;
	s21 =	sshra.s32 s10, $0x1F;
	v10 =	vmov s25;
	s3 =	spop (v2sf)  }
0x4d: {  	v11 =	vmov s1;
	v13 =	vnsel vm3, $0x0, v13;
	s25 =	simm.s32 $0x10;
	v12 =	vsel vm3, s19, v10;
	v10 =	vld [tilespmem:$0x1000];
	s19 =	simm.s32 $0x0;
	s6 =	sshra.s32 s3, $0x1F  }
.LBB2_2:
0x4e: {  	s11 =	smulhi.u32 $0x2E8BA2E9, s11  }
0x4f: {  	s7 =	sadd.s32 s9, s7;
	s9 =	sshra.s32 s18, $0x1F;
	s18 =	smulhi.u32 $0x2E8BA2E9, s20  }
0x50: {  	v13 =	vsel vm1, s5, v13;
	s20 =	sshrl.u32 s28, $0x1F;
	s3 =	smulhi.u32 $0x2E8BA2E9, s3  }
0x51: {  	v12 =	vsel vm11, s23, v12;
	s10 =	sshra.s32 s10, $0x1;
	s0 =	rddreg [dreg:$0x3];
	s6 =	smul.u32 $0x2E8BA2E9, s6;
	v13 =	vsel vm2, s2, v13  }
0x52: {  	v14 =	vmov s8;
	v12 =	vsel vm1, s16, v12;
	s1 =	sadd.s32 s0, s31;
	s23 =	sshrl.u32 s7, $0x1F;
	v13 =	vsel vm8, s22, v13;
	s22 =	sshrl.u32 s15, $0x1F  }
0x53: {  	vm9 =	vcmask $0x1714;
	v12 =	vsel vm10, s9, v12;
	s4 =	sadd.s32 s4, s18;
	s0 =	sshrl.u32 s1, $0x1F;
	s9 =	sshra.s32 s7, $0x1;
	v13 =	vsel vm4, s22, v13  }
0x54: {  	v15 =	vmov s23;
	s18 =	sshrl.u32 s12, $0x1F;
	s23 =	smulhi.u32 $0x2E8BA2E9, s26;
	v12 =	vsel vm2, s10, v12;
	s16 =	sshrl.u32 s4, $0x1F;
	v13 =	vsel vm5, s0, v13  }
0x55: {  	s10 =	sshra.s32 s15, $0x1;
	s22 =	sadd.s32 s17, s11;
	v12 =	vsel vm9, s21, v12;
	v15 =	vsel vm1, s16, v15;
	v13 =	vsel vm6, s20, v13;
	s20 =	rddreg [dreg:$0x8]  }
0x56: {  	v16 =	vmov s9;
	s4 =	sshra.s32 s4, $0x1;
	s11 =	sshrl.u32 s22, $0x1F;
	v15 =	vsel vm2, s14, v15;
	s14 =	rddreg [dreg:$0x6];
	v12 =	vsel vm8, s20, v12  }
0x57: {  	s21 =	sshra.s32 s15, $0x1F;
	s16 =	sshra.s32 s22, $0x1;
	v16 =	vsel vm1, s4, v16;
	v11 =	vsel vm1, s11, v11;
	s15 =	sadd.s32 s14, s23;
	v12 =	vsel vm12, s13, v12  }
0x58: {  	s26 =	sshra.s32 s1, $0x1;
	v14 =	vsel vm1, s16, v14;
	v13 =	vsel vm7, s18, v13;
	s13 =	sshrl.u32 s30, $0x1F;
	s17 =	sshra.s32 s15, $0x1;
	v12 =	vsel vm4, s10, v12  }
0x59: {  	s3 =	sadd.s32 s6, s3;
	s20 =	sshrl.u32 s15, $0x1F;
	v15 =	vsel vm8, s13, v15;
	v14 =	vsel vm2, s17, v14;
	v12 =	vsel vm13, s21, v12;
	s21 =	rddreg [dreg:$0x5]  }
0x5a: {  	s1 =	sshra.s32 s1, $0x1F;
	s22 =	sshra.s32 s30, $0x1;
	v11 =	vsel vm2, s20, v11;
	v12 =	vsel vm5, s26, v12;
	v16 =	vsel vm2, s21, v16;
	s26 =	sshrl.u32 s3, $0x1F  }
0x5b: {  	s23 =	sshra.s32 s28, $0x1;
	s3 =	sshra.s32 s3, $0x1;
	v12 =	vsel vm14, s1, v12;
	v16 =	vsel vm8, s22, v16;
	v11 =	vsel vm8, s26, v11  }
0x5c: {  	s18 =	sshra.s32 s28, $0x1F;
	v14 =	vsel vm8, s3, v14;
	v12 =	vsel vm6, s23, v12;
	v11 =	vcombine.low v15, v11  }
0x5d: {  	vm9 =	vmmov vm7;
	s1 =	sshra.s32 s12, $0x1;
	v14 =	vcombine.low v16, v14;
	v12 =	vsel vm15, s18, v12  }
0x5e: {  	v13 =	vperm.xlane v13, v2;
	v12 =	vsel vm7, s1, v12;
	v11 =	vperm.xlane v11, v3  }
0x5f: {  	v15 =	vmov s29;
	v14 =	vperm.xlane v14, v3;
	v12 =	vperm.xlane v12, v2  }
0x60: {  	v15 =	vshll.u32 v15, $0x1;
	vm7 =	vmmov vm6;
	vm6 =	vmmov vm5  }
0x61: {  	vm5 =	vmmov vm4;
	v11 =	vsel vm0, v13, v11;
	v12 =	vsel vm0, v12, v14  }
0x62: {  	vm4 =	vmmov vm3;
	v13 =	vor.u32 v2, v15;
	v11 =	vadd.s32 v11, v12  }
0x63: {  	vm3 =	vmmov vm15;
	v12 =	vand.u32 $0x7FE, v13;
	v11 =	vmul.u32 $0xB, v11  }
0x64: {  	vm15 =	vmmov vm14;
	vm14 =	vmmov vm13;
	v13 =	vor.u32 $0x1, v12  }
0x65: {  	vm13 =	vmmov vm12;
	vm10 =	vlt.s32 v13, v10;
	v9 =	vsub.s32 v9, v11  }
0x66: {  	vm12 =	vmmov vm11;
	vm11 =	vlt.s32 v12, v10;
	v9 =	vnsel vm10, $0xA, v9  }
0x67: {  	v11 =	vnsel vm11, $0x6E, v11;
	v9 =	vadd.s32 v1, v9  }
0x68: {  	v9 =	vadd.s32 v11, v9  }
0x69: {  	[tilespmem:s19+$0x0] =	vst v9  }
0x6a: {  	v9 =	vld [tilespmem:s25+$0x0];
	_ =	sdelay $0x4  }
0x6b: {  	(v2sf) =	vpush v9, $0x2  }
0x6c: {  	(v2sf) =	vpush v9, $0x1;
	_ =	sdelay $0x1  }
0x6d: {  	(v2sf) =	vpush v9, $0xA;
	_ =	sdelay $0x1  }
0x6e: {  	(v2sf) =	vpush v9, $0x3  }
0x6f: {  	(v2sf) =	vpush v9, $0x4  }
0x70: {  	(v2sf) =	vpush v9, $0x0  }
0x71: {  	(v2sf) =	vpush v9, $0xC  }
0x72: {  	(v2sf) =	vpush v9, $0x5;
	_ =	sdelay $0x2  }
0x73: {  	(v2sf) =	vpush v9, $0x8  }
0x74: {  	(v2sf) =	vpush v9, $0xB  }
0x75: {  	s6 =	smov.u32 s25  }
0x76: {  	[dreg:$0x7] =	wrdreg s6;
	s4 =	smov.u32 s24;
	s7 =	spop (v2sf)  }
0x77: {  	s5 =	smov.u32 s4;
	(v2sf) =	vpush v9, $0x6;
	s2 =	smulhi.u32 $0x2E8BA2E9, s7;
	s8 =	spop (v2sf)  }
0x78: {  	[dreg:$0x4] =	wrdreg s5;
	s10 =	sshra.s32 s7, $0x1F;
	s1 =	smulhi.u32 $0x2E8BA2E9, s8  }
0x79: {  	p0 =	sne.s32 s24, $0xFF0;
	s21 =	spop (v2sf);
	s5 =	smul.u32 $0x2E8BA2E9, s10  }
0x7a: {  	s24 =	sadd.s32 $0x10, s24;
	s9 =	sshra.s32 s8, $0x1F;
	s7 =	smulhi.u32 $0x2E8BA2E9, s21  }
0x7b: {  	s25 =	sadd.s32 $0x10, s25;
	(v2sf) =	vpush v9, $0xD;
	s22 =	spop (v2sf);
	s4 =	smul.u32 $0x2E8BA2E9, s9  }
0x7c: {  	(v2sf) =	vpush v9, $0xE;
	s0 =	sshra.s32 s21, $0x1F;
	s6 =	smulhi.u32 $0x2E8BA2E9, s22;
	s3 =	spop (v2sf)  }
0x7d: {  	s23 =	sshra.s32 s22, $0x1F;
	s13 =	smul.u32 $0x2E8BA2E9, s0;
	s26 =	spop (v2sf)  }
0x7e: {  	(v2sf) =	vpush v9, $0x7;
	s10 =	sadd.s32 s5, s2;
	s9 =	smul.u32 $0x2E8BA2E9, s23;
	s15 =	spop (v2sf)  }
0x7f: {  	s12 =	sshra.s32 s3, $0x1F;
	s30 =	smulhi.u32 $0x2E8BA2E9, s15;
	s16 =	spop (v2sf)  }
0x80: {  	s18 =	sadd.s32 s4, s1;
	s15 =	sshra.s32 s15, $0x1F;
	s19 =	smulhi.u32 $0x2E8BA2E9, s16  }
0x81: {  	(v2sf) =	vpush v9, $0x9;
	s2 =	sshrl.u32 s10, $0x1F;
	s17 =	sshra.s32 s16, $0x1F;
	s15 =	smul.u32 $0x2E8BA2E9, s15  }
0x82: {  	s14 =	sshra.s32 s26, $0x1F;
	s8 =	spop (v2sf);
	s20 =	smul.u32 $0x2E8BA2E9, s17  }
0x83: {  	s5 =	sshrl.u32 s18, $0x1F;
	s21 =	spop (v2sf);
	s17 =	smulhi.u32 $0x2E8BA2E9, s26  }
0x84: {  	[dreg:$0x9] =	wrdreg s14;
	s14 =	sshra.s32 s8, $0x1F;
	s4 =	smulhi.u32 $0x2E8BA2E9, s21  }
0x85: {  	[dreg:$0xa] =	wrdreg s19;
	s30 =	sadd.s32 s15, s30;
	s15 =	smulhi.u32 $0x2E8BA2E9, s3  }
0x86: {  	s0 =	spop (v2sf);
	s19 =	sadd.s32 s9, s6;
	s9 =	smul.u32 $0x2E8BA2E9, s14  }
0x87: {  	s22 =	sshra.s32 s21, $0x1F;
	[dreg:$0x3] =	wrdreg s20;
	s20 =	smulhi.u32 $0x2E8BA2E9, s0  }
0x88: {  	s31 =	sadd.s32 s13, s7;
	s16 =	sshra.s32 s18, $0x1;
	s7 =	smul.u32 $0x2E8BA2E9, s22  }
0x89: {  	(v2sf) =	vpush v9, $0xF;
	s14 =	rddreg [dreg:$0x9];
	s1 =	sshra.s32 s0, $0x1F;
	s0 =	smul.u32 $0x2E8BA2E9, s12  }
0x8a: {  	s11 =	spop (v2sf);
	s6 =	sshra.s32 s19, $0x1;
	s14 =	smul.u32 $0x2E8BA2E9, s14  }
0x8b: {  	s12 =	sshrl.u32 s30, $0x1F;
	s26 =	spop (v2sf);
	s21 =	smul.u32 $0x2E8BA2E9, s1  }
0x8c: {  	s1 =	sshra.s32 s11, $0x1F;
	[dreg:$0x8] =	wrdreg s6;
	s23 =	sshra.s32 s26, $0x1F  }
0x8d: {  	s15 =	sadd.s32 s0, s15;
	s22 =	sadd.s32 s21, s20;
	s28 =	spop (v2sf)  }
0x8e: {  	s13 =	smulhi.u32 $0x2E8BA2E9, s28;
	s21 =	sshra.s32 s28, $0x1F;
	s28 =	smov.u32 s25  }
0x8f: {  	s25 =	smov.u32 s24;
	s24 =	sadd.s32 s7, s4;
	s7 =	smul.u32 $0x2E8BA2E9, s23  }
0x90: {  	s23 =	sadd.s32 s14, s17;
	s14 =	sshrl.u32 s31, $0x1F;
	s20 =	spop (v2sf)  }
0x91: {  	s4 =	smul.u32 $0x2E8BA2E9, s21;
	s21 =	sshra.s32 s10, $0x1F;
	s29 =	sshra.s32 s20, $0x1F  }
0x92: {  	[dreg:$0x6] =	wrdreg s7;
	s7 =	smulhi.u32 $0x2E8BA2E9, s8;
	s8 =	sshrl.u32 s23, $0x1F  }
0x93: {  	v11 =	vmov s12;
	s12 =	sadd.s32 s4, s13;
	s13 =	sshra.s32 s31, $0x1;
	s31 =	rddreg [dreg:$0xa]  }
0x94: {  	v13 =	vmov s8;
	s8 =	sshra.s32 s30, $0x1;
	s30 =	smov.u32 s24;
	s24 =	smov.u32 s25  }
.Ltmp0:
0x95: {  	vm11 =	vmmov vm12;
	vm12 =	vmmov vm13;
	s25 =	smov.u32 s28;
	s28 =	smov.u32 s22;
	(pc) =	sbr.rel @p0 .LBB2_2-.Ltmp0, $4  }
0x96: {  	vm13 =	vmmov vm14;
	vm14 =	vmmov vm15;
	vm15 =	vmmov vm3;
	s4 =	smul.u32 $0x2E8BA2E9, s29;
	s29 =	rddreg [dreg:$0x4];
	s22 =	sshrl.u32 s19, $0x1F  }
0x97: {  	vm3 =	vmmov vm4;
	vm4 =	vmmov vm5;
	vm5 =	vmmov vm6;
	[dreg:$0x5] =	wrdreg s13;
	s13 =	sshra.s32 s19, $0x1F;
	s17 =	sshra.s32 s12, $0x1F  }
0x98: {  	vm6 =	vmmov vm7;
	vm7 =	vmmov vm9;
	s3 =	spop (v2sf);
	v12 =	vmov s17;
	s17 =	smul.u32 $0x2E8BA2E9, s1;
	s1 =	sshra.s32 s23, $0x1  }
0x99: {  	vm10 =	vcmask $0xF0C;
	v13 =	vnsel vm3, $0x0, v13;
	s19 =	rddreg [dreg:$0x7];
	s23 =	sshra.s32 s23, $0x1F;
	s6 =	sshra.s32 s3, $0x1F;
	v12 =	vsel vm3, s1, v12  }
0x9a: {  	s1 =	smulhi.u32 $0x2E8BA2E9, s20  }
0x9b: {  	s11 =	smulhi.u32 $0x2E8BA2E9, s11  }
0x9c: {  	s0 =	sadd.s32 s9, s7;
	s9 =	rddreg [dreg:$0x3];
	s3 =	smulhi.u32 $0x2E8BA2E9, s3  }
0x9d: {  	v13 =	vsel vm1, s5, v13;
	v12 =	vsel vm11, s23, v12;
	s20 =	sshrl.u32 s15, $0x1F;
	s6 =	smul.u32 $0x2E8BA2E9, s6;
	s25 =	rddreg [dreg:$0x8]  }
0x9e: {  	v14 =	vmov s8;
	v13 =	vsel vm2, s2, v13;
	v12 =	vsel vm1, s16, v12;
	s2 =	sadd.s32 s9, s31;
	s16 =	sshra.s32 s18, $0x1F;
	s18 =	sshra.s32 s10, $0x1  }
0x9f: {  	vm9 =	vcmask $0x1714;
	s24 =	sshrl.u32 s0, $0x1F;
	s0 =	sshra.s32 s0, $0x1;
	s10 =	smulhi.u32 $0x2E8BA2E9, s26;
	v13 =	vsel vm8, s22, v13;
	v12 =	vsel vm10, s16, v12  }
0xa0: {  	s1 =	sadd.s32 s4, s1;
	s23 =	sshrl.u32 s2, $0x1F;
	v15 =	vmov s24;
	s31 =	sadd.s32 s17, s11;
	v13 =	vsel vm4, s20, v13;
	v12 =	vsel vm2, s18, v12  }
0xa1: {  	s22 =	sshrl.u32 s28, $0x1F;
	v16 =	vmov s0;
	s9 =	sshrl.u32 s1, $0x1F;
	s16 =	sshrl.u32 s31, $0x1F;
	v13 =	vsel vm5, s23, v13;
	v12 =	vsel vm9, s21, v12  }
0xa2: {  	s17 =	rddreg [dreg:$0x6];
	s4 =	sshra.s32 s31, $0x1;
	s1 =	sshra.s32 s1, $0x1;
	v15 =	vsel vm1, s9, v15;
	v11 =	vsel vm1, s16, v11;
	v12 =	vsel vm8, s25, v12  }
0xa3: {  	s11 =	sshra.s32 s15, $0x1;
	s15 =	sshra.s32 s15, $0x1F;
	s5 =	sadd.s32 s17, s10;
	v14 =	vsel vm1, s4, v14;
	v16 =	vsel vm1, s1, v16;
	v12 =	vsel vm12, s13, v12  }
0xa4: {  	s3 =	sadd.s32 s6, s3;
	s23 =	rddreg [dreg:$0x5];
	s24 =	sshrl.u32 s5, $0x1F;
	v13 =	vsel vm6, s22, v13;
	v15 =	vsel vm2, s14, v15;
	v12 =	vsel vm4, s11, v12  }
0xa5: {  	s18 =	sshrl.u32 s30, $0x1F;
	s20 =	sshra.s32 s2, $0x1;
	s22 =	sshra.s32 s5, $0x1;
	v16 =	vsel vm2, s23, v16;
	v11 =	vsel vm2, s24, v11;
	v12 =	vsel vm13, s15, v12  }
0xa6: {  	s21 =	sshra.s32 s2, $0x1F;
	s25 =	sshra.s32 s30, $0x1;
	s30 =	sshrl.u32 s3, $0x1F;
	v15 =	vsel vm8, s18, v15;
	v14 =	vsel vm2, s22, v14;
	v12 =	vsel vm5, s20, v12  }
0xa7: {  	s26 =	sshra.s32 s28, $0x1;
	s31 =	sshra.s32 s3, $0x1;
	v16 =	vsel vm8, s25, v16;
	v11 =	vsel vm8, s30, v11;
	v12 =	vsel vm14, s21, v12  }
0xa8: {  	s28 =	sshra.s32 s28, $0x1F;
	s13 =	sshrl.u32 s12, $0x1F;
	v14 =	vsel vm8, s31, v14;
	v11 =	vcombine.low v15, v11;
	v12 =	vsel vm6, s26, v12  }
0xa9: {  	s1 =	sshra.s32 s12, $0x1;
	v13 =	vsel vm7, s13, v13;
	v14 =	vcombine.low v16, v14;
	v12 =	vsel vm15, s28, v12  }
0xaa: {  	v13 =	vperm.xlane v13, v2;
	v11 =	vperm.xlane v11, v3;
	v12 =	vsel vm7, s1, v12  }
0xab: {  	v14 =	vperm.xlane v14, v3;
	v12 =	vperm.xlane v12, v2  }
0xac: {  	v61 =	vmov s29  }
0xad: {  	v15 =	vshll.u32 v61, $0x1;
	v11 =	vsel vm0, v13, v11;
	v12 =	vsel vm0, v12, v14  }
0xae: {  	v62 =	vor.u32 v2, v15;
	v11 =	vadd.s32 v11, v12  }
0xaf: {  	v63 =	vand.u32 $0x7FE, v62;
	v11 =	vmul.u32 $0xB, v11  }
0xb0: {  	v13 =	vor.u32 $0x1, v63  }
0xb1: {  	vm10 =	vlt.s32 v13, v10;
	v9 =	vsub.s32 v9, v11  }
0xb2: {  	v9 =	vnsel vm10, $0xA, v9;
	vm10 =	vlt.s32 v63, v10  }
0xb3: {  	v10 =	vnsel vm10, $0x6E, v11;
	v9 =	vadd.s32 v1, v9  }
0xb4: {  	v9 =	vadd.s32 v10, v9  }
0xb5: {  	[tilespmem:s19+$0x0] =	vst v9;
	v9 =	vld [tilespmem:$0x1FFF0];
	_ =	sdelay $0x3  }
0xb6: {  	[tilespmem:$0x1080] =	vst v0  }
0xb7: {  	s2 =	simm.s32 $0x19100;
	s22 =	simm.s32 $0x0;
	s26 =	rddreg [dreg:$0xc];
	[tilespmem:$0x1090] =	vst v0;
	vm9 =	vnez.u8 v9  }
0xb8: {  	[tilespmem:s2], [sflag:$0x1] =	stream.indirect_vreg.gather [hbm4b:s26+s22], $0x80, v7, vm9, $0xb8;
	[tilespmem:$0x1F100] =	vst v63  }
0xb9: {  	s3 =	simm.s32 $0x19900;
	s19 =	rddreg [dreg:$0xf]  }
0xba: {  	[tilespmem:s3], [sflag:$0x1] =	stream.indirect_vreg.gather [hbm4b:s19+s22], $0x80, v7, vm9, $0xb8;
	[tilespmem:$0x1F100] =	vst v63  }
0xbb: {  	s6 =	rddreg [dreg:$0x10];
	s4 =	simm.s32 $0x1A100  }
0xbc: {  	[tilespmem:s4], [sflag:$0x1] =	stream.indirect_vreg.gather [hbm4b:s6+s22], $0x80, v7, vm9, $0xb8;
	[tilespmem:$0x1F100] =	vst v63  }
0xbd: {  	s5 =	simm.s32 $0x1A900  }
0xbe: {  	[tilespmem:s5], [sflag:$0x1] =	stream.indirect_vreg.gather [hbm4b:s26+s22], $0x80, v8, vm9, $0xb8;
	[tilespmem:$0x1F100] =	vst v63  }
0xbf: {  	s7 =	simm.s32 $0x1B100  }
0xc0: {  	[tilespmem:s7], [sflag:$0x1] =	stream.indirect_vreg.gather [hbm4b:s19+s22], $0x80, v8, vm9, $0xb8;
	[tilespmem:$0x1F100] =	vst v63  }
0xc1: {  	s9 =	simm.s32 $0x1B900  }
0xc2: {  	[tilespmem:s9], [sflag:$0x1] =	stream.indirect_vreg.gather [hbm4b:s6+s22], $0x80, v8, vm9, $0xb8;
	[tilespmem:$0x1F100] =	vst v63  }
0xc3: {  	v9 =	vld [tilespmem:$0x1090];
	_ =	sdelay $0x4  }
0xc4: {  	v10 =	vshrl.u32 v9, $0x3  }
0xc5: {  	v10 =	vmul.u32 $0x30, v10  }
0xc6: {  	v9 =	vand.u32 $0x7, v9  }
0xc7: {  	v9 =	vor.u32 v9, v10  }
0xc8: {  	v10 =	vperm.xlane v9, v4;
	_ =	sdelay $0x1  }
0xc9: {  	v10 =	vadd.s32 v6, v10;
	_ =	sdelay $0x3  }
0xca: {  	s10 =	simm.s32 $0x1C100;
	v9 =	vperm.xlane v9, v5  }
0xcb: {  	[tilespmem:s10], [sflag:$0x1] =	stream.indirect_vreg.gather [hbm4b:s26+s22], $0x80, v10, vm9, $0xb8;
	[tilespmem:$0x1F100] =	vst v63  }
0xcc: {  	s11 =	simm.s32 $0x1C900;
	v9 =	vadd.s32 v6, v9  }
0xcd: {  	[tilespmem:s11], [sflag:$0x1] =	stream.indirect_vreg.gather [hbm4b:s19+s22], $0x80, v10, vm9, $0xb8;
	[tilespmem:$0x1F100] =	vst v63  }
0xce: {  	s13 =	simm.s32 $0x1D100  }
0xcf: {  	[tilespmem:s13], [sflag:$0x1] =	stream.indirect_vreg.gather [hbm4b:s6+s22], $0x80, v10, vm9, $0xb8;
	[tilespmem:$0x1F100] =	vst v63  }
0xd0: {  	s15 =	simm.s32 $0x1D900  }
0xd1: {  	[tilespmem:s15], [sflag:$0x1] =	stream.indirect_vreg.gather [hbm4b:s26+s22], $0x80, v9, vm9, $0xb8;
	[tilespmem:$0x1F100] =	vst v63  }
0xd2: {  	s20 =	simm.s32 $0x1E100  }
0xd3: {  	[tilespmem:s20], [sflag:$0x1] =	stream.indirect_vreg.gather [hbm4b:s19+s22], $0x80, v9, vm9, $0xb8;
	[tilespmem:$0x1F100] =	vst v63  }
0xd4: {  	s21 =	simm.s32 $0x1E900;
	s2 =	simm.s32 $0x1  }
0xd5: {  	[tilespmem:s21], [sflag:$0x1] =	stream.indirect_vreg.gather [hbm4b:s6+s22], $0x80, v9, vm9, $0xb8;
	[tilespmem:$0x1F100] =	vst v63  }
0xd6: {  	_ =	swait.ge [sflag:s2], $0x6000  }
0xd7: {  	[sflag:s2] =	ssyncset.done $0x0  }
0xd8: {  	[sflag:s2] =	ssyncadd.s32 $0xFFFFA000  }
0xd9: {  	v9 =	vld [tilespmem:$0x0];
	_ =	sdelay $0x4  }
0xda: {  	v10 =	vshrl.u32 v9, $0x3  }
0xdb: {  	v10 =	vmul.u32 $0x30, v10  }
0xdc: {  	v9 =	vand.u32 $0x7, v9  }
0xdd: {  	v9 =	vor.u32 v9, v10  }
0xde: {  	v10 =	vperm.xlane v9, v4;
	_ =	sdelay $0x1  }
0xdf: {  	v10 =	vadd.s32 v6, v10;
	_ =	sdelay $0x3  }
0xe0: {  	s3 =	simm.s32 $0x1100;
	v9 =	vperm.xlane v9, v5  }
0xe1: {  	[tilespmem:s3], [sflag:$0x1] =	stream.indirect_vreg.gather [hbm4b:s26+s22], $0x80, v10, vm9, $0xb8;
	[tilespmem:$0x1F100] =	vst v63  }
0xe2: {  	s25 =	simm.s32 $0x1900;
	v9 =	vadd.s32 v6, v9  }
0xe3: {  	[tilespmem:s25], [sflag:$0x1] =	stream.indirect_vreg.gather [hbm4b:s19+s22], $0x80, v10, vm9, $0xb8;
	[tilespmem:$0x1F100] =	vst v63  }
0xe4: {  	s15 =	simm.s32 $0x2100  }
0xe5: {  	[tilespmem:s15], [sflag:$0x1] =	stream.indirect_vreg.gather [hbm4b:s6+s22], $0x80, v10, vm9, $0xb8;
	[tilespmem:$0x1F100] =	vst v63  }
0xe6: {  	s23 =	simm.s32 $0x2900  }
0xe7: {  	[tilespmem:s23], [sflag:$0x1] =	stream.indirect_vreg.gather [hbm4b:s26+s22], $0x80, v9, vm9, $0xb8;
	[tilespmem:$0x1F100] =	vst v63  }
0xe8: {  	s24 =	simm.s32 $0x3100  }
0xe9: {  	[tilespmem:s24], [sflag:$0x1] =	stream.indirect_vreg.gather [hbm4b:s19+s22], $0x80, v9, vm9, $0xb8;
	[tilespmem:$0x1F100] =	vst v63  }
0xea: {  	s28 =	simm.s32 $0x3900  }
0xeb: {  	[tilespmem:s28], [sflag:$0x1] =	stream.indirect_vreg.gather [hbm4b:s6+s22], $0x80, v9, vm9, $0xb8;
	[tilespmem:$0x1F100] =	vst v63  }
0xec: {  	v9 =	vld [tilespmem:$0x10];
	_ =	sdelay $0x4  }
0xed: {  	v10 =	vshrl.u32 v9, $0x3  }
0xee: {  	v10 =	vmul.u32 $0x30, v10  }
0xef: {  	v9 =	vand.u32 $0x7, v9  }
0xf0: {  	v9 =	vor.u32 v9, v10  }
0xf1: {  	v10 =	vperm.xlane v9, v4;
	_ =	sdelay $0x1  }
0xf2: {  	v10 =	vadd.s32 v6, v10;
	_ =	sdelay $0x3  }
0xf3: {  	s31 =	simm.s32 $0x4100;
	v9 =	vperm.xlane v9, v5  }
0xf4: {  	[tilespmem:s31], [sflag:$0x1] =	stream.indirect_vreg.gather [hbm4b:s26+s22], $0x80, v10, vm9, $0xb8;
	[tilespmem:$0x1F100] =	vst v63  }
0xf5: {  	s1 =	simm.s32 $0x4900;
	v9 =	vadd.s32 v6, v9  }
0xf6: {  	[tilespmem:s1], [sflag:$0x1] =	stream.indirect_vreg.gather [hbm4b:s19+s22], $0x80, v10, vm9, $0xb8;
	[tilespmem:$0x1F100] =	vst v63  }
0xf7: {  	s10 =	simm.s32 $0x5100  }
0xf8: {  	[tilespmem:s10], [sflag:$0x1] =	stream.indirect_vreg.gather [hbm4b:s6+s22], $0x80, v10, vm9, $0xb8;
	[tilespmem:$0x1F100] =	vst v63  }
0xf9: {  	s11 =	simm.s32 $0x5900  }
0xfa: {  	[tilespmem:s11], [sflag:$0x1] =	stream.indirect_vreg.gather [hbm4b:s26+s22], $0x80, v9, vm9, $0xb8;
	[tilespmem:$0x1F100] =	vst v63  }
0xfb: {  	s20 =	simm.s32 $0x6100  }
0xfc: {  	[tilespmem:s20], [sflag:$0x1] =	stream.indirect_vreg.gather [hbm4b:s19+s22], $0x80, v9, vm9, $0xb8;
	[tilespmem:$0x1F100] =	vst v63  }
0xfd: {  	s18 =	simm.s32 $0x19100;
	s21 =	simm.s32 $0x6900  }
0xfe: {  	[tilespmem:s21], [sflag:$0x1] =	stream.indirect_vreg.gather [hbm4b:s6+s22], $0x80, v9, vm9, $0xb8;
	[tilespmem:$0x1F100] =	vst v63  }
0xff: {  	s1 =	rddreg [dreg:$0x11];
	s10 =	simm.s32 $0x200;
	s11 =	simm.s32 $0xC00  }
0x100: {  	[hbm4b:s1+s10] =	stream.strided.scatter [tilespmem:s18], [sflag:$0x9], $0x400, s11, s10, $0x38;
	[tilespmem:$0x1F100] =	vst v63  }
0x101: {  	s24 =	simm.s32 $0x19500;
	s23 =	sadd.s32 $0x40, s1  }
0x102: {  	[hbm4b:s23+s10] =	stream.strided.scatter [tilespmem:s24], [sflag:$0x9], $0x400, s11, s10, $0x38;
	[tilespmem:$0x1F100] =	vst v63  }
0x103: {  	s17 =	simm.s32 $0x19900;
	s28 =	sadd.s32 $0x80, s1  }
0x104: {  	[hbm4b:s28+s10] =	stream.strided.scatter [tilespmem:s17], [sflag:$0x9], $0x400, s11, s10, $0x38;
	[tilespmem:$0x1F100] =	vst v63  }
0x105: {  	s31 =	sadd.s32 $0xC0, s1;
	s17 =	simm.s32 $0x19D00  }
0x106: {  	[hbm4b:s31+s10] =	stream.strided.scatter [tilespmem:s17], [sflag:$0x9], $0x400, s11, s10, $0x38;
	[tilespmem:$0x1F100] =	vst v63  }
0x107: {  	s12 =	simm.s32 $0x1A100;
	s18 =	sadd.s32 $0x100, s1  }
0x108: {  	[hbm4b:s18+s10] =	stream.strided.scatter [tilespmem:s12], [sflag:$0x9], $0x400, s11, s10, $0x38;
	[tilespmem:$0x1F100] =	vst v63  }
0x109: {  	s20 =	sadd.s32 $0x140, s1;
	s21 =	simm.s32 $0x1A500  }
0x10a: {  	[hbm4b:s20+s10] =	stream.strided.scatter [tilespmem:s21], [sflag:$0x9], $0x400, s11, s10, $0x38;
	[tilespmem:$0x1F100] =	vst v63  }
0x10b: {  	s8 =	simm.s32 $0x1A900;
	s23 =	sadd.s32 $0x300, s1  }
0x10c: {  	[hbm4b:s23+s10] =	stream.strided.scatter [tilespmem:s8], [sflag:$0x9], $0x400, s11, s10, $0x38;
	[tilespmem:$0x1F100] =	vst v63  }
0x10d: {  	s24 =	sadd.s32 $0x340, s1;
	s28 =	simm.s32 $0x1AD00  }
0x10e: {  	[hbm4b:s24+s10] =	stream.strided.scatter [tilespmem:s28], [sflag:$0x9], $0x400, s11, s10, $0x38;
	[tilespmem:$0x1F100] =	vst v63  }
0x10f: {  	s14 =	simm.s32 $0x1B100;
	s31 =	sadd.s32 $0x380, s1  }
0x110: {  	[hbm4b:s31+s10] =	stream.strided.scatter [tilespmem:s14], [sflag:$0x9], $0x400, s11, s10, $0x38;
	[tilespmem:$0x1F100] =	vst v63  }
0x111: {  	s8 =	sadd.s32 $0x3C0, s1;
	s14 =	simm.s32 $0x1B500  }
0x112: {  	[hbm4b:s8+s10] =	stream.strided.scatter [tilespmem:s14], [sflag:$0x9], $0x400, s11, s10, $0x38;
	[tilespmem:$0x1F100] =	vst v63  }
0x113: {  	s7 =	simm.s32 $0x1B900;
	s17 =	sadd.s32 $0x400, s1  }
0x114: {  	[hbm4b:s17+s10] =	stream.strided.scatter [tilespmem:s7], [sflag:$0x9], $0x400, s11, s10, $0x38;
	[tilespmem:$0x1F100] =	vst v63  }
0x115: {  	s20 =	sadd.s32 $0x440, s1;
	s21 =	simm.s32 $0x1BD00  }
0x116: {  	[hbm4b:s20+s10] =	stream.strided.scatter [tilespmem:s21], [sflag:$0x9], $0x400, s11, s10, $0x38;
	[tilespmem:$0x1F100] =	vst v63  }
0x117: {  	s16 =	simm.s32 $0x1C100;
	s24 =	sadd.s32 $0x600, s1  }
0x118: {  	[hbm4b:s24+s10] =	stream.strided.scatter [tilespmem:s16], [sflag:$0x9], $0x400, s11, s10, $0x38;
	[tilespmem:$0x1F100] =	vst v63  }
0x119: {  	s28 =	sadd.s32 $0x640, s1;
	s31 =	simm.s32 $0x1C500  }
0x11a: {  	[hbm4b:s28+s10] =	stream.strided.scatter [tilespmem:s31], [sflag:$0x9], $0x400, s11, s10, $0x38;
	[tilespmem:$0x1F100] =	vst v63  }
0x11b: {  	s4 =	simm.s32 $0x1C900;
	s8 =	sadd.s32 $0x680, s1  }
0x11c: {  	[hbm4b:s8+s10] =	stream.strided.scatter [tilespmem:s4], [sflag:$0x9], $0x400, s11, s10, $0x38;
	[tilespmem:$0x1F100] =	vst v63  }
0x11d: {  	s20 =	simm.s32 $0x1CD00;
	s16 =	sadd.s32 $0x6C0, s1  }
0x11e: {  	[hbm4b:s16+s10] =	stream.strided.scatter [tilespmem:s20], [sflag:$0x9], $0x400, s11, s10, $0x38;
	[tilespmem:$0x1F100] =	vst v63  }
0x11f: {  	s5 =	simm.s32 $0x1D100;
	s21 =	sadd.s32 $0x700, s1  }
0x120: {  	[hbm4b:s21+s10] =	stream.strided.scatter [tilespmem:s5], [sflag:$0x9], $0x400, s11, s10, $0x38;
	[tilespmem:$0x1F100] =	vst v63  }
0x121: {  	s28 =	sadd.s32 $0x740, s1;
	s31 =	simm.s32 $0x1D500  }
0x122: {  	[hbm4b:s28+s10] =	stream.strided.scatter [tilespmem:s31], [sflag:$0x9], $0x400, s11, s10, $0x38;
	[tilespmem:$0x1F100] =	vst v63  }
0x123: {  	s13 =	simm.s32 $0x1D900;
	s4 =	sadd.s32 $0x900, s1  }
0x124: {  	[hbm4b:s4+s10] =	stream.strided.scatter [tilespmem:s13], [sflag:$0x9], $0x400, s11, s10, $0x38;
	[tilespmem:$0x1F100] =	vst v63  }
0x125: {  	s7 =	simm.s32 $0x1DD00;
	s5 =	sadd.s32 $0x940, s1  }
0x126: {  	[hbm4b:s5+s10] =	stream.strided.scatter [tilespmem:s7], [sflag:$0x9], $0x400, s11, s10, $0x38;
	[tilespmem:$0x1F100] =	vst v63  }
0x127: {  	s9 =	simm.s32 $0x1E100;
	s8 =	sadd.s32 $0x980, s1  }
0x128: {  	[hbm4b:s8+s10] =	stream.strided.scatter [tilespmem:s9], [sflag:$0x9], $0x400, s11, s10, $0x38;
	[tilespmem:$0x1F100] =	vst v63  }
0x129: {  	s16 =	simm.s32 $0x1E500;
	s13 =	sadd.s32 $0x9C0, s1  }
0x12a: {  	[hbm4b:s13+s10] =	stream.strided.scatter [tilespmem:s16], [sflag:$0x9], $0x400, s11, s10, $0x38;
	[tilespmem:$0x1F100] =	vst v63  }
0x12b: {  	s30 =	simm.s32 $0x1E900;
	s31 =	sadd.s32 $0xA00, s1  }
0x12c: {  	[hbm4b:s31+s10] =	stream.strided.scatter [tilespmem:s30], [sflag:$0x9], $0x400, s11, s10, $0x38;
	[tilespmem:$0x1F100] =	vst v63  }
0x12d: {  	s1 =	sadd.s32 $0xA40, s1;
	s4 =	simm.s32 $0x1ED00  }
0x12e: {  	[hbm4b:s1+s10] =	stream.strided.scatter [tilespmem:s4], [sflag:$0x9], $0x400, s11, s10, $0x38;
	[tilespmem:$0x1F100] =	vst v63  }
0x12f: {  	v9 =	vld [tilespmem:$0x20];
	_ =	sdelay $0x4  }
0x130: {  	v10 =	vshrl.u32 v9, $0x3  }
0x131: {  	v10 =	vmul.u32 $0x30, v10  }
0x132: {  	v9 =	vand.u32 $0x7, v9  }
0x133: {  	v9 =	vor.u32 v9, v10  }
0x134: {  	v10 =	vperm.xlane v9, v4;
	_ =	sdelay $0x1  }
0x135: {  	v10 =	vadd.s32 v6, v10;
	_ =	sdelay $0x3  }
0x136: {  	s5 =	simm.s32 $0x7100;
	v9 =	vperm.xlane v9, v5  }
0x137: {  	[tilespmem:s5], [sflag:$0x2] =	stream.indirect_vreg.gather [hbm4b:s26+s22], $0x80, v10, vm9, $0xb8;
	[tilespmem:$0x1F100] =	vst v63  }
0x138: {  	s7 =	simm.s32 $0x7900;
	v9 =	vadd.s32 v6, v9  }
0x139: {  	[tilespmem:s7], [sflag:$0x2] =	stream.indirect_vreg.gather [hbm4b:s19+s22], $0x80, v10, vm9, $0xb8;
	[tilespmem:$0x1F100] =	vst v63  }
0x13a: {  	s8 =	simm.s32 $0x8100  }
0x13b: {  	[tilespmem:s8], [sflag:$0x2] =	stream.indirect_vreg.gather [hbm4b:s6+s22], $0x80, v10, vm9, $0xb8;
	[tilespmem:$0x1F100] =	vst v63  }
0x13c: {  	s9 =	simm.s32 $0x8900  }
0x13d: {  	[tilespmem:s9], [sflag:$0x2] =	stream.indirect_vreg.gather [hbm4b:s26+s22], $0x80, v9, vm9, $0xb8;
	[tilespmem:$0x1F100] =	vst v63  }
0x13e: {  	s13 =	simm.s32 $0x9100  }
0x13f: {  	[tilespmem:s13], [sflag:$0x2] =	stream.indirect_vreg.gather [hbm4b:s19+s22], $0x80, v9, vm9, $0xb8;
	[tilespmem:$0x1F100] =	vst v63  }
0x140: {  	s16 =	simm.s32 $0x9900  }
0x141: {  	[tilespmem:s16], [sflag:$0x2] =	stream.indirect_vreg.gather [hbm4b:s6+s22], $0x80, v9, vm9, $0xb8;
	[tilespmem:$0x1F100] =	vst v63  }
0x142: {  	v9 =	vld [tilespmem:$0x30];
	_ =	sdelay $0x4  }
0x143: {  	v10 =	vshrl.u32 v9, $0x3  }
0x144: {  	v10 =	vmul.u32 $0x30, v10  }
0x145: {  	v9 =	vand.u32 $0x7, v9  }
0x146: {  	v9 =	vor.u32 v9, v10  }
0x147: {  	v10 =	vperm.xlane v9, v4;
	_ =	sdelay $0x1  }
0x148: {  	v10 =	vadd.s32 v6, v10;
	_ =	sdelay $0x3  }
0x149: {  	s31 =	simm.s32 $0xA100;
	v9 =	vperm.xlane v9, v5  }
0x14a: {  	[tilespmem:s31], [sflag:$0x2] =	stream.indirect_vreg.gather [hbm4b:s26+s22], $0x80, v10, vm9, $0xb8;
	[tilespmem:$0x1F100] =	vst v63  }
0x14b: {  	s1 =	simm.s32 $0xA900;
	v9 =	vadd.s32 v6, v9  }
0x14c: {  	[tilespmem:s1], [sflag:$0x2] =	stream.indirect_vreg.gather [hbm4b:s19+s22], $0x80, v10, vm9, $0xb8;
	[tilespmem:$0x1F100] =	vst v63  }
0x14d: {  	s4 =	simm.s32 $0xB100  }
0x14e: {  	[tilespmem:s4], [sflag:$0x2] =	stream.indirect_vreg.gather [hbm4b:s6+s22], $0x80, v10, vm9, $0xb8;
	[tilespmem:$0x1F100] =	vst v63  }
0x14f: {  	s5 =	simm.s32 $0xB900  }
0x150: {  	[tilespmem:s5], [sflag:$0x2] =	stream.indirect_vreg.gather [hbm4b:s26+s22], $0x80, v9, vm9, $0xb8;
	[tilespmem:$0x1F100] =	vst v63  }
0x151: {  	s7 =	simm.s32 $0xC100  }
0x152: {  	[tilespmem:s7], [sflag:$0x2] =	stream.indirect_vreg.gather [hbm4b:s19+s22], $0x80, v9, vm9, $0xb8;
	[tilespmem:$0x1F100] =	vst v63  }
0x153: {  	s8 =	simm.s32 $0xC900  }
0x154: {  	[tilespmem:s8], [sflag:$0x2] =	stream.indirect_vreg.gather [hbm4b:s6+s22], $0x80, v9, vm9, $0xb8;
	[tilespmem:$0x1F100] =	vst v63  }
0x155: {  	s1 =	rddreg [dreg:$0x12];
	s4 =	simm.s32 $0x19100  }
0x156: {  	[hbm4b:s1+s10] =	stream.strided.scatter [tilespmem:s4], [sflag:$0xA], $0x400, s11, s10, $0x38;
	[tilespmem:$0x1F100] =	vst v63  }
0x157: {  	s9 =	sadd.s32 $0x40, s1;
	s8 =	simm.s32 $0x19500  }
0x158: {  	[hbm4b:s9+s10] =	stream.strided.scatter [tilespmem:s8], [sflag:$0xA], $0x400, s11, s10, $0x38;
	[tilespmem:$0x1F100] =	vst v63  }
0x159: {  	s13 =	sadd.s32 $0x80, s1;
	s7 =	simm.s32 $0x19900  }
0x15a: {  	[hbm4b:s13+s10] =	stream.strided.scatter [tilespmem:s7], [sflag:$0xA], $0x400, s11, s10, $0x38;
	[tilespmem:$0x1F100] =	vst v63  }
0x15b: {  	s16 =	sadd.s32 $0xC0, s1;
	s13 =	simm.s32 $0x19D00  }
0x15c: {  	[hbm4b:s16+s10] =	stream.strided.scatter [tilespmem:s13], [sflag:$0xA], $0x400, s11, s10, $0x38;
	[tilespmem:$0x1F100] =	vst v63  }
0x15d: {  	s31 =	sadd.s32 $0x100, s1;
	s5 =	simm.s32 $0x1A100  }
0x15e: {  	[hbm4b:s31+s10] =	stream.strided.scatter [tilespmem:s5], [sflag:$0xA], $0x400, s11, s10, $0x38;
	[tilespmem:$0x1F100] =	vst v63  }
0x15f: {  	s12 =	simm.s32 $0x1A500;
	s9 =	sadd.s32 $0x140, s1  }
0x160: {  	[hbm4b:s9+s10] =	stream.strided.scatter [tilespmem:s12], [sflag:$0xA], $0x400, s11, s10, $0x38;
	[tilespmem:$0x1F100] =	vst v63  }
0x161: {  	s16 =	sadd.s32 $0x300, s1;
	s9 =	simm.s32 $0x1A900  }
0x162: {  	[hbm4b:s16+s10] =	stream.strided.scatter [tilespmem:s9], [sflag:$0xA], $0x400, s11, s10, $0x38;
	[tilespmem:$0x1F100] =	vst v63  }
0x163: {  	s31 =	sadd.s32 $0x340, s1;
	s12 =	simm.s32 $0x1AD00  }
0x164: {  	[hbm4b:s31+s10] =	stream.strided.scatter [tilespmem:s12], [sflag:$0xA], $0x400, s11, s10, $0x38;
	[tilespmem:$0x1F100] =	vst v63  }
0x165: {  	s18 =	simm.s32 $0x1B100;
	s16 =	sadd.s32 $0x380, s1  }
0x166: {  	[hbm4b:s16+s10] =	stream.strided.scatter [tilespmem:s18], [sflag:$0xA], $0x400, s11, s10, $0x38;
	[tilespmem:$0x1F100] =	vst v63  }
0x167: {  	s31 =	sadd.s32 $0x3C0, s1  }
0x168: {  	[hbm4b:s31+s10] =	stream.strided.scatter [tilespmem:s14], [sflag:$0xA], $0x400, s11, s10, $0x38;
	[tilespmem:$0x1F100] =	vst v63  }
0x169: {  	s23 =	simm.s32 $0x1B900;
	s16 =	sadd.s32 $0x400, s1  }
0x16a: {  	[hbm4b:s16+s10] =	stream.strided.scatter [tilespmem:s23], [sflag:$0xA], $0x400, s11, s10, $0x38;
	[tilespmem:$0x1F100] =	vst v63  }
0x16b: {  	s18 =	sadd.s32 $0x440, s1;
	s16 =	simm.s32 $0x1BD00  }
0x16c: {  	[hbm4b:s18+s10] =	stream.strided.scatter [tilespmem:s16], [sflag:$0xA], $0x400, s11, s10, $0x38;
	[tilespmem:$0x1F100] =	vst v63  }
0x16d: {  	s17 =	simm.s32 $0x1C100;
	s23 =	sadd.s32 $0x600, s1  }
0x16e: {  	[hbm4b:s23+s10] =	stream.strided.scatter [tilespmem:s17], [sflag:$0xA], $0x400, s11, s10, $0x38;
	[tilespmem:$0x1F100] =	vst v63  }
0x16f: {  	s18 =	sadd.s32 $0x640, s1;
	s23 =	simm.s32 $0x1C500  }
0x170: {  	[hbm4b:s18+s10] =	stream.strided.scatter [tilespmem:s23], [sflag:$0xA], $0x400, s11, s10, $0x38;
	[tilespmem:$0x1F100] =	vst v63  }
0x171: {  	s24 =	simm.s32 $0x1C900;
	s17 =	sadd.s32 $0x680, s1  }
0x172: {  	[hbm4b:s17+s10] =	stream.strided.scatter [tilespmem:s24], [sflag:$0xA], $0x400, s11, s10, $0x38;
	[tilespmem:$0x1F100] =	vst v63  }
0x173: {  	s18 =	sadd.s32 $0x6C0, s1;
	s24 =	simm.s32 $0x1CD00  }
0x174: {  	[hbm4b:s18+s10] =	stream.strided.scatter [tilespmem:s24], [sflag:$0xA], $0x400, s11, s10, $0x38;
	[tilespmem:$0x1F100] =	vst v63  }
0x175: {  	s21 =	simm.s32 $0x1D100;
	s18 =	sadd.s32 $0x700, s1  }
0x176: {  	[hbm4b:s18+s10] =	stream.strided.scatter [tilespmem:s21], [sflag:$0xA], $0x400, s11, s10, $0x38;
	[tilespmem:$0x1F100] =	vst v63  }
0x177: {  	s24 =	sadd.s32 $0x740, s1;
	s21 =	simm.s32 $0x1D500  }
0x178: {  	[hbm4b:s24+s10] =	stream.strided.scatter [tilespmem:s21], [sflag:$0xA], $0x400, s11, s10, $0x38;
	[tilespmem:$0x1F100] =	vst v63  }
0x179: {  	s20 =	simm.s32 $0x1D900;
	s18 =	sadd.s32 $0x900, s1  }
0x17a: {  	[hbm4b:s18+s10] =	stream.strided.scatter [tilespmem:s20], [sflag:$0xA], $0x400, s11, s10, $0x38;
	[tilespmem:$0x1F100] =	vst v63  }
0x17b: {  	s24 =	simm.s32 $0x1DD00;
	s20 =	sadd.s32 $0x940, s1  }
0x17c: {  	[hbm4b:s20+s10] =	stream.strided.scatter [tilespmem:s24], [sflag:$0xA], $0x400, s11, s10, $0x38;
	[tilespmem:$0x1F100] =	vst v63  }
0x17d: {  	s28 =	simm.s32 $0x1E100;
	s20 =	sadd.s32 $0x980, s1  }
0x17e: {  	[hbm4b:s20+s10] =	stream.strided.scatter [tilespmem:s28], [sflag:$0xA], $0x400, s11, s10, $0x38;
	[tilespmem:$0x1F100] =	vst v63  }
0x17f: {  	s29 =	simm.s32 $0x1E500;
	s28 =	sadd.s32 $0x9C0, s1  }
0x180: {  	[hbm4b:s28+s10] =	stream.strided.scatter [tilespmem:s29], [sflag:$0xA], $0x400, s11, s10, $0x38;
	[tilespmem:$0x1F100] =	vst v63  }
0x181: {  	s20 =	sadd.s32 $0xA00, s1;
	s28 =	simm.s32 $0x1E900  }
0x182: {  	[hbm4b:s20+s10] =	stream.strided.scatter [tilespmem:s28], [sflag:$0xA], $0x400, s11, s10, $0x38;
	[tilespmem:$0x1F100] =	vst v63  }
0x183: {  	s30 =	simm.s32 $0x1ED00;
	s20 =	sadd.s32 $0xA40, s1  }
0x184: {  	[hbm4b:s20+s10] =	stream.strided.scatter [tilespmem:s30], [sflag:$0xA], $0x400, s11, s10, $0x38;
	[tilespmem:$0x1F100] =	vst v63  }
0x185: {  	v9 =	vld [tilespmem:$0x40];
	_ =	sdelay $0x4  }
0x186: {  	v10 =	vshrl.u32 v9, $0x3  }
0x187: {  	v10 =	vmul.u32 $0x30, v10  }
0x188: {  	v9 =	vand.u32 $0x7, v9  }
0x189: {  	v9 =	vor.u32 v9, v10  }
0x18a: {  	v10 =	vperm.xlane v9, v4;
	_ =	sdelay $0x1  }
0x18b: {  	v10 =	vadd.s32 v6, v10;
	_ =	sdelay $0x3  }
0x18c: {  	s28 =	simm.s32 $0xD100;
	v9 =	vperm.xlane v9, v5  }
0x18d: {  	[tilespmem:s28], [sflag:$0x3] =	stream.indirect_vreg.gather [hbm4b:s26+s22], $0x80, v10, vm9, $0xb8;
	[tilespmem:$0x1F100] =	vst v63  }
0x18e: {  	s30 =	simm.s32 $0xD900;
	v9 =	vadd.s32 v6, v9  }
0x18f: {  	[tilespmem:s30], [sflag:$0x3] =	stream.indirect_vreg.gather [hbm4b:s19+s22], $0x80, v10, vm9, $0xb8;
	[tilespmem:$0x1F100] =	vst v63  }
0x190: {  	s1 =	simm.s32 $0xE100  }
0x191: {  	[tilespmem:s1], [sflag:$0x3] =	stream.indirect_vreg.gather [hbm4b:s6+s22], $0x80, v10, vm9, $0xb8;
	[tilespmem:$0x1F100] =	vst v63  }
0x192: {  	s20 =	simm.s32 $0xE900  }
0x193: {  	[tilespmem:s20], [sflag:$0x3] =	stream.indirect_vreg.gather [hbm4b:s26+s22], $0x80, v9, vm9, $0xb8;
	[tilespmem:$0x1F100] =	vst v63  }
0x194: {  	s28 =	simm.s32 $0xF100  }
0x195: {  	[tilespmem:s28], [sflag:$0x3] =	stream.indirect_vreg.gather [hbm4b:s19+s22], $0x80, v9, vm9, $0xb8;
	[tilespmem:$0x1F100] =	vst v63  }
0x196: {  	s30 =	simm.s32 $0xF900  }
0x197: {  	[tilespmem:s30], [sflag:$0x3] =	stream.indirect_vreg.gather [hbm4b:s6+s22], $0x80, v9, vm9, $0xb8;
	[tilespmem:$0x1F100] =	vst v63  }
0x198: {  	v9 =	vld [tilespmem:$0x50];
	_ =	sdelay $0x4  }
0x199: {  	v10 =	vshrl.u32 v9, $0x3  }
0x19a: {  	v10 =	vmul.u32 $0x30, v10  }
0x19b: {  	v9 =	vand.u32 $0x7, v9  }
0x19c: {  	v9 =	vor.u32 v9, v10  }
0x19d: {  	v10 =	vperm.xlane v9, v4;
	_ =	sdelay $0x1  }
0x19e: {  	v10 =	vadd.s32 v6, v10;
	_ =	sdelay $0x3  }
0x19f: {  	s1 =	simm.s32 $0x10100;
	v9 =	vperm.xlane v9, v5  }
0x1a0: {  	[tilespmem:s1], [sflag:$0x3] =	stream.indirect_vreg.gather [hbm4b:s26+s22], $0x80, v10, vm9, $0xb8;
	[tilespmem:$0x1F100] =	vst v63  }
0x1a1: {  	s20 =	simm.s32 $0x10900;
	v9 =	vadd.s32 v6, v9  }
0x1a2: {  	[tilespmem:s20], [sflag:$0x3] =	stream.indirect_vreg.gather [hbm4b:s19+s22], $0x80, v10, vm9, $0xb8;
	[tilespmem:$0x1F100] =	vst v63  }
0x1a3: {  	s28 =	simm.s32 $0x11100  }
0x1a4: {  	[tilespmem:s28], [sflag:$0x3] =	stream.indirect_vreg.gather [hbm4b:s6+s22], $0x80, v10, vm9, $0xb8;
	[tilespmem:$0x1F100] =	vst v63  }
0x1a5: {  	s30 =	simm.s32 $0x11900  }
0x1a6: {  	[tilespmem:s30], [sflag:$0x3] =	stream.indirect_vreg.gather [hbm4b:s26+s22], $0x80, v9, vm9, $0xb8;
	[tilespmem:$0x1F100] =	vst v63  }
0x1a7: {  	s1 =	simm.s32 $0x12100  }
0x1a8: {  	[tilespmem:s1], [sflag:$0x3] =	stream.indirect_vreg.gather [hbm4b:s19+s22], $0x80, v9, vm9, $0xb8;
	[tilespmem:$0x1F100] =	vst v63  }
0x1a9: {  	s20 =	simm.s32 $0x12900  }
0x1aa: {  	[tilespmem:s20], [sflag:$0x3] =	stream.indirect_vreg.gather [hbm4b:s6+s22], $0x80, v9, vm9, $0xb8;
	[tilespmem:$0x1F100] =	vst v63  }
0x1ab: {  	s1 =	rddreg [dreg:$0x13]  }
0x1ac: {  	[hbm4b:s1+s10] =	stream.strided.scatter [tilespmem:s4], [sflag:$0xB], $0x400, s11, s10, $0x38;
	[tilespmem:$0x1F100] =	vst v63  }
0x1ad: {  	s28 =	sadd.s32 $0x40, s1  }
0x1ae: {  	[hbm4b:s28+s10] =	stream.strided.scatter [tilespmem:s8], [sflag:$0xB], $0x400, s11, s10, $0x38;
	[tilespmem:$0x1F100] =	vst v63  }
0x1af: {  	s30 =	sadd.s32 $0x80, s1  }
0x1b0: {  	[hbm4b:s30+s10] =	stream.strided.scatter [tilespmem:s7], [sflag:$0xB], $0x400, s11, s10, $0x38;
	[tilespmem:$0x1F100] =	vst v63  }
0x1b1: {  	s4 =	sadd.s32 $0xC0, s1  }
0x1b2: {  	[hbm4b:s4+s10] =	stream.strided.scatter [tilespmem:s13], [sflag:$0xB], $0x400, s11, s10, $0x38;
	[tilespmem:$0x1F100] =	vst v63  }
0x1b3: {  	s20 =	sadd.s32 $0x100, s1  }
0x1b4: {  	[hbm4b:s20+s10] =	stream.strided.scatter [tilespmem:s5], [sflag:$0xB], $0x400, s11, s10, $0x38;
	[tilespmem:$0x1F100] =	vst v63  }
0x1b5: {  	s28 =	sadd.s32 $0x140, s1;
	s30 =	simm.s32 $0x1A500  }
0x1b6: {  	[hbm4b:s28+s10] =	stream.strided.scatter [tilespmem:s30], [sflag:$0xB], $0x400, s11, s10, $0x38;
	[tilespmem:$0x1F100] =	vst v63  }
0x1b7: {  	s4 =	sadd.s32 $0x300, s1  }
0x1b8: {  	[hbm4b:s4+s10] =	stream.strided.scatter [tilespmem:s9], [sflag:$0xB], $0x400, s11, s10, $0x38;
	[tilespmem:$0x1F100] =	vst v63  }
0x1b9: {  	s20 =	sadd.s32 $0x340, s1  }
0x1ba: {  	[hbm4b:s20+s10] =	stream.strided.scatter [tilespmem:s12], [sflag:$0xB], $0x400, s11, s10, $0x38;
	[tilespmem:$0x1F100] =	vst v63  }
0x1bb: {  	s28 =	sadd.s32 $0x380, s1;
	s30 =	simm.s32 $0x1B100  }
0x1bc: {  	[hbm4b:s28+s10] =	stream.strided.scatter [tilespmem:s30], [sflag:$0xB], $0x400, s11, s10, $0x38;
	[tilespmem:$0x1F100] =	vst v63  }
0x1bd: {  	s20 =	sadd.s32 $0x3C0, s1  }
0x1be: {  	[hbm4b:s20+s10] =	stream.strided.scatter [tilespmem:s14], [sflag:$0xB], $0x400, s11, s10, $0x38;
	[tilespmem:$0x1F100] =	vst v63  }
0x1bf: {  	s31 =	simm.s32 $0x1B900;
	s28 =	sadd.s32 $0x400, s1  }
0x1c0: {  	[hbm4b:s28+s10] =	stream.strided.scatter [tilespmem:s31], [sflag:$0xB], $0x400, s11, s10, $0x38;
	[tilespmem:$0x1F100] =	vst v63  }
0x1c1: {  	s9 =	sadd.s32 $0x440, s1  }
0x1c2: {  	[hbm4b:s9+s10] =	stream.strided.scatter [tilespmem:s16], [sflag:$0xB], $0x400, s11, s10, $0x38;
	[tilespmem:$0x1F100] =	vst v63  }
0x1c3: {  	s20 =	simm.s32 $0x1C100;
	s16 =	sadd.s32 $0x600, s1  }
0x1c4: {  	[hbm4b:s16+s10] =	stream.strided.scatter [tilespmem:s20], [sflag:$0xB], $0x400, s11, s10, $0x38;
	[tilespmem:$0x1F100] =	vst v63  }
0x1c5: {  	s9 =	sadd.s32 $0x640, s1  }
0x1c6: {  	[hbm4b:s9+s10] =	stream.strided.scatter [tilespmem:s23], [sflag:$0xB], $0x400, s11, s10, $0x38;
	[tilespmem:$0x1F100] =	vst v63  }
0x1c7: {  	s16 =	sadd.s32 $0x680, s1;
	s23 =	simm.s32 $0x1C900  }
0x1c8: {  	[hbm4b:s16+s10] =	stream.strided.scatter [tilespmem:s23], [sflag:$0xB], $0x400, s11, s10, $0x38;
	[tilespmem:$0x1F100] =	vst v63  }
0x1c9: {  	s9 =	sadd.s32 $0x6C0, s1;
	s16 =	simm.s32 $0x1CD00  }
0x1ca: {  	[hbm4b:s9+s10] =	stream.strided.scatter [tilespmem:s16], [sflag:$0xB], $0x400, s11, s10, $0x38;
	[tilespmem:$0x1F100] =	vst v63  }
0x1cb: {  	s17 =	simm.s32 $0x1D100;
	s16 =	sadd.s32 $0x700, s1  }
0x1cc: {  	[hbm4b:s16+s10] =	stream.strided.scatter [tilespmem:s17], [sflag:$0xB], $0x400, s11, s10, $0x38;
	[tilespmem:$0x1F100] =	vst v63  }
0x1cd: {  	s9 =	sadd.s32 $0x740, s1  }
0x1ce: {  	[hbm4b:s9+s10] =	stream.strided.scatter [tilespmem:s21], [sflag:$0xB], $0x400, s11, s10, $0x38;
	[tilespmem:$0x1F100] =	vst v63  }
0x1cf: {  	s18 =	simm.s32 $0x1D900;
	s16 =	sadd.s32 $0x900, s1  }
0x1d0: {  	[hbm4b:s16+s10] =	stream.strided.scatter [tilespmem:s18], [sflag:$0xB], $0x400, s11, s10, $0x38;
	[tilespmem:$0x1F100] =	vst v63  }
0x1d1: {  	s21 =	sadd.s32 $0x940, s1  }
0x1d2: {  	[hbm4b:s21+s10] =	stream.strided.scatter [tilespmem:s24], [sflag:$0xB], $0x400, s11, s10, $0x38;
	[tilespmem:$0x1F100] =	vst v63  }
0x1d3: {  	s16 =	sadd.s32 $0x980, s1;
	s24 =	simm.s32 $0x1E100  }
0x1d4: {  	[hbm4b:s16+s10] =	stream.strided.scatter [tilespmem:s24], [sflag:$0xB], $0x400, s11, s10, $0x38;
	[tilespmem:$0x1F100] =	vst v63  }
0x1d5: {  	s0 =	sadd.s32 $0x9C0, s1;
	s16 =	simm.s32 $0x1E500  }
0x1d6: {  	[hbm4b:s0+s10] =	stream.strided.scatter [tilespmem:s16], [sflag:$0xB], $0x400, s11, s10, $0x38;
	[tilespmem:$0x1F100] =	vst v63  }
0x1d7: {  	s0 =	sadd.s32 $0xA00, s1;
	s16 =	simm.s32 $0x1E900  }
0x1d8: {  	[hbm4b:s0+s10] =	stream.strided.scatter [tilespmem:s16], [sflag:$0xB], $0x400, s11, s10, $0x38;
	[tilespmem:$0x1F100] =	vst v63  }
0x1d9: {  	s1 =	sadd.s32 $0xA40, s1;
	s16 =	simm.s32 $0x1ED00  }
0x1da: {  	[hbm4b:s1+s10] =	stream.strided.scatter [tilespmem:s16], [sflag:$0xB], $0x400, s11, s10, $0x38;
	[tilespmem:$0x1F100] =	vst v63  }
0x1db: {  	v9 =	vld [tilespmem:$0x60];
	_ =	sdelay $0x4  }
0x1dc: {  	v10 =	vshrl.u32 v9, $0x3  }
0x1dd: {  	v10 =	vmul.u32 $0x30, v10  }
0x1de: {  	v9 =	vand.u32 $0x7, v9  }
0x1df: {  	v9 =	vor.u32 v9, v10  }
0x1e0: {  	v10 =	vperm.xlane v9, v4;
	_ =	sdelay $0x1  }
0x1e1: {  	v10 =	vadd.s32 v6, v10;
	_ =	sdelay $0x3  }
0x1e2: {  	s1 =	simm.s32 $0x13100;
	v9 =	vperm.xlane v9, v5  }
0x1e3: {  	[tilespmem:s1], [sflag:$0x4] =	stream.indirect_vreg.gather [hbm4b:s26+s22], $0x80, v10, vm9, $0xb8;
	[tilespmem:$0x1F100] =	vst v63  }
0x1e4: {  	v9 =	vadd.s32 v6, v9;
	s1 =	simm.s32 $0x13900  }
0x1e5: {  	[tilespmem:s1], [sflag:$0x4] =	stream.indirect_vreg.gather [hbm4b:s19+s22], $0x80, v10, vm9, $0xb8;
	[tilespmem:$0x1F100] =	vst v63  }
0x1e6: {  	s1 =	simm.s32 $0x14100  }
0x1e7: {  	[tilespmem:s1], [sflag:$0x4] =	stream.indirect_vreg.gather [hbm4b:s6+s22], $0x80, v10, vm9, $0xb8;
	[tilespmem:$0x1F100] =	vst v63  }
0x1e8: {  	s1 =	simm.s32 $0x14900  }
0x1e9: {  	[tilespmem:s1], [sflag:$0x4] =	stream.indirect_vreg.gather [hbm4b:s26+s22], $0x80, v9, vm9, $0xb8;
	[tilespmem:$0x1F100] =	vst v63  }
0x1ea: {  	s1 =	simm.s32 $0x15100  }
0x1eb: {  	[tilespmem:s1], [sflag:$0x4] =	stream.indirect_vreg.gather [hbm4b:s19+s22], $0x80, v9, vm9, $0xb8;
	[tilespmem:$0x1F100] =	vst v63  }
0x1ec: {  	s1 =	simm.s32 $0x15900  }
0x1ed: {  	[tilespmem:s1], [sflag:$0x4] =	stream.indirect_vreg.gather [hbm4b:s6+s22], $0x80, v9, vm9, $0xb8;
	[tilespmem:$0x1F100] =	vst v63  }
0x1ee: {  	v9 =	vld [tilespmem:$0x70];
	_ =	sdelay $0x4  }
0x1ef: {  	v10 =	vshrl.u32 v9, $0x3  }
0x1f0: {  	v10 =	vmul.u32 $0x30, v10  }
0x1f1: {  	v9 =	vand.u32 $0x7, v9  }
0x1f2: {  	v9 =	vor.u32 v9, v10  }
0x1f3: {  	v10 =	vperm.xlane v9, v4;
	_ =	sdelay $0x1  }
0x1f4: {  	v10 =	vadd.s32 v6, v10;
	_ =	sdelay $0x3  }
0x1f5: {  	s1 =	simm.s32 $0x16100;
	v9 =	vperm.xlane v9, v5  }
0x1f6: {  	[tilespmem:s1], [sflag:$0x4] =	stream.indirect_vreg.gather [hbm4b:s26+s22], $0x80, v10, vm9, $0xb8;
	[tilespmem:$0x1F100] =	vst v63  }
0x1f7: {  	v9 =	vadd.s32 v6, v9;
	s1 =	simm.s32 $0x16900  }
0x1f8: {  	[tilespmem:s1], [sflag:$0x4] =	stream.indirect_vreg.gather [hbm4b:s19+s22], $0x80, v10, vm9, $0xb8;
	[tilespmem:$0x1F100] =	vst v63  }
0x1f9: {  	s1 =	simm.s32 $0x17100  }
0x1fa: {  	[tilespmem:s1], [sflag:$0x4] =	stream.indirect_vreg.gather [hbm4b:s6+s22], $0x80, v10, vm9, $0xb8;
	[tilespmem:$0x1F100] =	vst v63  }
0x1fb: {  	s1 =	simm.s32 $0x17900  }
0x1fc: {  	[tilespmem:s1], [sflag:$0x4] =	stream.indirect_vreg.gather [hbm4b:s26+s22], $0x80, v9, vm9, $0xb8;
	[tilespmem:$0x1F100] =	vst v63  }
0x1fd: {  	s26 =	simm.s32 $0x18100  }
0x1fe: {  	[tilespmem:s26], [sflag:$0x4] =	stream.indirect_vreg.gather [hbm4b:s19+s22], $0x80, v9, vm9, $0xb8;
	[tilespmem:$0x1F100] =	vst v63  }
0x1ff: {  	s1 =	simm.s32 $0x18900  }
0x200: {  	[tilespmem:s1], [sflag:$0x4] =	stream.indirect_vreg.gather [hbm4b:s6+s22], $0x80, v9, vm9, $0xb8;
	[tilespmem:$0x1F100] =	vst v63  }
0x201: {  	s29 =	simm.s32 $0x19100;
	s1 =	rddreg [dreg:$0x14]  }
0x202: {  	[hbm4b:s1+s10] =	stream.strided.scatter [tilespmem:s29], [sflag:$0xC], $0x400, s11, s10, $0x38;
	[tilespmem:$0x1F100] =	vst v63  }
0x203: {  	s8 =	simm.s32 $0x19500;
	s26 =	sadd.s32 $0x40, s1  }
0x204: {  	[hbm4b:s26+s10] =	stream.strided.scatter [tilespmem:s8], [sflag:$0xC], $0x400, s11, s10, $0x38;
	[tilespmem:$0x1F100] =	vst v63  }
0x205: {  	s7 =	simm.s32 $0x19900;
	s26 =	sadd.s32 $0x80, s1  }
0x206: {  	[hbm4b:s26+s10] =	stream.strided.scatter [tilespmem:s7], [sflag:$0xC], $0x400, s11, s10, $0x38;
	[tilespmem:$0x1F100] =	vst v63  }
0x207: {  	s13 =	simm.s32 $0x19D00;
	s7 =	sadd.s32 $0xC0, s1  }
0x208: {  	[hbm4b:s7+s10] =	stream.strided.scatter [tilespmem:s13], [sflag:$0xC], $0x400, s11, s10, $0x38;
	[tilespmem:$0x1F100] =	vst v63  }
0x209: {  	s5 =	simm.s32 $0x1A100;
	s8 =	sadd.s32 $0x100, s1  }
0x20a: {  	[hbm4b:s8+s10] =	stream.strided.scatter [tilespmem:s5], [sflag:$0xC], $0x400, s11, s10, $0x38;
	[tilespmem:$0x1F100] =	vst v63  }
0x20b: {  	s26 =	simm.s32 $0x1A500;
	s13 =	sadd.s32 $0x140, s1  }
0x20c: {  	[hbm4b:s13+s10] =	stream.strided.scatter [tilespmem:s26], [sflag:$0xC], $0x400, s11, s10, $0x38;
	[tilespmem:$0x1F100] =	vst v63  }
0x20d: {  	s4 =	simm.s32 $0x1A900;
	s7 =	sadd.s32 $0x300, s1  }
0x20e: {  	[hbm4b:s7+s10] =	stream.strided.scatter [tilespmem:s4], [sflag:$0xC], $0x400, s11, s10, $0x38;
	[tilespmem:$0x1F100] =	vst v63  }
0x20f: {  	s12 =	simm.s32 $0x1AD00;
	s8 =	sadd.s32 $0x340, s1  }
0x210: {  	[hbm4b:s8+s10] =	stream.strided.scatter [tilespmem:s12], [sflag:$0xC], $0x400, s11, s10, $0x38;
	[tilespmem:$0x1F100] =	vst v63  }
0x211: {  	s30 =	simm.s32 $0x1B100;
	s12 =	sadd.s32 $0x380, s1  }
0x212: {  	[hbm4b:s12+s10] =	stream.strided.scatter [tilespmem:s30], [sflag:$0xC], $0x400, s11, s10, $0x38;
	[tilespmem:$0x1F100] =	vst v63  }
0x213: {  	s13 =	sadd.s32 $0x3C0, s1  }
0x214: {  	[hbm4b:s13+s10] =	stream.strided.scatter [tilespmem:s14], [sflag:$0xC], $0x400, s11, s10, $0x38;
	[tilespmem:$0x1F100] =	vst v63  }
0x215: {  	s28 =	simm.s32 $0x1B900;
	s26 =	sadd.s32 $0x400, s1  }
0x216: {  	[hbm4b:s26+s10] =	stream.strided.scatter [tilespmem:s28], [sflag:$0xC], $0x400, s11, s10, $0x38;
	[tilespmem:$0x1F100] =	vst v63  }
0x217: {  	s31 =	simm.s32 $0x1BD00;
	s28 =	sadd.s32 $0x440, s1  }
0x218: {  	[hbm4b:s28+s10] =	stream.strided.scatter [tilespmem:s31], [sflag:$0xC], $0x400, s11, s10, $0x38;
	[tilespmem:$0x1F100] =	vst v63  }
0x219: {  	s30 =	sadd.s32 $0x600, s1;
	s31 =	simm.s32 $0x1C100  }
0x21a: {  	[hbm4b:s30+s10] =	stream.strided.scatter [tilespmem:s31], [sflag:$0xC], $0x400, s11, s10, $0x38;
	[tilespmem:$0x1F100] =	vst v63  }
0x21b: {  	s20 =	simm.s32 $0x1C500;
	s5 =	sadd.s32 $0x640, s1  }
0x21c: {  	[hbm4b:s5+s10] =	stream.strided.scatter [tilespmem:s20], [sflag:$0xC], $0x400, s11, s10, $0x38;
	[tilespmem:$0x1F100] =	vst v63  }
0x21d: {  	s23 =	simm.s32 $0x1C900;
	s7 =	sadd.s32 $0x680, s1  }
0x21e: {  	[hbm4b:s7+s10] =	stream.strided.scatter [tilespmem:s23], [sflag:$0xC], $0x400, s11, s10, $0x38;
	[tilespmem:$0x1F100] =	vst v63  }
0x21f: {  	s8 =	sadd.s32 $0x6C0, s1;
	s12 =	simm.s32 $0x1CD00  }
0x220: {  	[hbm4b:s8+s10] =	stream.strided.scatter [tilespmem:s12], [sflag:$0xC], $0x400, s11, s10, $0x38;
	[tilespmem:$0x1F100] =	vst v63  }
0x221: {  	s17 =	simm.s32 $0x1D100;
	s13 =	sadd.s32 $0x700, s1  }
0x222: {  	[hbm4b:s13+s10] =	stream.strided.scatter [tilespmem:s17], [sflag:$0xC], $0x400, s11, s10, $0x38;
	[tilespmem:$0x1F100] =	vst v63  }
0x223: {  	s9 =	simm.s32 $0x1D500;
	s14 =	sadd.s32 $0x740, s1  }
0x224: {  	[hbm4b:s14+s10] =	stream.strided.scatter [tilespmem:s9], [sflag:$0xC], $0x400, s11, s10, $0x38;
	[tilespmem:$0x1F100] =	vst v63  }
0x225: {  	s18 =	simm.s32 $0x1D900;
	s17 =	sadd.s32 $0x900, s1  }
0x226: {  	[hbm4b:s17+s10] =	stream.strided.scatter [tilespmem:s18], [sflag:$0xC], $0x400, s11, s10, $0x38;
	[tilespmem:$0x1F100] =	vst v63  }
0x227: {  	s21 =	simm.s32 $0x1DD00;
	s20 =	sadd.s32 $0x940, s1  }
0x228: {  	[hbm4b:s20+s10] =	stream.strided.scatter [tilespmem:s21], [sflag:$0xC], $0x400, s11, s10, $0x38;
	[tilespmem:$0x1F100] =	vst v63  }
0x229: {  	s24 =	simm.s32 $0x1E100;
	s16 =	simm.s32 $0x1ED00;
	s23 =	sadd.s32 $0x980, s1  }
0x22a: {  	[hbm4b:s23+s10] =	stream.strided.scatter [tilespmem:s24], [sflag:$0xC], $0x400, s11, s10, $0x38;
	[tilespmem:$0x1F100] =	vst v63  }
0x22b: {  	s29 =	simm.s32 $0x19500;
	s26 =	simm.s32 $0x1E500;
	s24 =	sadd.s32 $0x9C0, s1  }
0x22c: {  	[hbm4b:s24+s10] =	stream.strided.scatter [tilespmem:s26], [sflag:$0xC], $0x400, s11, s10, $0x38;
	[tilespmem:$0x1F100] =	vst v63  }
0x22d: {  	s28 =	sadd.s32 $0xA00, s1;
	s30 =	simm.s32 $0x1E900;
	s31 =	sadd.s32 $0xA40, s1  }
0x22e: {  	[hbm4b:s28+s10] =	stream.strided.scatter [tilespmem:s30], [sflag:$0xC], $0x400, s11, s10, $0x38;
	[tilespmem:$0x1F100] =	vst v63  }
0x22f: {  	s7 =	simm.s32 $0x0;
	s23 =	simm.s32 $0x7;
	s1 =	simm.s32 $0x0  }
0x230: {  	[hbm4b:s31+s10] =	stream.strided.scatter [tilespmem:s16], [sflag:$0xC], $0x400, s11, s10, $0x38;
	[tilespmem:$0x1F100] =	vst v63  }
.LBB2_4:
0x231: {  	[dreg:$0x1c] =	wrdreg s1  }
0x232: {  	s0 =	sshrl.u32 s1, $0x2;
	s5 =	rddreg [dreg:$0xd];
	s24 =	sand.u32 $0x60, s22  }
0x233: {  	[dreg:$0x1b] =	wrdreg s22;
	s0 =	sor.u32 s5, s0;
	s1 =	smul.u32 $0xC00, s24  }
0x234: {  	_ =	swait.ge [sflag:s2], $0x6000;
	s0 =	smul.u32 $0xC0000, s0  }
0x235: {  	[sflag:s2] =	ssyncset.done $0x0  }
0x236: {  	[sflag:s2] =	ssyncadd.s32 $0xFFFFA000;
	s0 =	sadd.s32 s1, s0  }
0x237: {  	s4 =	rddreg [dreg:$0x1];
	s0 =	sshrl.u32 s0, $0x3  }
0x238: {  	s28 =	sadd.s32 s4, s0  }
0x239: {  	[hbm4b:s28+s10] =	stream.strided.scatter [tilespmem:s3], [sflag:$0x5], $0x400, s11, s10, $0x38;
	[tilespmem:$0x1F100] =	vst v63  }
0x23a: {  	s26 =	simm.s32 $0x1500;
	s0 =	sadd.s32 $0x40, s28  }
0x23b: {  	[hbm4b:s0+s10] =	stream.strided.scatter [tilespmem:s26], [sflag:$0x5], $0x400, s11, s10, $0x38;
	[tilespmem:$0x1F100] =	vst v63  }
0x23c: {  	s31 =	sadd.s32 $0x80, s28  }
0x23d: {  	[hbm4b:s31+s10] =	stream.strided.scatter [tilespmem:s25], [sflag:$0x5], $0x400, s11, s10, $0x38;
	[tilespmem:$0x1F100] =	vst v63  }
0x23e: {  	s2 =	simm.s32 $0x1D00;
	s1 =	sadd.s32 $0xC0, s28  }
0x23f: {  	[hbm4b:s1+s10] =	stream.strided.scatter [tilespmem:s2], [sflag:$0x5], $0x400, s11, s10, $0x38;
	[tilespmem:$0x1F100] =	vst v63  }
0x240: {  	s3 =	sadd.s32 $0x100, s28  }
0x241: {  	[hbm4b:s3+s10] =	stream.strided.scatter [tilespmem:s15], [sflag:$0x5], $0x400, s11, s10, $0x38;
	[tilespmem:$0x1F100] =	vst v63  }
0x242: {  	s9 =	simm.s32 $0x2500;
	s8 =	sadd.s32 $0x140, s28  }
0x243: {  	[hbm4b:s8+s10] =	stream.strided.scatter [tilespmem:s9], [sflag:$0x5], $0x400, s11, s10, $0x38;
	[tilespmem:$0x1F100] =	vst v63  }
0x244: {  	s13 =	simm.s32 $0x2900;
	s12 =	sadd.s32 $0x300, s28  }
0x245: {  	[hbm4b:s12+s10] =	stream.strided.scatter [tilespmem:s13], [sflag:$0x5], $0x400, s11, s10, $0x38;
	[tilespmem:$0x1F100] =	vst v63  }
0x246: {  	s14 =	sadd.s32 $0x340, s28;
	s15 =	simm.s32 $0x2D00  }
0x247: {  	[hbm4b:s14+s10] =	stream.strided.scatter [tilespmem:s15], [sflag:$0x5], $0x400, s11, s10, $0x38;
	[tilespmem:$0x1F100] =	vst v63  }
0x248: {  	s17 =	simm.s32 $0x3100;
	s16 =	sadd.s32 $0x380, s28  }
0x249: {  	[hbm4b:s16+s10] =	stream.strided.scatter [tilespmem:s17], [sflag:$0x5], $0x400, s11, s10, $0x38;
	[tilespmem:$0x1F100] =	vst v63  }
0x24a: {  	s20 =	simm.s32 $0x3500;
	s18 =	sadd.s32 $0x3C0, s28  }
0x24b: {  	[hbm4b:s18+s10] =	stream.strided.scatter [tilespmem:s20], [sflag:$0x5], $0x400, s11, s10, $0x38;
	[tilespmem:$0x1F100] =	vst v63  }
0x24c: {  	s22 =	simm.s32 $0x3900;
	s21 =	sadd.s32 $0x400, s28  }
0x24d: {  	[hbm4b:s21+s10] =	stream.strided.scatter [tilespmem:s22], [sflag:$0x5], $0x400, s11, s10, $0x38;
	[tilespmem:$0x1F100] =	vst v63  }
0x24e: {  	s24 =	sadd.s32 $0x440, s28;
	s25 =	simm.s32 $0x3D00  }
0x24f: {  	[hbm4b:s24+s10] =	stream.strided.scatter [tilespmem:s25], [sflag:$0x5], $0x400, s11, s10, $0x38;
	[tilespmem:$0x1F100] =	vst v63  }
0x250: {  	s26 =	sadd.s32 $0x600, s28;
	s31 =	simm.s32 $0x4100  }
0x251: {  	[hbm4b:s26+s10] =	stream.strided.scatter [tilespmem:s31], [sflag:$0x5], $0x400, s11, s10, $0x38;
	[tilespmem:$0x1F100] =	vst v63  }
0x252: {  	s2 =	sadd.s32 $0x640, s28;
	s3 =	simm.s32 $0x4500  }
0x253: {  	[hbm4b:s2+s10] =	stream.strided.scatter [tilespmem:s3], [sflag:$0x5], $0x400, s11, s10, $0x38;
	[tilespmem:$0x1F100] =	vst v63  }
0x254: {  	s8 =	sadd.s32 $0x680, s28;
	s9 =	simm.s32 $0x4900  }
0x255: {  	[hbm4b:s8+s10] =	stream.strided.scatter [tilespmem:s9], [sflag:$0x5], $0x400, s11, s10, $0x38;
	[tilespmem:$0x1F100] =	vst v63  }
0x256: {  	s12 =	sadd.s32 $0x6C0, s28;
	s13 =	simm.s32 $0x4D00  }
0x257: {  	[hbm4b:s12+s10] =	stream.strided.scatter [tilespmem:s13], [sflag:$0x5], $0x400, s11, s10, $0x38;
	[tilespmem:$0x1F100] =	vst v63  }
0x258: {  	s14 =	sadd.s32 $0x700, s28;
	s15 =	simm.s32 $0x5100  }
0x259: {  	[hbm4b:s14+s10] =	stream.strided.scatter [tilespmem:s15], [sflag:$0x5], $0x400, s11, s10, $0x38;
	[tilespmem:$0x1F100] =	vst v63  }
0x25a: {  	s16 =	sadd.s32 $0x740, s28;
	s17 =	simm.s32 $0x5500  }
0x25b: {  	[hbm4b:s16+s10] =	stream.strided.scatter [tilespmem:s17], [sflag:$0x5], $0x400, s11, s10, $0x38;
	[tilespmem:$0x1F100] =	vst v63  }
0x25c: {  	s18 =	sadd.s32 $0x900, s28;
	s20 =	simm.s32 $0x5900  }
0x25d: {  	[hbm4b:s18+s10] =	stream.strided.scatter [tilespmem:s20], [sflag:$0x5], $0x400, s11, s10, $0x38;
	[tilespmem:$0x1F100] =	vst v63  }
0x25e: {  	s21 =	sadd.s32 $0x940, s28;
	s22 =	simm.s32 $0x5D00  }
0x25f: {  	[hbm4b:s21+s10] =	stream.strided.scatter [tilespmem:s22], [sflag:$0x5], $0x400, s11, s10, $0x38;
	[tilespmem:$0x1F100] =	vst v63  }
0x260: {  	s24 =	sadd.s32 $0x980, s28;
	s25 =	simm.s32 $0x6100  }
0x261: {  	[hbm4b:s24+s10] =	stream.strided.scatter [tilespmem:s25], [sflag:$0x5], $0x400, s11, s10, $0x38;
	[tilespmem:$0x1F100] =	vst v63  }
0x262: {  	s26 =	sadd.s32 $0x9C0, s28;
	s31 =	simm.s32 $0x6500  }
0x263: {  	[hbm4b:s26+s10] =	stream.strided.scatter [tilespmem:s31], [sflag:$0x5], $0x400, s11, s10, $0x38;
	[tilespmem:$0x1F100] =	vst v63  }
0x264: {  	s1 =	sadd.s32 $0xA00, s28;
	s2 =	simm.s32 $0x6900  }
0x265: {  	[hbm4b:s1+s10] =	stream.strided.scatter [tilespmem:s2], [sflag:$0x5], $0x400, s11, s10, $0x38;
	[tilespmem:$0x1F100] =	vst v63  }
0x266: {  	s3 =	sadd.s32 $0xA40, s28;
	s8 =	simm.s32 $0x6D00;
	s9 =	simm.s32 $0x2  }
0x267: {  	[hbm4b:s3+s10] =	stream.strided.scatter [tilespmem:s8], [sflag:$0x5], $0x400, s11, s10, $0x38;
	[tilespmem:$0x1F100] =	vst v63  }
0x268: {  	_ =	swait.ge [sflag:s9], $0x6000  }
0x269: {  	[sflag:s9] =	ssyncset.done $0x0  }
0x26a: {  	s12 =	sadd.s32 $0xC00, s28;
	s13 =	simm.s32 $0x7100;
	[sflag:s9] =	ssyncadd.s32 $0xFFFFA000  }
0x26b: {  	[hbm4b:s12+s10] =	stream.strided.scatter [tilespmem:s13], [sflag:$0x6], $0x400, s11, s10, $0x38;
	[tilespmem:$0x1F100] =	vst v63  }
0x26c: {  	s14 =	sadd.s32 $0xC40, s28;
	s15 =	simm.s32 $0x7500  }
0x26d: {  	[hbm4b:s14+s10] =	stream.strided.scatter [tilespmem:s15], [sflag:$0x6], $0x400, s11, s10, $0x38;
	[tilespmem:$0x1F100] =	vst v63  }
0x26e: {  	s16 =	sadd.s32 $0xC80, s28;
	s17 =	simm.s32 $0x7900  }
0x26f: {  	[hbm4b:s16+s10] =	stream.strided.scatter [tilespmem:s17], [sflag:$0x6], $0x400, s11, s10, $0x38;
	[tilespmem:$0x1F100] =	vst v63  }
0x270: {  	s18 =	sadd.s32 $0xCC0, s28;
	s20 =	simm.s32 $0x7D00  }
0x271: {  	[hbm4b:s18+s10] =	stream.strided.scatter [tilespmem:s20], [sflag:$0x6], $0x400, s11, s10, $0x38;
	[tilespmem:$0x1F100] =	vst v63  }
0x272: {  	s21 =	sadd.s32 $0xD00, s28;
	s22 =	simm.s32 $0x8100  }
0x273: {  	[hbm4b:s21+s10] =	stream.strided.scatter [tilespmem:s22], [sflag:$0x6], $0x400, s11, s10, $0x38;
	[tilespmem:$0x1F100] =	vst v63  }
0x274: {  	s24 =	sadd.s32 $0xD40, s28;
	s25 =	simm.s32 $0x8500  }
0x275: {  	[hbm4b:s24+s10] =	stream.strided.scatter [tilespmem:s25], [sflag:$0x6], $0x400, s11, s10, $0x38;
	[tilespmem:$0x1F100] =	vst v63  }
0x276: {  	s26 =	sadd.s32 $0xF00, s28;
	s31 =	simm.s32 $0x8900  }
0x277: {  	[hbm4b:s26+s10] =	stream.strided.scatter [tilespmem:s31], [sflag:$0x6], $0x400, s11, s10, $0x38;
	[tilespmem:$0x1F100] =	vst v63  }
0x278: {  	s2 =	sadd.s32 $0xF40, s28;
	s3 =	simm.s32 $0x8D00  }
0x279: {  	[hbm4b:s2+s10] =	stream.strided.scatter [tilespmem:s3], [sflag:$0x6], $0x400, s11, s10, $0x38;
	[tilespmem:$0x1F100] =	vst v63  }
0x27a: {  	s8 =	sadd.s32 $0xF80, s28;
	s9 =	simm.s32 $0x9100  }
0x27b: {  	[hbm4b:s8+s10] =	stream.strided.scatter [tilespmem:s9], [sflag:$0x6], $0x400, s11, s10, $0x38;
	[tilespmem:$0x1F100] =	vst v63  }
0x27c: {  	s12 =	sadd.s32 $0xFC0, s28;
	s13 =	simm.s32 $0x9500  }
0x27d: {  	[hbm4b:s12+s10] =	stream.strided.scatter [tilespmem:s13], [sflag:$0x6], $0x400, s11, s10, $0x38;
	[tilespmem:$0x1F100] =	vst v63  }
0x27e: {  	s14 =	sadd.s32 $0x1000, s28;
	s15 =	simm.s32 $0x9900  }
0x27f: {  	[hbm4b:s14+s10] =	stream.strided.scatter [tilespmem:s15], [sflag:$0x6], $0x400, s11, s10, $0x38;
	[tilespmem:$0x1F100] =	vst v63  }
0x280: {  	s16 =	sadd.s32 $0x1040, s28;
	s17 =	simm.s32 $0x9D00  }
0x281: {  	[hbm4b:s16+s10] =	stream.strided.scatter [tilespmem:s17], [sflag:$0x6], $0x400, s11, s10, $0x38;
	[tilespmem:$0x1F100] =	vst v63  }
0x282: {  	s18 =	sadd.s32 $0x1200, s28;
	s20 =	simm.s32 $0xA100  }
0x283: {  	[hbm4b:s18+s10] =	stream.strided.scatter [tilespmem:s20], [sflag:$0x6], $0x400, s11, s10, $0x38;
	[tilespmem:$0x1F100] =	vst v63  }
0x284: {  	s21 =	sadd.s32 $0x1240, s28;
	s22 =	simm.s32 $0xA500  }
0x285: {  	[hbm4b:s21+s10] =	stream.strided.scatter [tilespmem:s22], [sflag:$0x6], $0x400, s11, s10, $0x38;
	[tilespmem:$0x1F100] =	vst v63  }
0x286: {  	s24 =	sadd.s32 $0x1280, s28;
	s25 =	simm.s32 $0xA900  }
0x287: {  	[hbm4b:s24+s10] =	stream.strided.scatter [tilespmem:s25], [sflag:$0x6], $0x400, s11, s10, $0x38;
	[tilespmem:$0x1F100] =	vst v63  }
0x288: {  	s26 =	sadd.s32 $0x12C0, s28;
	s31 =	simm.s32 $0xAD00  }
0x289: {  	[hbm4b:s26+s10] =	stream.strided.scatter [tilespmem:s31], [sflag:$0x6], $0x400, s11, s10, $0x38;
	[tilespmem:$0x1F100] =	vst v63  }
0x28a: {  	s1 =	sadd.s32 $0x1300, s28;
	s2 =	simm.s32 $0xB100  }
0x28b: {  	[hbm4b:s1+s10] =	stream.strided.scatter [tilespmem:s2], [sflag:$0x6], $0x400, s11, s10, $0x38;
	[tilespmem:$0x1F100] =	vst v63  }
0x28c: {  	s3 =	sadd.s32 $0x1340, s28;
	s8 =	simm.s32 $0xB500  }
0x28d: {  	[hbm4b:s3+s10] =	stream.strided.scatter [tilespmem:s8], [sflag:$0x6], $0x400, s11, s10, $0x38;
	[tilespmem:$0x1F100] =	vst v63  }
0x28e: {  	s9 =	sadd.s32 $0x1500, s28;
	s12 =	simm.s32 $0xB900  }
0x28f: {  	[hbm4b:s9+s10] =	stream.strided.scatter [tilespmem:s12], [sflag:$0x6], $0x400, s11, s10, $0x38;
	[tilespmem:$0x1F100] =	vst v63  }
0x290: {  	s13 =	sadd.s32 $0x1540, s28;
	s14 =	simm.s32 $0xBD00  }
0x291: {  	[hbm4b:s13+s10] =	stream.strided.scatter [tilespmem:s14], [sflag:$0x6], $0x400, s11, s10, $0x38;
	[tilespmem:$0x1F100] =	vst v63  }
0x292: {  	s15 =	sadd.s32 $0x1580, s28;
	s16 =	simm.s32 $0xC100  }
0x293: {  	[hbm4b:s15+s10] =	stream.strided.scatter [tilespmem:s16], [sflag:$0x6], $0x400, s11, s10, $0x38;
	[tilespmem:$0x1F100] =	vst v63  }
0x294: {  	s17 =	sadd.s32 $0x15C0, s28;
	s18 =	simm.s32 $0xC500  }
0x295: {  	[hbm4b:s17+s10] =	stream.strided.scatter [tilespmem:s18], [sflag:$0x6], $0x400, s11, s10, $0x38;
	[tilespmem:$0x1F100] =	vst v63  }
0x296: {  	s20 =	sadd.s32 $0x1600, s28;
	s21 =	simm.s32 $0xC900  }
0x297: {  	[hbm4b:s20+s10] =	stream.strided.scatter [tilespmem:s21], [sflag:$0x6], $0x400, s11, s10, $0x38;
	[tilespmem:$0x1F100] =	vst v63  }
0x298: {  	s22 =	sadd.s32 $0x1640, s28;
	s24 =	simm.s32 $0xCD00;
	s25 =	simm.s32 $0x3  }
0x299: {  	[hbm4b:s22+s10] =	stream.strided.scatter [tilespmem:s24], [sflag:$0x6], $0x400, s11, s10, $0x38;
	[tilespmem:$0x1F100] =	vst v63  }
0x29a: {  	_ =	swait.ge [sflag:s25], $0x6000  }
0x29b: {  	[sflag:s25] =	ssyncset.done $0x0  }
0x29c: {  	s26 =	sadd.s32 $0x1800, s28;
	s31 =	simm.s32 $0xD100;
	[sflag:s25] =	ssyncadd.s32 $0xFFFFA000  }
0x29d: {  	[hbm4b:s26+s10] =	stream.strided.scatter [tilespmem:s31], [sflag:$0x7], $0x400, s11, s10, $0x38;
	[tilespmem:$0x1F100] =	vst v63  }
0x29e: {  	s2 =	sadd.s32 $0x1840, s28;
	s3 =	simm.s32 $0xD500  }
0x29f: {  	[hbm4b:s2+s10] =	stream.strided.scatter [tilespmem:s3], [sflag:$0x7], $0x400, s11, s10, $0x38;
	[tilespmem:$0x1F100] =	vst v63  }
0x2a0: {  	s8 =	sadd.s32 $0x1880, s28;
	s9 =	simm.s32 $0xD900  }
0x2a1: {  	[hbm4b:s8+s10] =	stream.strided.scatter [tilespmem:s9], [sflag:$0x7], $0x400, s11, s10, $0x38;
	[tilespmem:$0x1F100] =	vst v63  }
0x2a2: {  	s12 =	sadd.s32 $0x18C0, s28;
	s13 =	simm.s32 $0xDD00  }
0x2a3: {  	[hbm4b:s12+s10] =	stream.strided.scatter [tilespmem:s13], [sflag:$0x7], $0x400, s11, s10, $0x38;
	[tilespmem:$0x1F100] =	vst v63  }
0x2a4: {  	s14 =	sadd.s32 $0x1900, s28;
	s15 =	simm.s32 $0xE100  }
0x2a5: {  	[hbm4b:s14+s10] =	stream.strided.scatter [tilespmem:s15], [sflag:$0x7], $0x400, s11, s10, $0x38;
	[tilespmem:$0x1F100] =	vst v63  }
0x2a6: {  	s16 =	sadd.s32 $0x1940, s28;
	s17 =	simm.s32 $0xE500  }
0x2a7: {  	[hbm4b:s16+s10] =	stream.strided.scatter [tilespmem:s17], [sflag:$0x7], $0x400, s11, s10, $0x38;
	[tilespmem:$0x1F100] =	vst v63  }
0x2a8: {  	s18 =	sadd.s32 $0x1B00, s28;
	s20 =	simm.s32 $0xE900  }
0x2a9: {  	[hbm4b:s18+s10] =	stream.strided.scatter [tilespmem:s20], [sflag:$0x7], $0x400, s11, s10, $0x38;
	[tilespmem:$0x1F100] =	vst v63  }
0x2aa: {  	s21 =	sadd.s32 $0x1B40, s28;
	s22 =	simm.s32 $0xED00  }
0x2ab: {  	[hbm4b:s21+s10] =	stream.strided.scatter [tilespmem:s22], [sflag:$0x7], $0x400, s11, s10, $0x38;
	[tilespmem:$0x1F100] =	vst v63  }
0x2ac: {  	s24 =	sadd.s32 $0x1B80, s28;
	s25 =	simm.s32 $0xF100  }
0x2ad: {  	[hbm4b:s24+s10] =	stream.strided.scatter [tilespmem:s25], [sflag:$0x7], $0x400, s11, s10, $0x38;
	[tilespmem:$0x1F100] =	vst v63  }
0x2ae: {  	s26 =	sadd.s32 $0x1BC0, s28;
	s31 =	simm.s32 $0xF500  }
0x2af: {  	[hbm4b:s26+s10] =	stream.strided.scatter [tilespmem:s31], [sflag:$0x7], $0x400, s11, s10, $0x38;
	[tilespmem:$0x1F100] =	vst v63  }
0x2b0: {  	s2 =	sadd.s32 $0x1C00, s28;
	s3 =	simm.s32 $0xF900  }
0x2b1: {  	[hbm4b:s2+s10] =	stream.strided.scatter [tilespmem:s3], [sflag:$0x7], $0x400, s11, s10, $0x38;
	[tilespmem:$0x1F100] =	vst v63  }
0x2b2: {  	s8 =	sadd.s32 $0x1C40, s28;
	s9 =	simm.s32 $0xFD00  }
0x2b3: {  	[hbm4b:s8+s10] =	stream.strided.scatter [tilespmem:s9], [sflag:$0x7], $0x400, s11, s10, $0x38;
	[tilespmem:$0x1F100] =	vst v63  }
0x2b4: {  	s12 =	sadd.s32 $0x1E00, s28;
	s13 =	simm.s32 $0x10100  }
0x2b5: {  	[hbm4b:s12+s10] =	stream.strided.scatter [tilespmem:s13], [sflag:$0x7], $0x400, s11, s10, $0x38;
	[tilespmem:$0x1F100] =	vst v63  }
0x2b6: {  	s14 =	sadd.s32 $0x1E40, s28;
	s15 =	simm.s32 $0x10500  }
0x2b7: {  	[hbm4b:s14+s10] =	stream.strided.scatter [tilespmem:s15], [sflag:$0x7], $0x400, s11, s10, $0x38;
	[tilespmem:$0x1F100] =	vst v63  }
0x2b8: {  	s16 =	sadd.s32 $0x1E80, s28;
	s17 =	simm.s32 $0x10900  }
0x2b9: {  	[hbm4b:s16+s10] =	stream.strided.scatter [tilespmem:s17], [sflag:$0x7], $0x400, s11, s10, $0x38;
	[tilespmem:$0x1F100] =	vst v63  }
0x2ba: {  	s18 =	sadd.s32 $0x1EC0, s28;
	s20 =	simm.s32 $0x10D00  }
0x2bb: {  	[hbm4b:s18+s10] =	stream.strided.scatter [tilespmem:s20], [sflag:$0x7], $0x400, s11, s10, $0x38;
	[tilespmem:$0x1F100] =	vst v63  }
0x2bc: {  	s21 =	sadd.s32 $0x1F00, s28;
	s22 =	simm.s32 $0x11100  }
0x2bd: {  	[hbm4b:s21+s10] =	stream.strided.scatter [tilespmem:s22], [sflag:$0x7], $0x400, s11, s10, $0x38;
	[tilespmem:$0x1F100] =	vst v63  }
0x2be: {  	s24 =	sadd.s32 $0x1F40, s28;
	s25 =	simm.s32 $0x11500  }
0x2bf: {  	[hbm4b:s24+s10] =	stream.strided.scatter [tilespmem:s25], [sflag:$0x7], $0x400, s11, s10, $0x38;
	[tilespmem:$0x1F100] =	vst v63  }
0x2c0: {  	s26 =	sadd.s32 $0x2100, s28;
	s31 =	simm.s32 $0x11900  }
0x2c1: {  	[hbm4b:s26+s10] =	stream.strided.scatter [tilespmem:s31], [sflag:$0x7], $0x400, s11, s10, $0x38;
	[tilespmem:$0x1F100] =	vst v63  }
0x2c2: {  	s1 =	sadd.s32 $0x2140, s28;
	s2 =	simm.s32 $0x11D00  }
0x2c3: {  	[hbm4b:s1+s10] =	stream.strided.scatter [tilespmem:s2], [sflag:$0x7], $0x400, s11, s10, $0x38;
	[tilespmem:$0x1F100] =	vst v63  }
0x2c4: {  	s3 =	sadd.s32 $0x2180, s28;
	s8 =	simm.s32 $0x12100  }
0x2c5: {  	[hbm4b:s3+s10] =	stream.strided.scatter [tilespmem:s8], [sflag:$0x7], $0x400, s11, s10, $0x38;
	[tilespmem:$0x1F100] =	vst v63  }
0x2c6: {  	s9 =	sadd.s32 $0x21C0, s28;
	s12 =	simm.s32 $0x12500  }
0x2c7: {  	[hbm4b:s9+s10] =	stream.strided.scatter [tilespmem:s12], [sflag:$0x7], $0x400, s11, s10, $0x38;
	[tilespmem:$0x1F100] =	vst v63  }
0x2c8: {  	s13 =	sadd.s32 $0x2200, s28;
	s14 =	simm.s32 $0x12900  }
0x2c9: {  	[hbm4b:s13+s10] =	stream.strided.scatter [tilespmem:s14], [sflag:$0x7], $0x400, s11, s10, $0x38;
	[tilespmem:$0x1F100] =	vst v63  }
0x2ca: {  	s15 =	sadd.s32 $0x2240, s28;
	s16 =	simm.s32 $0x12D00;
	s17 =	simm.s32 $0x4  }
0x2cb: {  	[hbm4b:s15+s10] =	stream.strided.scatter [tilespmem:s16], [sflag:$0x7], $0x400, s11, s10, $0x38;
	[tilespmem:$0x1F100] =	vst v63  }
0x2cc: {  	_ =	swait.ge [sflag:s17], $0x6000  }
0x2cd: {  	[sflag:s17] =	ssyncset.done $0x0  }
0x2ce: {  	s18 =	sadd.s32 $0x2400, s28;
	s20 =	simm.s32 $0x13100;
	[sflag:s17] =	ssyncadd.s32 $0xFFFFA000  }
0x2cf: {  	[hbm4b:s18+s10] =	stream.strided.scatter [tilespmem:s20], [sflag:$0x8], $0x400, s11, s10, $0x38;
	[tilespmem:$0x1F100] =	vst v63  }
0x2d0: {  	s21 =	sadd.s32 $0x2440, s28;
	s22 =	simm.s32 $0x13500  }
0x2d1: {  	[hbm4b:s21+s10] =	stream.strided.scatter [tilespmem:s22], [sflag:$0x8], $0x400, s11, s10, $0x38;
	[tilespmem:$0x1F100] =	vst v63  }
0x2d2: {  	s24 =	sadd.s32 $0x2480, s28;
	s25 =	simm.s32 $0x13900  }
0x2d3: {  	[hbm4b:s24+s10] =	stream.strided.scatter [tilespmem:s25], [sflag:$0x8], $0x400, s11, s10, $0x38;
	[tilespmem:$0x1F100] =	vst v63  }
0x2d4: {  	s26 =	sadd.s32 $0x24C0, s28;
	s31 =	simm.s32 $0x13D00  }
0x2d5: {  	[hbm4b:s26+s10] =	stream.strided.scatter [tilespmem:s31], [sflag:$0x8], $0x400, s11, s10, $0x38;
	[tilespmem:$0x1F100] =	vst v63  }
0x2d6: {  	s2 =	sadd.s32 $0x2500, s28;
	s3 =	simm.s32 $0x14100  }
0x2d7: {  	[hbm4b:s2+s10] =	stream.strided.scatter [tilespmem:s3], [sflag:$0x8], $0x400, s11, s10, $0x38;
	[tilespmem:$0x1F100] =	vst v63  }
0x2d8: {  	s8 =	sadd.s32 $0x2540, s28;
	s9 =	simm.s32 $0x14500  }
0x2d9: {  	[hbm4b:s8+s10] =	stream.strided.scatter [tilespmem:s9], [sflag:$0x8], $0x400, s11, s10, $0x38;
	[tilespmem:$0x1F100] =	vst v63  }
0x2da: {  	s12 =	sadd.s32 $0x2700, s28;
	s13 =	simm.s32 $0x14900  }
0x2db: {  	[hbm4b:s12+s10] =	stream.strided.scatter [tilespmem:s13], [sflag:$0x8], $0x400, s11, s10, $0x38;
	[tilespmem:$0x1F100] =	vst v63  }
0x2dc: {  	s14 =	sadd.s32 $0x2740, s28;
	s15 =	simm.s32 $0x14D00  }
0x2dd: {  	[hbm4b:s14+s10] =	stream.strided.scatter [tilespmem:s15], [sflag:$0x8], $0x400, s11, s10, $0x38;
	[tilespmem:$0x1F100] =	vst v63  }
0x2de: {  	s16 =	sadd.s32 $0x2780, s28;
	s17 =	simm.s32 $0x15100  }
0x2df: {  	[hbm4b:s16+s10] =	stream.strided.scatter [tilespmem:s17], [sflag:$0x8], $0x400, s11, s10, $0x38;
	[tilespmem:$0x1F100] =	vst v63  }
0x2e0: {  	s18 =	sadd.s32 $0x27C0, s28;
	s20 =	simm.s32 $0x15500  }
0x2e1: {  	[hbm4b:s18+s10] =	stream.strided.scatter [tilespmem:s20], [sflag:$0x8], $0x400, s11, s10, $0x38;
	[tilespmem:$0x1F100] =	vst v63  }
0x2e2: {  	s21 =	sadd.s32 $0x2800, s28;
	s22 =	simm.s32 $0x15900  }
0x2e3: {  	[hbm4b:s21+s10] =	stream.strided.scatter [tilespmem:s22], [sflag:$0x8], $0x400, s11, s10, $0x38;
	[tilespmem:$0x1F100] =	vst v63  }
0x2e4: {  	s24 =	sadd.s32 $0x2840, s28;
	s25 =	simm.s32 $0x15D00  }
0x2e5: {  	[hbm4b:s24+s10] =	stream.strided.scatter [tilespmem:s25], [sflag:$0x8], $0x400, s11, s10, $0x38;
	[tilespmem:$0x1F100] =	vst v63  }
0x2e6: {  	s26 =	sadd.s32 $0x2A00, s28;
	s31 =	simm.s32 $0x16100  }
0x2e7: {  	[hbm4b:s26+s10] =	stream.strided.scatter [tilespmem:s31], [sflag:$0x8], $0x400, s11, s10, $0x38;
	[tilespmem:$0x1F100] =	vst v63  }
0x2e8: {  	s2 =	sadd.s32 $0x2A40, s28;
	s3 =	simm.s32 $0x16500  }
0x2e9: {  	[hbm4b:s2+s10] =	stream.strided.scatter [tilespmem:s3], [sflag:$0x8], $0x400, s11, s10, $0x38;
	[tilespmem:$0x1F100] =	vst v63  }
0x2ea: {  	s8 =	sadd.s32 $0x2A80, s28;
	s9 =	simm.s32 $0x16900  }
0x2eb: {  	[hbm4b:s8+s10] =	stream.strided.scatter [tilespmem:s9], [sflag:$0x8], $0x400, s11, s10, $0x38;
	[tilespmem:$0x1F100] =	vst v63  }
0x2ec: {  	s12 =	sadd.s32 $0x2AC0, s28;
	s13 =	simm.s32 $0x16D00  }
0x2ed: {  	[hbm4b:s12+s10] =	stream.strided.scatter [tilespmem:s13], [sflag:$0x8], $0x400, s11, s10, $0x38;
	[tilespmem:$0x1F100] =	vst v63  }
0x2ee: {  	s14 =	sadd.s32 $0x2B00, s28;
	s15 =	simm.s32 $0x17100  }
0x2ef: {  	[hbm4b:s14+s10] =	stream.strided.scatter [tilespmem:s15], [sflag:$0x8], $0x400, s11, s10, $0x38;
	[tilespmem:$0x1F100] =	vst v63  }
0x2f0: {  	s16 =	sadd.s32 $0x2B40, s28;
	s17 =	simm.s32 $0x17500  }
0x2f1: {  	[hbm4b:s16+s10] =	stream.strided.scatter [tilespmem:s17], [sflag:$0x8], $0x400, s11, s10, $0x38;
	[tilespmem:$0x1F100] =	vst v63  }
0x2f2: {  	s18 =	sadd.s32 $0x2D00, s28;
	s20 =	simm.s32 $0x17900  }
0x2f3: {  	[hbm4b:s18+s10] =	stream.strided.scatter [tilespmem:s20], [sflag:$0x8], $0x400, s11, s10, $0x38;
	[tilespmem:$0x1F100] =	vst v63  }
0x2f4: {  	s21 =	sadd.s32 $0x2D40, s28;
	s22 =	simm.s32 $0x17D00  }
0x2f5: {  	[hbm4b:s21+s10] =	stream.strided.scatter [tilespmem:s22], [sflag:$0x8], $0x400, s11, s10, $0x38;
	[tilespmem:$0x1F100] =	vst v63  }
0x2f6: {  	s24 =	sadd.s32 $0x2D80, s28;
	s25 =	simm.s32 $0x18100  }
0x2f7: {  	[hbm4b:s24+s10] =	stream.strided.scatter [tilespmem:s25], [sflag:$0x8], $0x400, s11, s10, $0x38;
	[tilespmem:$0x1F100] =	vst v63  }
0x2f8: {  	s25 =	sadd.s32 $0xFFFFFFFD, s23  }
0x2f9: {  	s26 =	sadd.s32 $0x2DC0, s28;
	s31 =	simm.s32 $0x18500;
	s3 =	sshrl.u32 s25, $0x4  }
0x2fa: {  	[hbm4b:s26+s10] =	stream.strided.scatter [tilespmem:s31], [sflag:$0x8], $0x400, s11, s10, $0x38;
	[tilespmem:$0x1F100] =	vst v63  }
0x2fb: {  	s1 =	sadd.s32 $0x2E00, s28;
	s0 =	sadd.s32 s5, s3  }
0x2fc: {  	s2 =	simm.s32 $0x18900;
	s8 =	sand.u32 $0xC, s25;
	s0 =	smul.u32 $0xC0000, s0  }
0x2fd: {  	[hbm4b:s1+s10] =	stream.strided.scatter [tilespmem:s2], [sflag:$0x8], $0x400, s11, s10, $0x38;
	[tilespmem:$0x1F100] =	vst v63  }
0x2fe: {  	s9 =	sadd.s32 $0x2E40, s28;
	s12 =	simm.s32 $0x18D00;
	s2 =	smul.u32 $0x6000, s8  }
0x2ff: {  	[hbm4b:s9+s10] =	stream.strided.scatter [tilespmem:s12], [sflag:$0x8], $0x400, s11, s10, $0x38;
	[tilespmem:$0x1F100] =	vst v63  }
0x300: {  	s13 =	simm.s32 $0x9;
	[dreg:$0x1d] =	wrdreg s8;
	s0 =	sadd.s32 s0, s2  }
0x301: {  	_ =	swait.ge [sflag:s13], $0x6000;
	s0 =	sshrl.u32 s0, $0x3  }
0x302: {  	[sflag:s13] =	ssyncset.done $0x0;
	s0 =	sadd.s32 s4, s0  }
0x303: {  	s21 =	simm.s32 $0x19100;
	[sflag:s13] =	ssyncadd.s32 $0xFFFFA000;
	s14 =	sadd.s32 $0xC000, s0  }
0x304: {  	[hbm4b:s14+s10] =	stream.strided.scatter [tilespmem:s21], [sflag:$0x9], $0x400, s11, s10, $0x38;
	[tilespmem:$0x1F100] =	vst v63  }
0x305: {  	s15 =	sadd.s32 $0xC040, s0  }
0x306: {  	[hbm4b:s15+s10] =	stream.strided.scatter [tilespmem:s29], [sflag:$0x9], $0x400, s11, s10, $0x38;
	[tilespmem:$0x1F100] =	vst v63  }
0x307: {  	s17 =	simm.s32 $0x19900;
	s16 =	sadd.s32 $0xC080, s0  }
0x308: {  	[hbm4b:s16+s10] =	stream.strided.scatter [tilespmem:s17], [sflag:$0x9], $0x400, s11, s10, $0x38;
	[tilespmem:$0x1F100] =	vst v63  }
0x309: {  	s20 =	simm.s32 $0x19D00;
	s18 =	sadd.s32 $0xC0C0, s0  }
0x30a: {  	[hbm4b:s18+s10] =	stream.strided.scatter [tilespmem:s20], [sflag:$0x9], $0x400, s11, s10, $0x38;
	[tilespmem:$0x1F100] =	vst v63  }
0x30b: {  	s22 =	sadd.s32 $0xC100, s0;
	s18 =	simm.s32 $0x1A100  }
0x30c: {  	[hbm4b:s22+s10] =	stream.strided.scatter [tilespmem:s18], [sflag:$0x9], $0x400, s11, s10, $0x38;
	[tilespmem:$0x1F100] =	vst v63  }
0x30d: {  	s30 =	simm.s32 $0x1A500;
	s24 =	sadd.s32 $0xC140, s0  }
0x30e: {  	[hbm4b:s24+s10] =	stream.strided.scatter [tilespmem:s30], [sflag:$0x9], $0x400, s11, s10, $0x38;
	[tilespmem:$0x1F100] =	vst v63  }
0x30f: {  	s31 =	simm.s32 $0x1A900;
	s26 =	sadd.s32 $0xC300, s0  }
0x310: {  	[hbm4b:s26+s10] =	stream.strided.scatter [tilespmem:s31], [sflag:$0x9], $0x400, s11, s10, $0x38;
	[tilespmem:$0x1F100] =	vst v63  }
0x311: {  	s2 =	sadd.s32 $0xC340, s0;
	s13 =	simm.s32 $0x1AD00  }
0x312: {  	[hbm4b:s2+s10] =	stream.strided.scatter [tilespmem:s13], [sflag:$0x9], $0x400, s11, s10, $0x38;
	[tilespmem:$0x1F100] =	vst v63  }
0x313: {  	s3 =	sadd.s32 $0xC380, s0;
	s20 =	simm.s32 $0x1B100  }
0x314: {  	[hbm4b:s3+s10] =	stream.strided.scatter [tilespmem:s20], [sflag:$0x9], $0x400, s11, s10, $0x38;
	[tilespmem:$0x1F100] =	vst v63  }
0x315: {  	s9 =	simm.s32 $0x1B500;
	s8 =	sadd.s32 $0xC3C0, s0  }
0x316: {  	[hbm4b:s8+s10] =	stream.strided.scatter [tilespmem:s9], [sflag:$0x9], $0x400, s11, s10, $0x38;
	[tilespmem:$0x1F100] =	vst v63  }
0x317: {  	s12 =	sadd.s32 $0xC400, s0;
	s14 =	simm.s32 $0x1B900  }
0x318: {  	[hbm4b:s12+s10] =	stream.strided.scatter [tilespmem:s14], [sflag:$0x9], $0x400, s11, s10, $0x38;
	[tilespmem:$0x1F100] =	vst v63  }
0x319: {  	s15 =	sadd.s32 $0xC440, s0;
	s14 =	simm.s32 $0x1BD00  }
0x31a: {  	[hbm4b:s15+s10] =	stream.strided.scatter [tilespmem:s14], [sflag:$0x9], $0x400, s11, s10, $0x38;
	[tilespmem:$0x1F100] =	vst v63  }
0x31b: {  	s22 =	sadd.s32 $0xC600, s0;
	s24 =	simm.s32 $0x1C100  }
0x31c: {  	[hbm4b:s22+s10] =	stream.strided.scatter [tilespmem:s24], [sflag:$0x9], $0x400, s11, s10, $0x38;
	[tilespmem:$0x1F100] =	vst v63  }
0x31d: {  	s26 =	sadd.s32 $0xC640, s0;
	s15 =	simm.s32 $0x1C500  }
0x31e: {  	[hbm4b:s26+s10] =	stream.strided.scatter [tilespmem:s15], [sflag:$0x9], $0x400, s11, s10, $0x38;
	[tilespmem:$0x1F100] =	vst v63  }
0x31f: {  	s2 =	sadd.s32 $0xC680, s0;
	s22 =	simm.s32 $0x1C900  }
0x320: {  	[hbm4b:s2+s10] =	stream.strided.scatter [tilespmem:s22], [sflag:$0x9], $0x400, s11, s10, $0x38;
	[tilespmem:$0x1F100] =	vst v63  }
0x321: {  	s3 =	sadd.s32 $0xC6C0, s0;
	s9 =	simm.s32 $0x1CD00  }
0x322: {  	[hbm4b:s3+s10] =	stream.strided.scatter [tilespmem:s9], [sflag:$0x9], $0x400, s11, s10, $0x38;
	[tilespmem:$0x1F100] =	vst v63  }
0x323: {  	s8 =	sadd.s32 $0xC700, s0;
	s24 =	simm.s32 $0x1D100  }
0x324: {  	[hbm4b:s8+s10] =	stream.strided.scatter [tilespmem:s24], [sflag:$0x9], $0x400, s11, s10, $0x38;
	[tilespmem:$0x1F100] =	vst v63  }
0x325: {  	s12 =	sadd.s32 $0xC740, s0;
	s26 =	simm.s32 $0x1D500  }
0x326: {  	[hbm4b:s12+s10] =	stream.strided.scatter [tilespmem:s26], [sflag:$0x9], $0x400, s11, s10, $0x38;
	[tilespmem:$0x1F100] =	vst v63  }
0x327: {  	s3 =	sadd.s32 $0xC900, s0;
	s8 =	simm.s32 $0x1D900  }
0x328: {  	[hbm4b:s3+s10] =	stream.strided.scatter [tilespmem:s8], [sflag:$0x9], $0x400, s11, s10, $0x38;
	[tilespmem:$0x1F100] =	vst v63  }
0x329: {  	s12 =	sadd.s32 $0xC940, s0;
	s26 =	simm.s32 $0x1DD00  }
0x32a: {  	[hbm4b:s12+s10] =	stream.strided.scatter [tilespmem:s26], [sflag:$0x9], $0x400, s11, s10, $0x38;
	[tilespmem:$0x1F100] =	vst v63  }
0x32b: {  	s28 =	sadd.s32 $0xFFFFFFFE, s23;
	s3 =	sadd.s32 $0xC980, s0;
	s26 =	simm.s32 $0x1E100  }
0x32c: {  	[hbm4b:s3+s10] =	stream.strided.scatter [tilespmem:s26], [sflag:$0x9], $0x400, s11, s10, $0x38;
	[tilespmem:$0x1F100] =	vst v63  }
0x32d: {  	s29 =	sand.u32 $0xD, s28;
	s8 =	sadd.s32 $0xC9C0, s0;
	s12 =	simm.s32 $0x1E500  }
0x32e: {  	[hbm4b:s8+s10] =	stream.strided.scatter [tilespmem:s12], [sflag:$0x9], $0x400, s11, s10, $0x38;
	[tilespmem:$0x1F100] =	vst v63  }
0x32f: {  	s2 =	smul.u32 $0x6000, s29;
	s12 =	sshrl.u32 s28, $0x4  }
0x330: {  	s3 =	sadd.s32 $0xCA00, s0;
	s8 =	simm.s32 $0x1E900;
	s1 =	sadd.s32 s5, s12  }
0x331: {  	[hbm4b:s3+s10] =	stream.strided.scatter [tilespmem:s8], [sflag:$0x9], $0x400, s11, s10, $0x38;
	[tilespmem:$0x1F100] =	vst v63  }
0x332: {  	s0 =	sadd.s32 $0xCA40, s0;
	s1 =	smul.u32 $0xC0000, s1;
	s8 =	simm.s32 $0x1ED00  }
0x333: {  	[hbm4b:s0+s10] =	stream.strided.scatter [tilespmem:s8], [sflag:$0x9], $0x400, s11, s10, $0x38;
	[tilespmem:$0x1F100] =	vst v63  }
0x334: {  	s1 =	sadd.s32 s1, s2;
	s2 =	simm.s32 $0xA  }
0x335: {  	_ =	swait.ge [sflag:s2], $0x6000;
	s0 =	sshrl.u32 s1, $0x3  }
0x336: {  	[sflag:s2] =	ssyncset.done $0x0;
	s0 =	sadd.s32 s4, s0  }
0x337: {  	[sflag:s2] =	ssyncadd.s32 $0xFFFFA000;
	s2 =	sadd.s32 $0xC000, s0  }
0x338: {  	[hbm4b:s2+s10] =	stream.strided.scatter [tilespmem:s21], [sflag:$0xA], $0x400, s11, s10, $0x38;
	[tilespmem:$0x1F100] =	vst v63  }
0x339: {  	s12 =	simm.s32 $0x19500;
	s2 =	sadd.s32 $0xC040, s0  }
0x33a: {  	[hbm4b:s2+s10] =	stream.strided.scatter [tilespmem:s12], [sflag:$0xA], $0x400, s11, s10, $0x38;
	[tilespmem:$0x1F100] =	vst v63  }
0x33b: {  	s1 =	sadd.s32 $0xC080, s0;
	s2 =	simm.s32 $0x19900  }
0x33c: {  	[hbm4b:s1+s10] =	stream.strided.scatter [tilespmem:s2], [sflag:$0xA], $0x400, s11, s10, $0x38;
	[tilespmem:$0x1F100] =	vst v63  }
0x33d: {  	s3 =	simm.s32 $0x19D00;
	s2 =	sadd.s32 $0xC0C0, s0  }
0x33e: {  	[hbm4b:s2+s10] =	stream.strided.scatter [tilespmem:s3], [sflag:$0xA], $0x400, s11, s10, $0x38;
	[tilespmem:$0x1F100] =	vst v63  }
0x33f: {  	s2 =	sadd.s32 $0xC100, s0  }
0x340: {  	[hbm4b:s2+s10] =	stream.strided.scatter [tilespmem:s18], [sflag:$0xA], $0x400, s11, s10, $0x38;
	[tilespmem:$0x1F100] =	vst v63  }
0x341: {  	s2 =	sadd.s32 $0xC140, s0  }
0x342: {  	[hbm4b:s2+s10] =	stream.strided.scatter [tilespmem:s30], [sflag:$0xA], $0x400, s11, s10, $0x38;
	[tilespmem:$0x1F100] =	vst v63  }
0x343: {  	s17 =	simm.s32 $0x1A900;
	s2 =	sadd.s32 $0xC300, s0  }
0x344: {  	[hbm4b:s2+s10] =	stream.strided.scatter [tilespmem:s17], [sflag:$0xA], $0x400, s11, s10, $0x38;
	[tilespmem:$0x1F100] =	vst v63  }
0x345: {  	s2 =	sadd.s32 $0xC340, s0  }
0x346: {  	[hbm4b:s2+s10] =	stream.strided.scatter [tilespmem:s13], [sflag:$0xA], $0x400, s11, s10, $0x38;
	[tilespmem:$0x1F100] =	vst v63  }
0x347: {  	s2 =	sadd.s32 $0xC380, s0  }
0x348: {  	[hbm4b:s2+s10] =	stream.strided.scatter [tilespmem:s20], [sflag:$0xA], $0x400, s11, s10, $0x38;
	[tilespmem:$0x1F100] =	vst v63  }
0x349: {  	s16 =	simm.s32 $0x1B500;
	s13 =	sadd.s32 $0xC3C0, s0  }
0x34a: {  	[hbm4b:s13+s10] =	stream.strided.scatter [tilespmem:s16], [sflag:$0xA], $0x400, s11, s10, $0x38;
	[tilespmem:$0x1F100] =	vst v63  }
0x34b: {  	s31 =	simm.s32 $0x1B900;
	s16 =	sadd.s32 $0xC400, s0  }
0x34c: {  	[hbm4b:s16+s10] =	stream.strided.scatter [tilespmem:s31], [sflag:$0xA], $0x400, s11, s10, $0x38;
	[tilespmem:$0x1F100] =	vst v63  }
0x34d: {  	s2 =	sadd.s32 $0xC440, s0  }
0x34e: {  	[hbm4b:s2+s10] =	stream.strided.scatter [tilespmem:s14], [sflag:$0xA], $0x400, s11, s10, $0x38;
	[tilespmem:$0x1F100] =	vst v63  }
0x34f: {  	s13 =	sadd.s32 $0xC600, s0;
	s14 =	simm.s32 $0x1C100  }
0x350: {  	[hbm4b:s13+s10] =	stream.strided.scatter [tilespmem:s14], [sflag:$0xA], $0x400, s11, s10, $0x38;
	[tilespmem:$0x1F100] =	vst v63  }
0x351: {  	s16 =	sadd.s32 $0xC640, s0  }
0x352: {  	[hbm4b:s16+s10] =	stream.strided.scatter [tilespmem:s15], [sflag:$0xA], $0x400, s11, s10, $0x38;
	[tilespmem:$0x1F100] =	vst v63  }
0x353: {  	s31 =	sadd.s32 $0xC680, s0  }
0x354: {  	[hbm4b:s31+s10] =	stream.strided.scatter [tilespmem:s22], [sflag:$0xA], $0x400, s11, s10, $0x38;
	[tilespmem:$0x1F100] =	vst v63  }
0x355: {  	s2 =	sadd.s32 $0xC6C0, s0  }
0x356: {  	[hbm4b:s2+s10] =	stream.strided.scatter [tilespmem:s9], [sflag:$0xA], $0x400, s11, s10, $0x38;
	[tilespmem:$0x1F100] =	vst v63  }
0x357: {  	s13 =	sadd.s32 $0xC700, s0  }
0x358: {  	[hbm4b:s13+s10] =	stream.strided.scatter [tilespmem:s24], [sflag:$0xA], $0x400, s11, s10, $0x38;
	[tilespmem:$0x1F100] =	vst v63  }
0x359: {  	s14 =	sadd.s32 $0xC740, s0;
	s15 =	simm.s32 $0x1D500  }
0x35a: {  	[hbm4b:s14+s10] =	stream.strided.scatter [tilespmem:s15], [sflag:$0xA], $0x400, s11, s10, $0x38;
	[tilespmem:$0x1F100] =	vst v63  }
0x35b: {  	s16 =	sadd.s32 $0xC900, s0;
	s31 =	simm.s32 $0x1D900  }
0x35c: {  	[hbm4b:s16+s10] =	stream.strided.scatter [tilespmem:s31], [sflag:$0xA], $0x400, s11, s10, $0x38;
	[tilespmem:$0x1F100] =	vst v63  }
0x35d: {  	s2 =	sadd.s32 $0xC940, s0;
	s9 =	simm.s32 $0x1DD00  }
0x35e: {  	[hbm4b:s2+s10] =	stream.strided.scatter [tilespmem:s9], [sflag:$0xA], $0x400, s11, s10, $0x38;
	[tilespmem:$0x1F100] =	vst v63  }
0x35f: {  	s30 =	sadd.s32 $0xFFFFFFFF, s23;
	s13 =	sadd.s32 $0xC980, s0  }
0x360: {  	[hbm4b:s13+s10] =	stream.strided.scatter [tilespmem:s26], [sflag:$0xA], $0x400, s11, s10, $0x38;
	[tilespmem:$0x1F100] =	vst v63  }
0x361: {  	s14 =	sadd.s32 $0xC9C0, s0;
	s15 =	simm.s32 $0x1E500;
	s2 =	sshrl.u32 s30, $0x4  }
0x362: {  	[hbm4b:s14+s10] =	stream.strided.scatter [tilespmem:s15], [sflag:$0xA], $0x400, s11, s10, $0x38;
	[tilespmem:$0x1F100] =	vst v63  }
0x363: {  	s16 =	sadd.s32 $0xCA00, s0;
	s31 =	simm.s32 $0x1E900;
	s1 =	sadd.s32 s5, s2  }
0x364: {  	[hbm4b:s16+s10] =	stream.strided.scatter [tilespmem:s31], [sflag:$0xA], $0x400, s11, s10, $0x38;
	[tilespmem:$0x1F100] =	vst v63  }
0x365: {  	s1 =	smul.u32 $0xC0000, s1;
	s31 =	sand.u32 $0xE, s30  }
0x366: {  	s0 =	sadd.s32 $0xCA40, s0;
	s9 =	smul.u32 $0x6000, s31  }
0x367: {  	[hbm4b:s0+s10] =	stream.strided.scatter [tilespmem:s8], [sflag:$0xA], $0x400, s11, s10, $0x38;
	[tilespmem:$0x1F100] =	vst v63  }
0x368: {  	s2 =	sadd.s32 s1, s9;
	s9 =	simm.s32 $0xB  }
0x369: {  	_ =	swait.ge [sflag:s9], $0x6000;
	s0 =	sshrl.u32 s2, $0x3  }
0x36a: {  	[sflag:s9] =	ssyncset.done $0x0;
	s1 =	sadd.s32 s4, s0  }
0x36b: {  	[sflag:s9] =	ssyncadd.s32 $0xFFFFA000;
	s0 =	sadd.s32 $0xC000, s1  }
0x36c: {  	[hbm4b:s0+s10] =	stream.strided.scatter [tilespmem:s21], [sflag:$0xB], $0x400, s11, s10, $0x38;
	[tilespmem:$0x1F100] =	vst v63  }
0x36d: {  	s9 =	sadd.s32 $0xC040, s1  }
0x36e: {  	[hbm4b:s9+s10] =	stream.strided.scatter [tilespmem:s12], [sflag:$0xB], $0x400, s11, s10, $0x38;
	[tilespmem:$0x1F100] =	vst v63  }
0x36f: {  	s2 =	sadd.s32 $0xC080, s1;
	s9 =	simm.s32 $0x19900  }
0x370: {  	[hbm4b:s2+s10] =	stream.strided.scatter [tilespmem:s9], [sflag:$0xB], $0x400, s11, s10, $0x38;
	[tilespmem:$0x1F100] =	vst v63  }
0x371: {  	s9 =	sadd.s32 $0xC0C0, s1  }
0x372: {  	[hbm4b:s9+s10] =	stream.strided.scatter [tilespmem:s3], [sflag:$0xB], $0x400, s11, s10, $0x38;
	[tilespmem:$0x1F100] =	vst v63  }
0x373: {  	s2 =	sadd.s32 $0xC100, s1  }
0x374: {  	[hbm4b:s2+s10] =	stream.strided.scatter [tilespmem:s18], [sflag:$0xB], $0x400, s11, s10, $0x38;
	[tilespmem:$0x1F100] =	vst v63  }
0x375: {  	s13 =	simm.s32 $0x1A500;
	s3 =	sadd.s32 $0xC140, s1  }
0x376: {  	[hbm4b:s3+s10] =	stream.strided.scatter [tilespmem:s13], [sflag:$0xB], $0x400, s11, s10, $0x38;
	[tilespmem:$0x1F100] =	vst v63  }
0x377: {  	s17 =	simm.s32 $0x1A900;
	s9 =	sadd.s32 $0xC300, s1  }
0x378: {  	[hbm4b:s9+s10] =	stream.strided.scatter [tilespmem:s17], [sflag:$0xB], $0x400, s11, s10, $0x38;
	[tilespmem:$0x1F100] =	vst v63  }
0x379: {  	s14 =	simm.s32 $0x1AD00;
	s17 =	sadd.s32 $0xC340, s1  }
0x37a: {  	[hbm4b:s17+s10] =	stream.strided.scatter [tilespmem:s14], [sflag:$0xB], $0x400, s11, s10, $0x38;
	[tilespmem:$0x1F100] =	vst v63  }
0x37b: {  	s2 =	sadd.s32 $0xC380, s1  }
0x37c: {  	[hbm4b:s2+s10] =	stream.strided.scatter [tilespmem:s20], [sflag:$0xB], $0x400, s11, s10, $0x38;
	[tilespmem:$0x1F100] =	vst v63  }
0x37d: {  	s3 =	sadd.s32 $0xC3C0, s1;
	s17 =	simm.s32 $0x1B500  }
0x37e: {  	[hbm4b:s3+s10] =	stream.strided.scatter [tilespmem:s17], [sflag:$0xB], $0x400, s11, s10, $0x38;
	[tilespmem:$0x1F100] =	vst v63  }
0x37f: {  	s9 =	sadd.s32 $0xC400, s1;
	s14 =	simm.s32 $0x1B900  }
0x380: {  	[hbm4b:s9+s10] =	stream.strided.scatter [tilespmem:s14], [sflag:$0xB], $0x400, s11, s10, $0x38;
	[tilespmem:$0x1F100] =	vst v63  }
0x381: {  	s15 =	simm.s32 $0x1BD00;
	s2 =	sadd.s32 $0xC440, s1  }
0x382: {  	[hbm4b:s2+s10] =	stream.strided.scatter [tilespmem:s15], [sflag:$0xB], $0x400, s11, s10, $0x38;
	[tilespmem:$0x1F100] =	vst v63  }
0x383: {  	s3 =	sadd.s32 $0xC600, s1;
	s9 =	simm.s32 $0x1C100  }
0x384: {  	[hbm4b:s3+s10] =	stream.strided.scatter [tilespmem:s9], [sflag:$0xB], $0x400, s11, s10, $0x38;
	[tilespmem:$0x1F100] =	vst v63  }
0x385: {  	s16 =	simm.s32 $0x1C500;
	s2 =	sadd.s32 $0xC640, s1  }
0x386: {  	[hbm4b:s2+s10] =	stream.strided.scatter [tilespmem:s16], [sflag:$0xB], $0x400, s11, s10, $0x38;
	[tilespmem:$0x1F100] =	vst v63  }
0x387: {  	s3 =	sadd.s32 $0xC680, s1  }
0x388: {  	[hbm4b:s3+s10] =	stream.strided.scatter [tilespmem:s22], [sflag:$0xB], $0x400, s11, s10, $0x38;
	[tilespmem:$0x1F100] =	vst v63  }
0x389: {  	s9 =	simm.s32 $0x1CD00;
	s16 =	sadd.s32 $0xC6C0, s1  }
0x38a: {  	[hbm4b:s16+s10] =	stream.strided.scatter [tilespmem:s9], [sflag:$0xB], $0x400, s11, s10, $0x38;
	[tilespmem:$0x1F100] =	vst v63  }
0x38b: {  	s2 =	sadd.s32 $0xC700, s1  }
0x38c: {  	[hbm4b:s2+s10] =	stream.strided.scatter [tilespmem:s24], [sflag:$0xB], $0x400, s11, s10, $0x38;
	[tilespmem:$0x1F100] =	vst v63  }
0x38d: {  	s3 =	sadd.s32 $0xC740, s1;
	s16 =	simm.s32 $0x1D500  }
0x38e: {  	[hbm4b:s3+s10] =	stream.strided.scatter [tilespmem:s16], [sflag:$0xB], $0x400, s11, s10, $0x38;
	[tilespmem:$0x1F100] =	vst v63  }
0x38f: {  	s3 =	sadd.s32 $0xC900, s1;
	s16 =	simm.s32 $0x1D900  }
0x390: {  	[hbm4b:s3+s10] =	stream.strided.scatter [tilespmem:s16], [sflag:$0xB], $0x400, s11, s10, $0x38;
	[tilespmem:$0x1F100] =	vst v63  }
0x391: {  	s3 =	sadd.s32 $0xC940, s1;
	s16 =	simm.s32 $0x1DD00  }
0x392: {  	[hbm4b:s3+s10] =	stream.strided.scatter [tilespmem:s16], [sflag:$0xB], $0x400, s11, s10, $0x38;
	[tilespmem:$0x1F100] =	vst v63  }
0x393: {  	s2 =	sadd.s32 $0xC980, s1  }
0x394: {  	[hbm4b:s2+s10] =	stream.strided.scatter [tilespmem:s26], [sflag:$0xB], $0x400, s11, s10, $0x38;
	[tilespmem:$0x1F100] =	vst v63  }
0x395: {  	s0 =	sand.u32 $0xF, s23;
	s3 =	sadd.s32 $0xC9C0, s1;
	s16 =	simm.s32 $0x1E500  }
0x396: {  	[hbm4b:s3+s10] =	stream.strided.scatter [tilespmem:s16], [sflag:$0xB], $0x400, s11, s10, $0x38;
	[tilespmem:$0x1F100] =	vst v63  }
0x397: {  	s2 =	sshrl.u32 s23, $0x4;
	s3 =	sadd.s32 $0xCA00, s1;
	s16 =	simm.s32 $0x1E900  }
0x398: {  	[hbm4b:s3+s10] =	stream.strided.scatter [tilespmem:s16], [sflag:$0xB], $0x400, s11, s10, $0x38;
	[tilespmem:$0x1F100] =	vst v63  }
0x399: {  	s3 =	sadd.s32 s5, s2;
	s5 =	smul.u32 $0x6000, s0  }
0x39a: {  	s1 =	sadd.s32 $0xCA40, s1;
	s2 =	smul.u32 $0xC0000, s3  }
0x39b: {  	[hbm4b:s1+s10] =	stream.strided.scatter [tilespmem:s8], [sflag:$0xB], $0x400, s11, s10, $0x38;
	[tilespmem:$0x1F100] =	vst v63  }
0x39c: {  	s2 =	sadd.s32 s2, s5;
	s5 =	simm.s32 $0xC  }
0x39d: {  	_ =	swait.ge [sflag:s5], $0x6000;
	s1 =	sshrl.u32 s2, $0x3  }
0x39e: {  	[sflag:s5] =	ssyncset.done $0x0;
	s1 =	sadd.s32 s4, s1  }
0x39f: {  	[sflag:s5] =	ssyncadd.s32 $0xFFFFA000;
	s4 =	sadd.s32 $0xC000, s1  }
0x3a0: {  	[hbm4b:s4+s10] =	stream.strided.scatter [tilespmem:s21], [sflag:$0xC], $0x400, s11, s10, $0x38;
	[tilespmem:$0x1F100] =	vst v63  }
0x3a1: {  	s5 =	sadd.s32 $0xC040, s1  }
0x3a2: {  	[hbm4b:s5+s10] =	stream.strided.scatter [tilespmem:s12], [sflag:$0xC], $0x400, s11, s10, $0x38;
	[tilespmem:$0x1F100] =	vst v63  }
0x3a3: {  	s21 =	simm.s32 $0x19900;
	s12 =	sadd.s32 $0xC080, s1  }
0x3a4: {  	[hbm4b:s12+s10] =	stream.strided.scatter [tilespmem:s21], [sflag:$0xC], $0x400, s11, s10, $0x38;
	[tilespmem:$0x1F100] =	vst v63  }
0x3a5: {  	s4 =	sadd.s32 $0xC0C0, s1;
	s5 =	simm.s32 $0x19D00  }
0x3a6: {  	[hbm4b:s4+s10] =	stream.strided.scatter [tilespmem:s5], [sflag:$0xC], $0x400, s11, s10, $0x38;
	[tilespmem:$0x1F100] =	vst v63  }
0x3a7: {  	s5 =	sadd.s32 $0xC100, s1  }
0x3a8: {  	[hbm4b:s5+s10] =	stream.strided.scatter [tilespmem:s18], [sflag:$0xC], $0x400, s11, s10, $0x38;
	[tilespmem:$0x1F100] =	vst v63  }
0x3a9: {  	s12 =	sadd.s32 $0xC140, s1  }
0x3aa: {  	[hbm4b:s12+s10] =	stream.strided.scatter [tilespmem:s13], [sflag:$0xC], $0x400, s11, s10, $0x38;
	[tilespmem:$0x1F100] =	vst v63  }
0x3ab: {  	s21 =	simm.s32 $0x1A900;
	s18 =	sadd.s32 $0xC300, s1  }
0x3ac: {  	[hbm4b:s18+s10] =	stream.strided.scatter [tilespmem:s21], [sflag:$0xC], $0x400, s11, s10, $0x38;
	[tilespmem:$0x1F100] =	vst v63  }
0x3ad: {  	s4 =	sadd.s32 $0xC340, s1;
	s13 =	simm.s32 $0x1AD00  }
0x3ae: {  	[hbm4b:s4+s10] =	stream.strided.scatter [tilespmem:s13], [sflag:$0xC], $0x400, s11, s10, $0x38;
	[tilespmem:$0x1F100] =	vst v63  }
0x3af: {  	s12 =	sadd.s32 $0xC380, s1  }
0x3b0: {  	[hbm4b:s12+s10] =	stream.strided.scatter [tilespmem:s20], [sflag:$0xC], $0x400, s11, s10, $0x38;
	[tilespmem:$0x1F100] =	vst v63  }
0x3b1: {  	s13 =	sadd.s32 $0xC3C0, s1  }
0x3b2: {  	[hbm4b:s13+s10] =	stream.strided.scatter [tilespmem:s17], [sflag:$0xC], $0x400, s11, s10, $0x38;
	[tilespmem:$0x1F100] =	vst v63  }
0x3b3: {  	s14 =	simm.s32 $0x1B900;
	s18 =	sadd.s32 $0xC400, s1  }
0x3b4: {  	[hbm4b:s18+s10] =	stream.strided.scatter [tilespmem:s14], [sflag:$0xC], $0x400, s11, s10, $0x38;
	[tilespmem:$0x1F100] =	vst v63  }
0x3b5: {  	s20 =	sadd.s32 $0xC440, s1  }
0x3b6: {  	[hbm4b:s20+s10] =	stream.strided.scatter [tilespmem:s15], [sflag:$0xC], $0x400, s11, s10, $0x38;
	[tilespmem:$0x1F100] =	vst v63  }
0x3b7: {  	s4 =	sadd.s32 $0xC600, s1;
	s12 =	simm.s32 $0x1C100  }
0x3b8: {  	[hbm4b:s4+s10] =	stream.strided.scatter [tilespmem:s12], [sflag:$0xC], $0x400, s11, s10, $0x38;
	[tilespmem:$0x1F100] =	vst v63  }
0x3b9: {  	s21 =	simm.s32 $0x1C500;
	s13 =	sadd.s32 $0xC640, s1  }
0x3ba: {  	[hbm4b:s13+s10] =	stream.strided.scatter [tilespmem:s21], [sflag:$0xC], $0x400, s11, s10, $0x38;
	[tilespmem:$0x1F100] =	vst v63  }
0x3bb: {  	s14 =	sadd.s32 $0xC680, s1  }
0x3bc: {  	[hbm4b:s14+s10] =	stream.strided.scatter [tilespmem:s22], [sflag:$0xC], $0x400, s11, s10, $0x38;
	[tilespmem:$0x1F100] =	vst v63  }
0x3bd: {  	s15 =	sadd.s32 $0xC6C0, s1  }
0x3be: {  	[hbm4b:s15+s10] =	stream.strided.scatter [tilespmem:s9], [sflag:$0xC], $0x400, s11, s10, $0x38;
	[tilespmem:$0x1F100] =	vst v63  }
0x3bf: {  	s17 =	sadd.s32 $0xC700, s1  }
0x3c0: {  	[hbm4b:s17+s10] =	stream.strided.scatter [tilespmem:s24], [sflag:$0xC], $0x400, s11, s10, $0x38;
	[tilespmem:$0x1F100] =	vst v63  }
0x3c1: {  	s18 =	sadd.s32 $0xC740, s1;
	s20 =	simm.s32 $0x1D500  }
0x3c2: {  	[hbm4b:s18+s10] =	stream.strided.scatter [tilespmem:s20], [sflag:$0xC], $0x400, s11, s10, $0x38;
	[tilespmem:$0x1F100] =	vst v63  }
0x3c3: {  	s21 =	sadd.s32 $0xC900, s1;
	s24 =	simm.s32 $0x1D900  }
0x3c4: {  	[hbm4b:s21+s10] =	stream.strided.scatter [tilespmem:s24], [sflag:$0xC], $0x400, s11, s10, $0x38;
	[tilespmem:$0x1F100] =	vst v63  }
0x3c5: {  	s5 =	sadd.s32 $0xC940, s1;
	s9 =	simm.s32 $0x1DD00  }
0x3c6: {  	[hbm4b:s5+s10] =	stream.strided.scatter [tilespmem:s9], [sflag:$0xC], $0x400, s11, s10, $0x38;
	[tilespmem:$0x1F100] =	vst v63  }
0x3c7: {  	s12 =	sadd.s32 $0xC980, s1  }
0x3c8: {  	[hbm4b:s12+s10] =	stream.strided.scatter [tilespmem:s26], [sflag:$0xC], $0x400, s11, s10, $0x38;
	[tilespmem:$0x1F100] =	vst v63  }
0x3c9: {  	s13 =	sadd.s32 $0xC9C0, s1;
	s14 =	simm.s32 $0x1E500  }
0x3ca: {  	[hbm4b:s13+s10] =	stream.strided.scatter [tilespmem:s14], [sflag:$0xC], $0x400, s11, s10, $0x38;
	[tilespmem:$0x1F100] =	vst v63  }
0x3cb: {  	s16 =	simm.s32 $0x1E900;
	s15 =	sadd.s32 $0xCA00, s1  }
0x3cc: {  	[hbm4b:s15+s10] =	stream.strided.scatter [tilespmem:s16], [sflag:$0xC], $0x400, s11, s10, $0x38;
	[tilespmem:$0x1F100] =	vst v63  }
0x3cd: {  	s22 =	rddreg [dreg:$0x1b];
	s1 =	sadd.s32 $0xCA40, s1;
	s16 =	simm.s32 $0x5  }
0x3ce: {  	[hbm4b:s1+s10] =	stream.strided.scatter [tilespmem:s8], [sflag:$0xC], $0x400, s11, s10, $0x38;
	[tilespmem:$0x1F100] =	vst v63  }
0x3cf: {  	s26 =	rddreg [dreg:$0xc];
	_ =	swait.ge [sflag:s16], $0x6000  }
0x3d0: {  	s17 =	sshll.u32 s25, $0x6;
	s18 =	rddreg [dreg:$0x1d]  }
0x3d1: {  	s1 =	sand.u32 $0x3FFFFC00, s17;
	[sflag:s16] =	ssyncset.done $0x0;
	s2 =	sshll.u32 s18, $0x5  }
0x3d2: {  	[sflag:s16] =	ssyncadd.s32 $0xFFFFA000;
	s1 =	sor.u32 s2, s1  }
0x3d3: {  	v9 =	vld [tilespmem:s1+$0x0];
	_ =	sdelay $0x4  }
0x3d4: {  	v10 =	vshrl.u32 v9, $0x3  }
0x3d5: {  	v10 =	vmul.u32 $0x30, v10  }
0x3d6: {  	v9 =	vand.u32 $0x7, v9  }
0x3d7: {  	v9 =	vor.u32 v9, v10  }
0x3d8: {  	v10 =	vperm.xlane v9, v4;
	_ =	sdelay $0x1  }
0x3d9: {  	v10 =	vadd.s32 v6, v10;
	_ =	sdelay $0x3  }
0x3da: {  	s3 =	simm.s32 $0x1100;
	v9 =	vperm.xlane v9, v5  }
0x3db: {  	[tilespmem:s3], [sflag:$0x1] =	stream.indirect_vreg.gather [hbm4b:s26+s7], $0x80, v10, vm9, $0xb8;
	[tilespmem:$0x1F100] =	vst v63  }
0x3dc: {  	s25 =	simm.s32 $0x1900;
	v9 =	vadd.s32 v6, v9  }
0x3dd: {  	[tilespmem:s25], [sflag:$0x1] =	stream.indirect_vreg.gather [hbm4b:s19+s7], $0x80, v10, vm9, $0xb8;
	[tilespmem:$0x1F100] =	vst v63  }
0x3de: {  	s15 =	simm.s32 $0x2100  }
0x3df: {  	[tilespmem:s15], [sflag:$0x1] =	stream.indirect_vreg.gather [hbm4b:s6+s7], $0x80, v10, vm9, $0xb8;
	[tilespmem:$0x1F100] =	vst v63  }
0x3e0: {  	s20 =	simm.s32 $0x2900  }
0x3e1: {  	[tilespmem:s20], [sflag:$0x1] =	stream.indirect_vreg.gather [hbm4b:s26+s7], $0x80, v9, vm9, $0xb8;
	[tilespmem:$0x1F100] =	vst v63  }
0x3e2: {  	s21 =	simm.s32 $0x3100  }
0x3e3: {  	[tilespmem:s21], [sflag:$0x1] =	stream.indirect_vreg.gather [hbm4b:s19+s7], $0x80, v9, vm9, $0xb8;
	[tilespmem:$0x1F100] =	vst v63  }
0x3e4: {  	s24 =	simm.s32 $0x3900  }
0x3e5: {  	[tilespmem:s24], [sflag:$0x1] =	stream.indirect_vreg.gather [hbm4b:s6+s7], $0x80, v9, vm9, $0xb8;
	[tilespmem:$0x1F100] =	vst v63  }
0x3e6: {  	v9 =	vld [tilespmem:s1+$0x10];
	_ =	sdelay $0x4  }
0x3e7: {  	v10 =	vshrl.u32 v9, $0x3  }
0x3e8: {  	v10 =	vmul.u32 $0x30, v10  }
0x3e9: {  	v9 =	vand.u32 $0x7, v9  }
0x3ea: {  	v9 =	vor.u32 v9, v10  }
0x3eb: {  	v10 =	vperm.xlane v9, v4;
	_ =	sdelay $0x1  }
0x3ec: {  	v10 =	vadd.s32 v6, v10;
	_ =	sdelay $0x3  }
0x3ed: {  	s2 =	simm.s32 $0x4100;
	v9 =	vperm.xlane v9, v5  }
0x3ee: {  	[tilespmem:s2], [sflag:$0x1] =	stream.indirect_vreg.gather [hbm4b:s26+s7], $0x80, v10, vm9, $0xb8;
	[tilespmem:$0x1F100] =	vst v63  }
0x3ef: {  	s5 =	simm.s32 $0x4900;
	v9 =	vadd.s32 v6, v9  }
0x3f0: {  	[tilespmem:s5], [sflag:$0x1] =	stream.indirect_vreg.gather [hbm4b:s19+s7], $0x80, v10, vm9, $0xb8;
	[tilespmem:$0x1F100] =	vst v63  }
0x3f1: {  	s8 =	simm.s32 $0x5100  }
0x3f2: {  	[tilespmem:s8], [sflag:$0x1] =	stream.indirect_vreg.gather [hbm4b:s6+s7], $0x80, v10, vm9, $0xb8;
	[tilespmem:$0x1F100] =	vst v63  }
0x3f3: {  	s9 =	simm.s32 $0x5900  }
0x3f4: {  	[tilespmem:s9], [sflag:$0x1] =	stream.indirect_vreg.gather [hbm4b:s26+s7], $0x80, v9, vm9, $0xb8;
	[tilespmem:$0x1F100] =	vst v63  }
0x3f5: {  	s13 =	simm.s32 $0x6100  }
0x3f6: {  	[tilespmem:s13], [sflag:$0x1] =	stream.indirect_vreg.gather [hbm4b:s19+s7], $0x80, v9, vm9, $0xb8;
	[tilespmem:$0x1F100] =	vst v63  }
0x3f7: {  	s17 =	simm.s32 $0x6;
	s16 =	simm.s32 $0x6900  }
0x3f8: {  	[tilespmem:s16], [sflag:$0x1] =	stream.indirect_vreg.gather [hbm4b:s6+s7], $0x80, v9, vm9, $0xb8;
	[tilespmem:$0x1F100] =	vst v63  }
0x3f9: {  	s2 =	sshll.u32 s28, $0x6;
	_ =	swait.ge [sflag:s17], $0x6000  }
0x3fa: {  	s1 =	sand.u32 $0x3FFFFC00, s2;
	s9 =	sshll.u32 s29, $0x5;
	[sflag:s17] =	ssyncset.done $0x0  }
0x3fb: {  	s1 =	sor.u32 s9, s1;
	[sflag:s17] =	ssyncadd.s32 $0xFFFFA000  }
0x3fc: {  	v9 =	vld [tilespmem:s1+$0x0];
	_ =	sdelay $0x4  }
0x3fd: {  	v10 =	vshrl.u32 v9, $0x3  }
0x3fe: {  	v10 =	vmul.u32 $0x30, v10  }
0x3ff: {  	v9 =	vand.u32 $0x7, v9  }
0x400: {  	v9 =	vor.u32 v9, v10  }
0x401: {  	v10 =	vperm.xlane v9, v4;
	_ =	sdelay $0x1  }
0x402: {  	v10 =	vadd.s32 v6, v10;
	_ =	sdelay $0x3  }
0x403: {  	s13 =	simm.s32 $0x7100;
	v9 =	vperm.xlane v9, v5  }
0x404: {  	[tilespmem:s13], [sflag:$0x2] =	stream.indirect_vreg.gather [hbm4b:s26+s7], $0x80, v10, vm9, $0xb8;
	[tilespmem:$0x1F100] =	vst v63  }
0x405: {  	s16 =	simm.s32 $0x7900;
	v9 =	vadd.s32 v6, v9  }
0x406: {  	[tilespmem:s16], [sflag:$0x2] =	stream.indirect_vreg.gather [hbm4b:s19+s7], $0x80, v10, vm9, $0xb8;
	[tilespmem:$0x1F100] =	vst v63  }
0x407: {  	s17 =	simm.s32 $0x8100  }
0x408: {  	[tilespmem:s17], [sflag:$0x2] =	stream.indirect_vreg.gather [hbm4b:s6+s7], $0x80, v10, vm9, $0xb8;
	[tilespmem:$0x1F100] =	vst v63  }
0x409: {  	s5 =	simm.s32 $0x8900  }
0x40a: {  	[tilespmem:s5], [sflag:$0x2] =	stream.indirect_vreg.gather [hbm4b:s26+s7], $0x80, v9, vm9, $0xb8;
	[tilespmem:$0x1F100] =	vst v63  }
0x40b: {  	s16 =	simm.s32 $0x9100  }
0x40c: {  	[tilespmem:s16], [sflag:$0x2] =	stream.indirect_vreg.gather [hbm4b:s19+s7], $0x80, v9, vm9, $0xb8;
	[tilespmem:$0x1F100] =	vst v63  }
0x40d: {  	s17 =	simm.s32 $0x9900  }
0x40e: {  	[tilespmem:s17], [sflag:$0x2] =	stream.indirect_vreg.gather [hbm4b:s6+s7], $0x80, v9, vm9, $0xb8;
	[tilespmem:$0x1F100] =	vst v63  }
0x40f: {  	v9 =	vld [tilespmem:s1+$0x10];
	_ =	sdelay $0x4  }
0x410: {  	v10 =	vshrl.u32 v9, $0x3  }
0x411: {  	v10 =	vmul.u32 $0x30, v10  }
0x412: {  	v9 =	vand.u32 $0x7, v9  }
0x413: {  	v9 =	vor.u32 v9, v10  }
0x414: {  	v10 =	vperm.xlane v9, v4;
	_ =	sdelay $0x1  }
0x415: {  	v10 =	vadd.s32 v6, v10;
	_ =	sdelay $0x3  }
0x416: {  	s2 =	simm.s32 $0xA100;
	v9 =	vperm.xlane v9, v5  }
0x417: {  	[tilespmem:s2], [sflag:$0x2] =	stream.indirect_vreg.gather [hbm4b:s26+s7], $0x80, v10, vm9, $0xb8;
	[tilespmem:$0x1F100] =	vst v63  }
0x418: {  	s5 =	simm.s32 $0xA900;
	v9 =	vadd.s32 v6, v9  }
0x419: {  	[tilespmem:s5], [sflag:$0x2] =	stream.indirect_vreg.gather [hbm4b:s19+s7], $0x80, v10, vm9, $0xb8;
	[tilespmem:$0x1F100] =	vst v63  }
0x41a: {  	s16 =	simm.s32 $0xB100  }
0x41b: {  	[tilespmem:s16], [sflag:$0x2] =	stream.indirect_vreg.gather [hbm4b:s6+s7], $0x80, v10, vm9, $0xb8;
	[tilespmem:$0x1F100] =	vst v63  }
0x41c: {  	s17 =	simm.s32 $0xB900  }
0x41d: {  	[tilespmem:s17], [sflag:$0x2] =	stream.indirect_vreg.gather [hbm4b:s26+s7], $0x80, v9, vm9, $0xb8;
	[tilespmem:$0x1F100] =	vst v63  }
0x41e: {  	s2 =	simm.s32 $0xC100  }
0x41f: {  	[tilespmem:s2], [sflag:$0x2] =	stream.indirect_vreg.gather [hbm4b:s19+s7], $0x80, v9, vm9, $0xb8;
	[tilespmem:$0x1F100] =	vst v63  }
0x420: {  	s5 =	simm.s32 $0xC900  }
0x421: {  	[tilespmem:s5], [sflag:$0x2] =	stream.indirect_vreg.gather [hbm4b:s6+s7], $0x80, v9, vm9, $0xb8;
	[tilespmem:$0x1F100] =	vst v63  }
0x422: {  	s5 =	simm.s32 $0x7  }
0x423: {  	s16 =	sshll.u32 s30, $0x6;
	_ =	swait.ge [sflag:s5], $0x6000  }
0x424: {  	s1 =	sand.u32 $0x3FFFFC00, s16;
	s17 =	sshll.u32 s31, $0x5;
	[sflag:s5] =	ssyncset.done $0x0  }
0x425: {  	s1 =	sor.u32 s17, s1;
	[sflag:s5] =	ssyncadd.s32 $0xFFFFA000  }
0x426: {  	v9 =	vld [tilespmem:s1+$0x0];
	_ =	sdelay $0x4  }
0x427: {  	v10 =	vshrl.u32 v9, $0x3  }
0x428: {  	v10 =	vmul.u32 $0x30, v10  }
0x429: {  	v9 =	vand.u32 $0x7, v9  }
0x42a: {  	v9 =	vor.u32 v9, v10  }
0x42b: {  	v10 =	vperm.xlane v9, v4;
	_ =	sdelay $0x1  }
0x42c: {  	v10 =	vadd.s32 v6, v10;
	_ =	sdelay $0x3  }
0x42d: {  	s31 =	simm.s32 $0xD100;
	v9 =	vperm.xlane v9, v5  }
0x42e: {  	[tilespmem:s31], [sflag:$0x3] =	stream.indirect_vreg.gather [hbm4b:s26+s7], $0x80, v10, vm9, $0xb8;
	[tilespmem:$0x1F100] =	vst v63  }
0x42f: {  	s16 =	simm.s32 $0xD900;
	v9 =	vadd.s32 v6, v9  }
0x430: {  	[tilespmem:s16], [sflag:$0x3] =	stream.indirect_vreg.gather [hbm4b:s19+s7], $0x80, v10, vm9, $0xb8;
	[tilespmem:$0x1F100] =	vst v63  }
0x431: {  	s17 =	simm.s32 $0xE100  }
0x432: {  	[tilespmem:s17], [sflag:$0x3] =	stream.indirect_vreg.gather [hbm4b:s6+s7], $0x80, v10, vm9, $0xb8;
	[tilespmem:$0x1F100] =	vst v63  }
0x433: {  	s31 =	simm.s32 $0xE900  }
0x434: {  	[tilespmem:s31], [sflag:$0x3] =	stream.indirect_vreg.gather [hbm4b:s26+s7], $0x80, v9, vm9, $0xb8;
	[tilespmem:$0x1F100] =	vst v63  }
0x435: {  	s16 =	simm.s32 $0xF100  }
0x436: {  	[tilespmem:s16], [sflag:$0x3] =	stream.indirect_vreg.gather [hbm4b:s19+s7], $0x80, v9, vm9, $0xb8;
	[tilespmem:$0x1F100] =	vst v63  }
0x437: {  	s17 =	simm.s32 $0xF900  }
0x438: {  	[tilespmem:s17], [sflag:$0x3] =	stream.indirect_vreg.gather [hbm4b:s6+s7], $0x80, v9, vm9, $0xb8;
	[tilespmem:$0x1F100] =	vst v63  }
0x439: {  	v9 =	vld [tilespmem:s1+$0x10];
	_ =	sdelay $0x4  }
0x43a: {  	v10 =	vshrl.u32 v9, $0x3  }
0x43b: {  	v10 =	vmul.u32 $0x30, v10  }
0x43c: {  	v9 =	vand.u32 $0x7, v9  }
0x43d: {  	v9 =	vor.u32 v9, v10  }
0x43e: {  	v10 =	vperm.xlane v9, v4;
	_ =	sdelay $0x1  }
0x43f: {  	v10 =	vadd.s32 v6, v10;
	_ =	sdelay $0x3  }
0x440: {  	s31 =	simm.s32 $0x10100;
	v9 =	vperm.xlane v9, v5  }
0x441: {  	[tilespmem:s31], [sflag:$0x3] =	stream.indirect_vreg.gather [hbm4b:s26+s7], $0x80, v10, vm9, $0xb8;
	[tilespmem:$0x1F100] =	vst v63  }
0x442: {  	s5 =	simm.s32 $0x10900;
	v9 =	vadd.s32 v6, v9  }
0x443: {  	[tilespmem:s5], [sflag:$0x3] =	stream.indirect_vreg.gather [hbm4b:s19+s7], $0x80, v10, vm9, $0xb8;
	[tilespmem:$0x1F100] =	vst v63  }
0x444: {  	s16 =	simm.s32 $0x11100  }
0x445: {  	[tilespmem:s16], [sflag:$0x3] =	stream.indirect_vreg.gather [hbm4b:s6+s7], $0x80, v10, vm9, $0xb8;
	[tilespmem:$0x1F100] =	vst v63  }
0x446: {  	s17 =	simm.s32 $0x11900  }
0x447: {  	[tilespmem:s17], [sflag:$0x3] =	stream.indirect_vreg.gather [hbm4b:s26+s7], $0x80, v9, vm9, $0xb8;
	[tilespmem:$0x1F100] =	vst v63  }
0x448: {  	s31 =	simm.s32 $0x12100  }
0x449: {  	[tilespmem:s31], [sflag:$0x3] =	stream.indirect_vreg.gather [hbm4b:s19+s7], $0x80, v9, vm9, $0xb8;
	[tilespmem:$0x1F100] =	vst v63  }
0x44a: {  	s5 =	simm.s32 $0x12900;
	s16 =	simm.s32 $0x8  }
0x44b: {  	[tilespmem:s5], [sflag:$0x3] =	stream.indirect_vreg.gather [hbm4b:s6+s7], $0x80, v9, vm9, $0xb8;
	[tilespmem:$0x1F100] =	vst v63  }
0x44c: {  	s17 =	sshll.u32 s23, $0x6;
	_ =	swait.ge [sflag:s16], $0x6000  }
0x44d: {  	s0 =	sshll.u32 s0, $0x5;
	s1 =	sand.u32 $0x3FFFFC00, s17;
	[sflag:s16] =	ssyncset.done $0x0  }
0x44e: {  	s0 =	sor.u32 s0, s1;
	[sflag:s16] =	ssyncadd.s32 $0xFFFFA000  }
0x44f: {  	v9 =	vld [tilespmem:s0+$0x0];
	_ =	sdelay $0x4  }
0x450: {  	v10 =	vshrl.u32 v9, $0x3  }
0x451: {  	v10 =	vmul.u32 $0x30, v10  }
0x452: {  	v9 =	vand.u32 $0x7, v9  }
0x453: {  	v9 =	vor.u32 v9, v10  }
0x454: {  	v10 =	vperm.xlane v9, v4;
	_ =	sdelay $0x1  }
0x455: {  	v10 =	vadd.s32 v6, v10;
	_ =	sdelay $0x3  }
0x456: {  	s31 =	simm.s32 $0x13100;
	v9 =	vperm.xlane v9, v5  }
0x457: {  	[tilespmem:s31], [sflag:$0x4] =	stream.indirect_vreg.gather [hbm4b:s26+s7], $0x80, v10, vm9, $0xb8;
	[tilespmem:$0x1F100] =	vst v63  }
0x458: {  	s16 =	simm.s32 $0x13900;
	v9 =	vadd.s32 v6, v9  }
0x459: {  	[tilespmem:s16], [sflag:$0x4] =	stream.indirect_vreg.gather [hbm4b:s19+s7], $0x80, v10, vm9, $0xb8;
	[tilespmem:$0x1F100] =	vst v63  }
0x45a: {  	s17 =	simm.s32 $0x14100  }
0x45b: {  	[tilespmem:s17], [sflag:$0x4] =	stream.indirect_vreg.gather [hbm4b:s6+s7], $0x80, v10, vm9, $0xb8;
	[tilespmem:$0x1F100] =	vst v63  }
0x45c: {  	s31 =	simm.s32 $0x14900  }
0x45d: {  	[tilespmem:s31], [sflag:$0x4] =	stream.indirect_vreg.gather [hbm4b:s26+s7], $0x80, v9, vm9, $0xb8;
	[tilespmem:$0x1F100] =	vst v63  }
0x45e: {  	s16 =	simm.s32 $0x15100  }
0x45f: {  	[tilespmem:s16], [sflag:$0x4] =	stream.indirect_vreg.gather [hbm4b:s19+s7], $0x80, v9, vm9, $0xb8;
	[tilespmem:$0x1F100] =	vst v63  }
0x460: {  	s17 =	simm.s32 $0x15900  }
0x461: {  	[tilespmem:s17], [sflag:$0x4] =	stream.indirect_vreg.gather [hbm4b:s6+s7], $0x80, v9, vm9, $0xb8;
	[tilespmem:$0x1F100] =	vst v63  }
0x462: {  	v9 =	vld [tilespmem:s0+$0x10];
	_ =	sdelay $0x4  }
0x463: {  	v10 =	vshrl.u32 v9, $0x3  }
0x464: {  	v10 =	vmul.u32 $0x30, v10  }
0x465: {  	v9 =	vand.u32 $0x7, v9  }
0x466: {  	v9 =	vor.u32 v9, v10  }
0x467: {  	v10 =	vperm.xlane v9, v4;
	_ =	sdelay $0x1  }
0x468: {  	v10 =	vadd.s32 v6, v10;
	_ =	sdelay $0x1  }
0x469: {  	p0 =	sne.s32 s23, $0x3F;
	s4 =	simm.s32 $0x3100  }
0x46a: {  	s22 =	sadd.s32 $0x20, s22;
	s12 =	simm.s32 $0x2900;
	s14 =	simm.s32 $0x3900  }
0x46b: {  	s18 =	simm.s32 $0x5900;
	s20 =	simm.s32 $0x5100;
	s31 =	simm.s32 $0x16100;
	v9 =	vperm.xlane v9, v5  }
0x46c: {  	[tilespmem:s31], [sflag:$0x4] =	stream.indirect_vreg.gather [hbm4b:s26+s7], $0x80, v10, vm9, $0xb8;
	[tilespmem:$0x1F100] =	vst v63  }
0x46d: {  	s21 =	simm.s32 $0x4900;
	s24 =	simm.s32 $0x4100;
	s5 =	simm.s32 $0x16900;
	v9 =	vadd.s32 v6, v9  }
0x46e: {  	[tilespmem:s5], [sflag:$0x4] =	stream.indirect_vreg.gather [hbm4b:s19+s7], $0x80, v10, vm9, $0xb8;
	[tilespmem:$0x1F100] =	vst v63  }
0x46f: {  	s28 =	simm.s32 $0x7100;
	s8 =	simm.s32 $0x6100;
	s16 =	simm.s32 $0x17100  }
0x470: {  	[tilespmem:s16], [sflag:$0x4] =	stream.indirect_vreg.gather [hbm4b:s6+s7], $0x80, v10, vm9, $0xb8;
	[tilespmem:$0x1F100] =	vst v63  }
0x471: {  	s29 =	simm.s32 $0x19500;
	s9 =	simm.s32 $0x7900;
	s17 =	simm.s32 $0x17900  }
0x472: {  	[tilespmem:s17], [sflag:$0x4] =	stream.indirect_vreg.gather [hbm4b:s26+s7], $0x80, v9, vm9, $0xb8;
	[tilespmem:$0x1F100] =	vst v63  }
.Ltmp1:
0x473: {  	s13 =	simm.s32 $0x8100;
	s30 =	simm.s32 $0xD100;
	(pc) =	sbr.rel @p0 .LBB2_4-.Ltmp1, $4  }
0x474: {  	s2 =	simm.s32 $0x1;
	s1 =	rddreg [dreg:$0x1c];
	s26 =	simm.s32 $0x18100  }
0x475: {  	[tilespmem:s26], [sflag:$0x4] =	stream.indirect_vreg.gather [hbm4b:s19+s7], $0x80, v9, vm9, $0xb8;
	[tilespmem:$0x1F100] =	vst v63  }
0x476: {  	s23 =	sadd.s32 $0x4, s23;
	s1 =	sadd.s32 $0x1, s1;
	s31 =	simm.s32 $0x18900  }
0x477: {  	[tilespmem:s31], [sflag:$0x4] =	stream.indirect_vreg.gather [hbm4b:s6+s7], $0x80, v9, vm9, $0xb8;
	[tilespmem:$0x1F100] =	vst v63  }
0x478: {  	_ =	swait.ge [sflag:s2], $0x6000  }
0x479: {  	[sflag:s2] =	ssyncset.done $0x0  }
0x47a: {  	s1 =	rddreg [dreg:$0x15];
	[sflag:s2] =	ssyncadd.s32 $0xFFFFA000  }
0x47b: {  	[hbm4b:s1+s10] =	stream.strided.scatter [tilespmem:s3], [sflag:$0x5], $0x400, s11, s10, $0x38;
	[tilespmem:$0x1F100] =	vst v63  }
0x47c: {  	s31 =	simm.s32 $0x1500;
	s0 =	sadd.s32 $0x40, s1  }
0x47d: {  	[hbm4b:s0+s10] =	stream.strided.scatter [tilespmem:s31], [sflag:$0x5], $0x400, s11, s10, $0x38;
	[tilespmem:$0x1F100] =	vst v63  }
0x47e: {  	s3 =	sadd.s32 $0x80, s1  }
0x47f: {  	[hbm4b:s3+s10] =	stream.strided.scatter [tilespmem:s25], [sflag:$0x5], $0x400, s11, s10, $0x38;
	[tilespmem:$0x1F100] =	vst v63  }
0x480: {  	s6 =	simm.s32 $0x1D00;
	s5 =	sadd.s32 $0xC0, s1  }
0x481: {  	[hbm4b:s5+s10] =	stream.strided.scatter [tilespmem:s6], [sflag:$0x5], $0x400, s11, s10, $0x38;
	[tilespmem:$0x1F100] =	vst v63  }
0x482: {  	s16 =	sadd.s32 $0x100, s1  }
0x483: {  	[hbm4b:s16+s10] =	stream.strided.scatter [tilespmem:s15], [sflag:$0x5], $0x400, s11, s10, $0x38;
	[tilespmem:$0x1F100] =	vst v63  }
0x484: {  	s19 =	simm.s32 $0x2500;
	s17 =	sadd.s32 $0x140, s1  }
0x485: {  	[hbm4b:s17+s10] =	stream.strided.scatter [tilespmem:s19], [sflag:$0x5], $0x400, s11, s10, $0x38;
	[tilespmem:$0x1F100] =	vst v63  }
0x486: {  	s22 =	sadd.s32 $0x300, s1  }
0x487: {  	[hbm4b:s22+s10] =	stream.strided.scatter [tilespmem:s12], [sflag:$0x5], $0x400, s11, s10, $0x38;
	[tilespmem:$0x1F100] =	vst v63  }
0x488: {  	s23 =	sadd.s32 $0x340, s1;
	s25 =	simm.s32 $0x2D00  }
0x489: {  	[hbm4b:s23+s10] =	stream.strided.scatter [tilespmem:s25], [sflag:$0x5], $0x400, s11, s10, $0x38;
	[tilespmem:$0x1F100] =	vst v63  }
0x48a: {  	s26 =	sadd.s32 $0x380, s1  }
0x48b: {  	[hbm4b:s26+s10] =	stream.strided.scatter [tilespmem:s4], [sflag:$0x5], $0x400, s11, s10, $0x38;
	[tilespmem:$0x1F100] =	vst v63  }
0x48c: {  	s29 =	sadd.s32 $0x3C0, s1;
	s31 =	simm.s32 $0x3500  }
0x48d: {  	[hbm4b:s29+s10] =	stream.strided.scatter [tilespmem:s31], [sflag:$0x5], $0x400, s11, s10, $0x38;
	[tilespmem:$0x1F100] =	vst v63  }
0x48e: {  	s2 =	sadd.s32 $0x400, s1  }
0x48f: {  	[hbm4b:s2+s10] =	stream.strided.scatter [tilespmem:s14], [sflag:$0x5], $0x400, s11, s10, $0x38;
	[tilespmem:$0x1F100] =	vst v63  }
0x490: {  	s3 =	sadd.s32 $0x440, s1;
	s4 =	simm.s32 $0x3D00  }
0x491: {  	[hbm4b:s3+s10] =	stream.strided.scatter [tilespmem:s4], [sflag:$0x5], $0x400, s11, s10, $0x38;
	[tilespmem:$0x1F100] =	vst v63  }
0x492: {  	s5 =	sadd.s32 $0x600, s1  }
0x493: {  	[hbm4b:s5+s10] =	stream.strided.scatter [tilespmem:s24], [sflag:$0x5], $0x400, s11, s10, $0x38;
	[tilespmem:$0x1F100] =	vst v63  }
0x494: {  	s6 =	sadd.s32 $0x640, s1;
	s12 =	simm.s32 $0x4500  }
0x495: {  	[hbm4b:s6+s10] =	stream.strided.scatter [tilespmem:s12], [sflag:$0x5], $0x400, s11, s10, $0x38;
	[tilespmem:$0x1F100] =	vst v63  }
0x496: {  	s14 =	sadd.s32 $0x680, s1  }
0x497: {  	[hbm4b:s14+s10] =	stream.strided.scatter [tilespmem:s21], [sflag:$0x5], $0x400, s11, s10, $0x38;
	[tilespmem:$0x1F100] =	vst v63  }
0x498: {  	s15 =	sadd.s32 $0x6C0, s1;
	s16 =	simm.s32 $0x4D00  }
0x499: {  	[hbm4b:s15+s10] =	stream.strided.scatter [tilespmem:s16], [sflag:$0x5], $0x400, s11, s10, $0x38;
	[tilespmem:$0x1F100] =	vst v63  }
0x49a: {  	s17 =	sadd.s32 $0x700, s1  }
0x49b: {  	[hbm4b:s17+s10] =	stream.strided.scatter [tilespmem:s20], [sflag:$0x5], $0x400, s11, s10, $0x38;
	[tilespmem:$0x1F100] =	vst v63  }
0x49c: {  	s19 =	sadd.s32 $0x740, s1;
	s20 =	simm.s32 $0x5500  }
0x49d: {  	[hbm4b:s19+s10] =	stream.strided.scatter [tilespmem:s20], [sflag:$0x5], $0x400, s11, s10, $0x38;
	[tilespmem:$0x1F100] =	vst v63  }
0x49e: {  	s21 =	sadd.s32 $0x900, s1  }
0x49f: {  	[hbm4b:s21+s10] =	stream.strided.scatter [tilespmem:s18], [sflag:$0x5], $0x400, s11, s10, $0x38;
	[tilespmem:$0x1F100] =	vst v63  }
0x4a0: {  	s22 =	sadd.s32 $0x940, s1;
	s23 =	simm.s32 $0x5D00  }
0x4a1: {  	[hbm4b:s22+s10] =	stream.strided.scatter [tilespmem:s23], [sflag:$0x5], $0x400, s11, s10, $0x38;
	[tilespmem:$0x1F100] =	vst v63  }
0x4a2: {  	s24 =	sadd.s32 $0x980, s1  }
0x4a3: {  	[hbm4b:s24+s10] =	stream.strided.scatter [tilespmem:s8], [sflag:$0x5], $0x400, s11, s10, $0x38;
	[tilespmem:$0x1F100] =	vst v63  }
0x4a4: {  	s25 =	sadd.s32 $0x9C0, s1;
	s26 =	simm.s32 $0x6500  }
0x4a5: {  	[hbm4b:s25+s10] =	stream.strided.scatter [tilespmem:s26], [sflag:$0x5], $0x400, s11, s10, $0x38;
	[tilespmem:$0x1F100] =	vst v63  }
0x4a6: {  	s29 =	sadd.s32 $0xA00, s1;
	s31 =	simm.s32 $0x6900  }
0x4a7: {  	[hbm4b:s29+s10] =	stream.strided.scatter [tilespmem:s31], [sflag:$0x5], $0x400, s11, s10, $0x38;
	[tilespmem:$0x1F100] =	vst v63  }
0x4a8: {  	s2 =	sadd.s32 $0xA40, s1;
	s3 =	simm.s32 $0x6D00;
	s4 =	simm.s32 $0x2  }
0x4a9: {  	[hbm4b:s2+s10] =	stream.strided.scatter [tilespmem:s3], [sflag:$0x5], $0x400, s11, s10, $0x38;
	[tilespmem:$0x1F100] =	vst v63  }
0x4aa: {  	_ =	swait.ge [sflag:s4], $0x6000  }
0x4ab: {  	[sflag:s4] =	ssyncset.done $0x0  }
0x4ac: {  	s1 =	rddreg [dreg:$0x16];
	[sflag:s4] =	ssyncadd.s32 $0xFFFFA000  }
0x4ad: {  	[hbm4b:s1+s10] =	stream.strided.scatter [tilespmem:s28], [sflag:$0x6], $0x400, s11, s10, $0x38;
	[tilespmem:$0x1F100] =	vst v63  }
0x4ae: {  	s6 =	simm.s32 $0x7500;
	s5 =	sadd.s32 $0x40, s1  }
0x4af: {  	[hbm4b:s5+s10] =	stream.strided.scatter [tilespmem:s6], [sflag:$0x6], $0x400, s11, s10, $0x38;
	[tilespmem:$0x1F100] =	vst v63  }
0x4b0: {  	s8 =	sadd.s32 $0x80, s1  }
0x4b1: {  	[hbm4b:s8+s10] =	stream.strided.scatter [tilespmem:s9], [sflag:$0x6], $0x400, s11, s10, $0x38;
	[tilespmem:$0x1F100] =	vst v63  }
0x4b2: {  	s14 =	simm.s32 $0x7D00;
	s12 =	sadd.s32 $0xC0, s1  }
0x4b3: {  	[hbm4b:s12+s10] =	stream.strided.scatter [tilespmem:s14], [sflag:$0x6], $0x400, s11, s10, $0x38;
	[tilespmem:$0x1F100] =	vst v63  }
0x4b4: {  	s15 =	sadd.s32 $0x100, s1  }
0x4b5: {  	[hbm4b:s15+s10] =	stream.strided.scatter [tilespmem:s13], [sflag:$0x6], $0x400, s11, s10, $0x38;
	[tilespmem:$0x1F100] =	vst v63  }
0x4b6: {  	s17 =	simm.s32 $0x8500;
	s16 =	sadd.s32 $0x140, s1  }
0x4b7: {  	[hbm4b:s16+s10] =	stream.strided.scatter [tilespmem:s17], [sflag:$0x6], $0x400, s11, s10, $0x38;
	[tilespmem:$0x1F100] =	vst v63  }
0x4b8: {  	s19 =	simm.s32 $0x8900;
	s18 =	sadd.s32 $0x300, s1  }
0x4b9: {  	[hbm4b:s18+s10] =	stream.strided.scatter [tilespmem:s19], [sflag:$0x6], $0x400, s11, s10, $0x38;
	[tilespmem:$0x1F100] =	vst v63  }
0x4ba: {  	s21 =	simm.s32 $0x8D00;
	s20 =	sadd.s32 $0x340, s1  }
0x4bb: {  	[hbm4b:s20+s10] =	stream.strided.scatter [tilespmem:s21], [sflag:$0x6], $0x400, s11, s10, $0x38;
	[tilespmem:$0x1F100] =	vst v63  }
0x4bc: {  	s23 =	simm.s32 $0x9100;
	s22 =	sadd.s32 $0x380, s1  }
0x4bd: {  	[hbm4b:s22+s10] =	stream.strided.scatter [tilespmem:s23], [sflag:$0x6], $0x400, s11, s10, $0x38;
	[tilespmem:$0x1F100] =	vst v63  }
0x4be: {  	s25 =	simm.s32 $0x9500;
	s24 =	sadd.s32 $0x3C0, s1  }
0x4bf: {  	[hbm4b:s24+s10] =	stream.strided.scatter [tilespmem:s25], [sflag:$0x6], $0x400, s11, s10, $0x38;
	[tilespmem:$0x1F100] =	vst v63  }
0x4c0: {  	s26 =	sadd.s32 $0x400, s1;
	s28 =	simm.s32 $0x9900  }
0x4c1: {  	[hbm4b:s26+s10] =	stream.strided.scatter [tilespmem:s28], [sflag:$0x6], $0x400, s11, s10, $0x38;
	[tilespmem:$0x1F100] =	vst v63  }
0x4c2: {  	s31 =	simm.s32 $0x9D00;
	s29 =	sadd.s32 $0x440, s1  }
0x4c3: {  	[hbm4b:s29+s10] =	stream.strided.scatter [tilespmem:s31], [sflag:$0x6], $0x400, s11, s10, $0x38;
	[tilespmem:$0x1F100] =	vst v63  }
0x4c4: {  	s3 =	sadd.s32 $0x600, s1;
	s4 =	simm.s32 $0xA100  }
0x4c5: {  	[hbm4b:s3+s10] =	stream.strided.scatter [tilespmem:s4], [sflag:$0x6], $0x400, s11, s10, $0x38;
	[tilespmem:$0x1F100] =	vst v63  }
0x4c6: {  	s5 =	sadd.s32 $0x640, s1;
	s6 =	simm.s32 $0xA500  }
0x4c7: {  	[hbm4b:s5+s10] =	stream.strided.scatter [tilespmem:s6], [sflag:$0x6], $0x400, s11, s10, $0x38;
	[tilespmem:$0x1F100] =	vst v63  }
0x4c8: {  	s8 =	sadd.s32 $0x680, s1;
	s9 =	simm.s32 $0xA900  }
0x4c9: {  	[hbm4b:s8+s10] =	stream.strided.scatter [tilespmem:s9], [sflag:$0x6], $0x400, s11, s10, $0x38;
	[tilespmem:$0x1F100] =	vst v63  }
0x4ca: {  	s12 =	sadd.s32 $0x6C0, s1;
	s13 =	simm.s32 $0xAD00  }
0x4cb: {  	[hbm4b:s12+s10] =	stream.strided.scatter [tilespmem:s13], [sflag:$0x6], $0x400, s11, s10, $0x38;
	[tilespmem:$0x1F100] =	vst v63  }
0x4cc: {  	s14 =	sadd.s32 $0x700, s1;
	s15 =	simm.s32 $0xB100  }
0x4cd: {  	[hbm4b:s14+s10] =	stream.strided.scatter [tilespmem:s15], [sflag:$0x6], $0x400, s11, s10, $0x38;
	[tilespmem:$0x1F100] =	vst v63  }
0x4ce: {  	s16 =	sadd.s32 $0x740, s1;
	s17 =	simm.s32 $0xB500  }
0x4cf: {  	[hbm4b:s16+s10] =	stream.strided.scatter [tilespmem:s17], [sflag:$0x6], $0x400, s11, s10, $0x38;
	[tilespmem:$0x1F100] =	vst v63  }
0x4d0: {  	s18 =	sadd.s32 $0x900, s1;
	s19 =	simm.s32 $0xB900  }
0x4d1: {  	[hbm4b:s18+s10] =	stream.strided.scatter [tilespmem:s19], [sflag:$0x6], $0x400, s11, s10, $0x38;
	[tilespmem:$0x1F100] =	vst v63  }
0x4d2: {  	s20 =	sadd.s32 $0x940, s1;
	s21 =	simm.s32 $0xBD00  }
0x4d3: {  	[hbm4b:s20+s10] =	stream.strided.scatter [tilespmem:s21], [sflag:$0x6], $0x400, s11, s10, $0x38;
	[tilespmem:$0x1F100] =	vst v63  }
0x4d4: {  	s22 =	sadd.s32 $0x980, s1;
	s23 =	simm.s32 $0xC100  }
0x4d5: {  	[hbm4b:s22+s10] =	stream.strided.scatter [tilespmem:s23], [sflag:$0x6], $0x400, s11, s10, $0x38;
	[tilespmem:$0x1F100] =	vst v63  }
0x4d6: {  	s24 =	sadd.s32 $0x9C0, s1;
	s25 =	simm.s32 $0xC500  }
0x4d7: {  	[hbm4b:s24+s10] =	stream.strided.scatter [tilespmem:s25], [sflag:$0x6], $0x400, s11, s10, $0x38;
	[tilespmem:$0x1F100] =	vst v63  }
0x4d8: {  	s26 =	sadd.s32 $0xA00, s1;
	s28 =	simm.s32 $0xC900  }
0x4d9: {  	[hbm4b:s26+s10] =	stream.strided.scatter [tilespmem:s28], [sflag:$0x6], $0x400, s11, s10, $0x38;
	[tilespmem:$0x1F100] =	vst v63  }
0x4da: {  	s29 =	sadd.s32 $0xA40, s1;
	s31 =	simm.s32 $0xCD00;
	s1 =	simm.s32 $0x3  }
0x4db: {  	[hbm4b:s29+s10] =	stream.strided.scatter [tilespmem:s31], [sflag:$0x6], $0x400, s11, s10, $0x38;
	[tilespmem:$0x1F100] =	vst v63  }
0x4dc: {  	_ =	swait.ge [sflag:s1], $0x6000  }
0x4dd: {  	[sflag:s1] =	ssyncset.done $0x0  }
0x4de: {  	[sflag:s1] =	ssyncadd.s32 $0xFFFFA000;
	s1 =	rddreg [dreg:$0x17]  }
0x4df: {  	[hbm4b:s1+s10] =	stream.strided.scatter [tilespmem:s30], [sflag:$0x7], $0x400, s11, s10, $0x38;
	[tilespmem:$0x1F100] =	vst v63  }
0x4e0: {  	s3 =	simm.s32 $0xD500;
	s2 =	sadd.s32 $0x40, s1  }
0x4e1: {  	[hbm4b:s2+s10] =	stream.strided.scatter [tilespmem:s3], [sflag:$0x7], $0x400, s11, s10, $0x38;
	[tilespmem:$0x1F100] =	vst v63  }
0x4e2: {  	s5 =	simm.s32 $0xD900;
	s4 =	sadd.s32 $0x80, s1  }
0x4e3: {  	[hbm4b:s4+s10] =	stream.strided.scatter [tilespmem:s5], [sflag:$0x7], $0x400, s11, s10, $0x38;
	[tilespmem:$0x1F100] =	vst v63  }
0x4e4: {  	s8 =	simm.s32 $0xDD00;
	s6 =	sadd.s32 $0xC0, s1  }
0x4e5: {  	[hbm4b:s6+s10] =	stream.strided.scatter [tilespmem:s8], [sflag:$0x7], $0x400, s11, s10, $0x38;
	[tilespmem:$0x1F100] =	vst v63  }
0x4e6: {  	s12 =	simm.s32 $0xE100;
	s9 =	sadd.s32 $0x100, s1  }
0x4e7: {  	[hbm4b:s9+s10] =	stream.strided.scatter [tilespmem:s12], [sflag:$0x7], $0x400, s11, s10, $0x38;
	[tilespmem:$0x1F100] =	vst v63  }
0x4e8: {  	s14 =	simm.s32 $0xE500;
	s13 =	sadd.s32 $0x140, s1  }
0x4e9: {  	[hbm4b:s13+s10] =	stream.strided.scatter [tilespmem:s14], [sflag:$0x7], $0x400, s11, s10, $0x38;
	[tilespmem:$0x1F100] =	vst v63  }
0x4ea: {  	s16 =	simm.s32 $0xE900;
	s15 =	sadd.s32 $0x300, s1  }
0x4eb: {  	[hbm4b:s15+s10] =	stream.strided.scatter [tilespmem:s16], [sflag:$0x7], $0x400, s11, s10, $0x38;
	[tilespmem:$0x1F100] =	vst v63  }
0x4ec: {  	s18 =	simm.s32 $0xED00;
	s17 =	sadd.s32 $0x340, s1  }
0x4ed: {  	[hbm4b:s17+s10] =	stream.strided.scatter [tilespmem:s18], [sflag:$0x7], $0x400, s11, s10, $0x38;
	[tilespmem:$0x1F100] =	vst v63  }
0x4ee: {  	s20 =	simm.s32 $0xF100;
	s19 =	sadd.s32 $0x380, s1  }
0x4ef: {  	[hbm4b:s19+s10] =	stream.strided.scatter [tilespmem:s20], [sflag:$0x7], $0x400, s11, s10, $0x38;
	[tilespmem:$0x1F100] =	vst v63  }
0x4f0: {  	s22 =	simm.s32 $0xF500;
	s21 =	sadd.s32 $0x3C0, s1  }
0x4f1: {  	[hbm4b:s21+s10] =	stream.strided.scatter [tilespmem:s22], [sflag:$0x7], $0x400, s11, s10, $0x38;
	[tilespmem:$0x1F100] =	vst v63  }
0x4f2: {  	s24 =	simm.s32 $0xF900;
	s23 =	sadd.s32 $0x400, s1  }
0x4f3: {  	[hbm4b:s23+s10] =	stream.strided.scatter [tilespmem:s24], [sflag:$0x7], $0x400, s11, s10, $0x38;
	[tilespmem:$0x1F100] =	vst v63  }
0x4f4: {  	s26 =	simm.s32 $0xFD00;
	s25 =	sadd.s32 $0x440, s1  }
0x4f5: {  	[hbm4b:s25+s10] =	stream.strided.scatter [tilespmem:s26], [sflag:$0x7], $0x400, s11, s10, $0x38;
	[tilespmem:$0x1F100] =	vst v63  }
0x4f6: {  	s29 =	simm.s32 $0x10100;
	s28 =	sadd.s32 $0x600, s1  }
0x4f7: {  	[hbm4b:s28+s10] =	stream.strided.scatter [tilespmem:s29], [sflag:$0x7], $0x400, s11, s10, $0x38;
	[tilespmem:$0x1F100] =	vst v63  }
0x4f8: {  	s31 =	simm.s32 $0x10500;
	s30 =	sadd.s32 $0x640, s1  }
0x4f9: {  	[hbm4b:s30+s10] =	stream.strided.scatter [tilespmem:s31], [sflag:$0x7], $0x400, s11, s10, $0x38;
	[tilespmem:$0x1F100] =	vst v63  }
0x4fa: {  	s2 =	sadd.s32 $0x680, s1;
	s3 =	simm.s32 $0x10900  }
0x4fb: {  	[hbm4b:s2+s10] =	stream.strided.scatter [tilespmem:s3], [sflag:$0x7], $0x400, s11, s10, $0x38;
	[tilespmem:$0x1F100] =	vst v63  }
0x4fc: {  	s4 =	sadd.s32 $0x6C0, s1;
	s5 =	simm.s32 $0x10D00  }
0x4fd: {  	[hbm4b:s4+s10] =	stream.strided.scatter [tilespmem:s5], [sflag:$0x7], $0x400, s11, s10, $0x38;
	[tilespmem:$0x1F100] =	vst v63  }
0x4fe: {  	s6 =	sadd.s32 $0x700, s1;
	s8 =	simm.s32 $0x11100  }
0x4ff: {  	[hbm4b:s6+s10] =	stream.strided.scatter [tilespmem:s8], [sflag:$0x7], $0x400, s11, s10, $0x38;
	[tilespmem:$0x1F100] =	vst v63  }
0x500: {  	s9 =	sadd.s32 $0x740, s1;
	s12 =	simm.s32 $0x11500  }
0x501: {  	[hbm4b:s9+s10] =	stream.strided.scatter [tilespmem:s12], [sflag:$0x7], $0x400, s11, s10, $0x38;
	[tilespmem:$0x1F100] =	vst v63  }
0x502: {  	s13 =	sadd.s32 $0x900, s1;
	s14 =	simm.s32 $0x11900  }
0x503: {  	[hbm4b:s13+s10] =	stream.strided.scatter [tilespmem:s14], [sflag:$0x7], $0x400, s11, s10, $0x38;
	[tilespmem:$0x1F100] =	vst v63  }
0x504: {  	s15 =	sadd.s32 $0x940, s1;
	s16 =	simm.s32 $0x11D00  }
0x505: {  	[hbm4b:s15+s10] =	stream.strided.scatter [tilespmem:s16], [sflag:$0x7], $0x400, s11, s10, $0x38;
	[tilespmem:$0x1F100] =	vst v63  }
0x506: {  	s17 =	sadd.s32 $0x980, s1;
	s18 =	simm.s32 $0x12100  }
0x507: {  	[hbm4b:s17+s10] =	stream.strided.scatter [tilespmem:s18], [sflag:$0x7], $0x400, s11, s10, $0x38;
	[tilespmem:$0x1F100] =	vst v63  }
0x508: {  	s19 =	sadd.s32 $0x9C0, s1;
	s20 =	simm.s32 $0x12500  }
0x509: {  	[hbm4b:s19+s10] =	stream.strided.scatter [tilespmem:s20], [sflag:$0x7], $0x400, s11, s10, $0x38;
	[tilespmem:$0x1F100] =	vst v63  }
0x50a: {  	s21 =	sadd.s32 $0xA00, s1;
	s22 =	simm.s32 $0x12900  }
0x50b: {  	[hbm4b:s21+s10] =	stream.strided.scatter [tilespmem:s22], [sflag:$0x7], $0x400, s11, s10, $0x38;
	[tilespmem:$0x1F100] =	vst v63  }
0x50c: {  	s23 =	sadd.s32 $0xA40, s1;
	s24 =	simm.s32 $0x12D00;
	s25 =	simm.s32 $0x4  }
0x50d: {  	[hbm4b:s23+s10] =	stream.strided.scatter [tilespmem:s24], [sflag:$0x7], $0x400, s11, s10, $0x38;
	[tilespmem:$0x1F100] =	vst v63  }
0x50e: {  	_ =	swait.ge [sflag:s25], $0x6000  }
0x50f: {  	[sflag:s25] =	ssyncset.done $0x0  }
0x510: {  	s26 =	simm.s32 $0x13100;
	s1 =	rddreg [dreg:$0x18];
	[sflag:s25] =	ssyncadd.s32 $0xFFFFA000  }
0x511: {  	[hbm4b:s1+s10] =	stream.strided.scatter [tilespmem:s26], [sflag:$0x8], $0x400, s11, s10, $0x38;
	[tilespmem:$0x1F100] =	vst v63  }
0x512: {  	s29 =	simm.s32 $0x13500;
	s28 =	sadd.s32 $0x40, s1  }
0x513: {  	[hbm4b:s28+s10] =	stream.strided.scatter [tilespmem:s29], [sflag:$0x8], $0x400, s11, s10, $0x38;
	[tilespmem:$0x1F100] =	vst v63  }
0x514: {  	s31 =	simm.s32 $0x13900;
	s30 =	sadd.s32 $0x80, s1  }
0x515: {  	[hbm4b:s30+s10] =	stream.strided.scatter [tilespmem:s31], [sflag:$0x8], $0x400, s11, s10, $0x38;
	[tilespmem:$0x1F100] =	vst v63  }
0x516: {  	s3 =	simm.s32 $0x13D00;
	s2 =	sadd.s32 $0xC0, s1  }
0x517: {  	[hbm4b:s2+s10] =	stream.strided.scatter [tilespmem:s3], [sflag:$0x8], $0x400, s11, s10, $0x38;
	[tilespmem:$0x1F100] =	vst v63  }
0x518: {  	s5 =	simm.s32 $0x14100;
	s4 =	sadd.s32 $0x100, s1  }
0x519: {  	[hbm4b:s4+s10] =	stream.strided.scatter [tilespmem:s5], [sflag:$0x8], $0x400, s11, s10, $0x38;
	[tilespmem:$0x1F100] =	vst v63  }
0x51a: {  	s8 =	simm.s32 $0x14500;
	s6 =	sadd.s32 $0x140, s1  }
0x51b: {  	[hbm4b:s6+s10] =	stream.strided.scatter [tilespmem:s8], [sflag:$0x8], $0x400, s11, s10, $0x38;
	[tilespmem:$0x1F100] =	vst v63  }
0x51c: {  	s12 =	simm.s32 $0x14900;
	s9 =	sadd.s32 $0x300, s1  }
0x51d: {  	[hbm4b:s9+s10] =	stream.strided.scatter [tilespmem:s12], [sflag:$0x8], $0x400, s11, s10, $0x38;
	[tilespmem:$0x1F100] =	vst v63  }
0x51e: {  	s14 =	simm.s32 $0x14D00;
	s13 =	sadd.s32 $0x340, s1  }
0x51f: {  	[hbm4b:s13+s10] =	stream.strided.scatter [tilespmem:s14], [sflag:$0x8], $0x400, s11, s10, $0x38;
	[tilespmem:$0x1F100] =	vst v63  }
0x520: {  	s16 =	simm.s32 $0x15100;
	s15 =	sadd.s32 $0x380, s1  }
0x521: {  	[hbm4b:s15+s10] =	stream.strided.scatter [tilespmem:s16], [sflag:$0x8], $0x400, s11, s10, $0x38;
	[tilespmem:$0x1F100] =	vst v63  }
0x522: {  	s18 =	simm.s32 $0x15500;
	s17 =	sadd.s32 $0x3C0, s1  }
0x523: {  	[hbm4b:s17+s10] =	stream.strided.scatter [tilespmem:s18], [sflag:$0x8], $0x400, s11, s10, $0x38;
	[tilespmem:$0x1F100] =	vst v63  }
0x524: {  	s20 =	simm.s32 $0x15900;
	s19 =	sadd.s32 $0x400, s1  }
0x525: {  	[hbm4b:s19+s10] =	stream.strided.scatter [tilespmem:s20], [sflag:$0x8], $0x400, s11, s10, $0x38;
	[tilespmem:$0x1F100] =	vst v63  }
0x526: {  	s22 =	simm.s32 $0x15D00;
	s21 =	sadd.s32 $0x440, s1  }
0x527: {  	[hbm4b:s21+s10] =	stream.strided.scatter [tilespmem:s22], [sflag:$0x8], $0x400, s11, s10, $0x38;
	[tilespmem:$0x1F100] =	vst v63  }
0x528: {  	s24 =	simm.s32 $0x16100;
	s23 =	sadd.s32 $0x600, s1  }
0x529: {  	[hbm4b:s23+s10] =	stream.strided.scatter [tilespmem:s24], [sflag:$0x8], $0x400, s11, s10, $0x38;
	[tilespmem:$0x1F100] =	vst v63  }
0x52a: {  	s25 =	sadd.s32 $0x640, s1;
	s26 =	simm.s32 $0x16500  }
0x52b: {  	[hbm4b:s25+s10] =	stream.strided.scatter [tilespmem:s26], [sflag:$0x8], $0x400, s11, s10, $0x38;
	[tilespmem:$0x1F100] =	vst v63  }
0x52c: {  	s28 =	sadd.s32 $0x680, s1;
	s29 =	simm.s32 $0x16900  }
0x52d: {  	[hbm4b:s28+s10] =	stream.strided.scatter [tilespmem:s29], [sflag:$0x8], $0x400, s11, s10, $0x38;
	[tilespmem:$0x1F100] =	vst v63  }
0x52e: {  	s30 =	sadd.s32 $0x6C0, s1;
	s31 =	simm.s32 $0x16D00  }
0x52f: {  	[hbm4b:s30+s10] =	stream.strided.scatter [tilespmem:s31], [sflag:$0x8], $0x400, s11, s10, $0x38;
	[tilespmem:$0x1F100] =	vst v63  }
0x530: {  	s2 =	sadd.s32 $0x700, s1;
	s3 =	simm.s32 $0x17100  }
0x531: {  	[hbm4b:s2+s10] =	stream.strided.scatter [tilespmem:s3], [sflag:$0x8], $0x400, s11, s10, $0x38;
	[tilespmem:$0x1F100] =	vst v63  }
0x532: {  	s4 =	sadd.s32 $0x740, s1;
	s5 =	simm.s32 $0x17500  }
0x533: {  	[hbm4b:s4+s10] =	stream.strided.scatter [tilespmem:s5], [sflag:$0x8], $0x400, s11, s10, $0x38;
	[tilespmem:$0x1F100] =	vst v63  }
0x534: {  	s6 =	sadd.s32 $0x900, s1;
	s8 =	simm.s32 $0x17900  }
0x535: {  	[hbm4b:s6+s10] =	stream.strided.scatter [tilespmem:s8], [sflag:$0x8], $0x400, s11, s10, $0x38;
	[tilespmem:$0x1F100] =	vst v63  }
0x536: {  	s9 =	sadd.s32 $0x940, s1;
	s12 =	simm.s32 $0x17D00  }
0x537: {  	[hbm4b:s9+s10] =	stream.strided.scatter [tilespmem:s12], [sflag:$0x8], $0x400, s11, s10, $0x38;
	[tilespmem:$0x1F100] =	vst v63  }
0x538: {  	s13 =	sadd.s32 $0x980, s1;
	s14 =	simm.s32 $0x18100  }
0x539: {  	[hbm4b:s13+s10] =	stream.strided.scatter [tilespmem:s14], [sflag:$0x8], $0x400, s11, s10, $0x38;
	[tilespmem:$0x1F100] =	vst v63  }
0x53a: {  	s15 =	sadd.s32 $0x9C0, s1;
	s16 =	simm.s32 $0x18500  }
0x53b: {  	[hbm4b:s15+s10] =	stream.strided.scatter [tilespmem:s16], [sflag:$0x8], $0x400, s11, s10, $0x38;
	[tilespmem:$0x1F100] =	vst v63  }
0x53c: {  	s17 =	sadd.s32 $0xA00, s1;
	s18 =	simm.s32 $0x18900  }
0x53d: {  	[hbm4b:s17+s10] =	stream.strided.scatter [tilespmem:s18], [sflag:$0x8], $0x400, s11, s10, $0x38;
	[tilespmem:$0x1F100] =	vst v63  }
0x53e: {  	s19 =	sadd.s32 $0xA40, s1;
	s20 =	simm.s32 $0x18D00;
	s21 =	simm.s32 $0x5  }
0x53f: {  	[hbm4b:s19+s10] =	stream.strided.scatter [tilespmem:s20], [sflag:$0x8], $0x400, s11, s10, $0x38;
	[tilespmem:$0x1F100] =	vst v63  }
0x540: {  	_ =	swait.ge [sflag:s21], $0x6000  }
0x541: {  	[sflag:s21] =	ssyncset.done $0x0  }
0x542: {  	s22 =	simm.s32 $0x9;
	[sflag:s21] =	ssyncadd.s32 $0xFFFFA000  }
0x543: {  	_ =	swait.ge [sflag:s22], $0x6000  }
0x544: {  	[sflag:s22] =	ssyncset.done $0x0  }
0x545: {  	s23 =	simm.s32 $0x6;
	[sflag:s22] =	ssyncadd.s32 $0xFFFFA000  }
0x546: {  	_ =	swait.ge [sflag:s23], $0x6000  }
0x547: {  	[sflag:s23] =	ssyncset.done $0x0  }
0x548: {  	s24 =	simm.s32 $0xA;
	[sflag:s23] =	ssyncadd.s32 $0xFFFFA000  }
0x549: {  	_ =	swait.ge [sflag:s24], $0x6000  }
0x54a: {  	[sflag:s24] =	ssyncset.done $0x0  }
0x54b: {  	s25 =	simm.s32 $0x7;
	[sflag:s24] =	ssyncadd.s32 $0xFFFFA000  }
0x54c: {  	_ =	swait.ge [sflag:s25], $0x6000  }
0x54d: {  	[sflag:s25] =	ssyncset.done $0x0  }
0x54e: {  	s26 =	simm.s32 $0xB;
	[sflag:s25] =	ssyncadd.s32 $0xFFFFA000  }
0x54f: {  	_ =	swait.ge [sflag:s26], $0x6000  }
0x550: {  	[sflag:s26] =	ssyncset.done $0x0  }
0x551: {  	s28 =	simm.s32 $0x8;
	[sflag:s26] =	ssyncadd.s32 $0xFFFFA000  }
0x552: {  	_ =	swait.ge [sflag:s28], $0x6000  }
0x553: {  	[sflag:s28] =	ssyncset.done $0x0  }
0x554: {  	s29 =	simm.s32 $0xC;
	[sflag:s28] =	ssyncadd.s32 $0xFFFFA000  }
0x555: {  	_ =	swait.ge [sflag:s29], $0x6000  }
0x556: {  	s30 =	rddreg [dreg:$0x1a]  }
0x557: {  	s31 =	rddreg [dreg:$0x19];
	s1 =	sadd.s32 $0x1, s30  }
0x558: {  	p0 =	sne.s32 s1, s31  }
.Ltmp2:
0x559: {  	_ = 	snop;
	(pc) =	sbr.rel @p0 .LBB2_1-.Ltmp2, $3  }
0x55a: {  	_ =	sdelay $0x1  }
0x55b: {  	[sflag:s29] =	ssyncset.done $0x0  }
0x55c: {  	vm10 =	vcmask $0xF0C;
	[sflag:s29] =	ssyncadd.s32 $0xFFFFA000  }
0x55d: {  	_ =	sfence.sel $0x180000  }
0x55e: {  	[bflag:$0x0] =	sbarrier.arrive $0xFFFF  }
0x55f: {  	_ =	strace $0x90000047  }
0x560: {  	s0 =	stileid.u32;
	[bflag:$0x2] =	sbarrier.arrive $0xFFFF  }
0x561: {  	p0 =	sne.s32 s0, $0x0;
	s0 =	rddreg [dreg:$0x2]  }
0x562: {  	s0 =	sadd.s32 @!p0 $0x100000, s0  }
0x563: {  	[sflag:s0] =	ssyncadd.tile.s32 @!p0 $0x1;
	_ =	shalt  }
.Lfunc_end2:
_tile_overlayer_lowered:
.L_overlay_start_2:
0x564: {  	(tag) =	ssettag $0x2  }
0x565: {  	s0 =	rddreg [dreg:$0x0];
	s2 =	stileid.u32  }
0x566: {  	s1 =	rddreg [dreg:$0x1];
	p0 =	sne.s32 s2, $0x0  }
0x567: {  	s3 =	rddreg [dreg:$0x2];
	[bflag:$0x3] =	sbarrier.arrive $0xFFFF;
	s2 =	simm.s32 @!p0 $0x1C0D  }
0x568: {  	[timem:s3], [sflag:s2] =	dma.local @!p0 [hbm:s0], s1  }
0x569: {  	s0 =	simm.s32 @!p0 $0xD  }
0x56a: {  	_ =	swait.ge @!p0 [sflag:s0], s1  }
0x56b: {  	s1 =	ssub.s32 @!p0 $0x0, s1;
	[sflag:s0] =	ssyncset.done @!p0 $0x0  }
0x56c: {  	[sflag:s0] =	ssyncadd.s32 @!p0 s1  }
0x56d: {  	[bflag:$0x3] =	sbarrier.arrive $0xFFFF  }
0x56e: {  	_ =	shalt  }

</sc_bundles>
